<compile_context>
chip_gen: v7x
topology: tpu7x:2x2x1
jax: 0.10.2.dev20260603
libtpu: 0.0.44.dev20260713+nightly
codegen_flags: <defaults>
</compile_context>

<pallas_src>
import functools

import jax
import jax.numpy as jnp
from jax import lax
from jax.experimental import pallas as pl
from jax.experimental.pallas import tpu as pltpu
from jax.experimental.pallas import tpu_sc as plsc

N = 10000
E = 320000
F = 128
H = 256
C = 64
K = 64

NC = 2
NS = 16
NW = NC * NS
CH = 128
CHW_D = 80
CHW_P = 160
EPW = CHW_D * CH
E_PAD = NW * EPW
N_ACC = N + 112
RPT = N_ACC // NS
RPN = N // NS
DW = 8
HW = 32
NBUF = 8
PF = 4
NGRP_D = CHW_D // NBUF
NGRP_P = CHW_P // NBUF


@functools.cache
def _make_deg_kernel():
    mesh = plsc.VectorSubcoreMesh(core_axis_name="c", subcore_axis_name="s")

    @functools.partial(
        pl.kernel,
        mesh=mesh,
        out_type=jax.ShapeDtypeStruct((NC, N_ACC, DW), jnp.float32),
        scratch_types=[
            pltpu.VMEM((CHW_D, CH), jnp.int32),
            pltpu.VMEM((CH, DW), jnp.float32),
            pltpu.VMEM_SHARED((N_ACC, DW), jnp.float32),
        ] + [pltpu.SemaphoreType.DMA] * NBUF,
        compiler_params=pltpu.CompilerParams(use_tc_tiling_on_sc=False),
    )
    def _deg_kernel(dst_hbm, ones_hbm, zeros_hbm, out_hbm, didx, ones_v, acc,
                    *sems):
        c = lax.axis_index("c")
        s = lax.axis_index("s")
        wid = s * NC + c
        pltpu.sync_copy(zeros_hbm.at[pl.ds(s * RPT, RPT)],
                        acc.at[pl.ds(s * RPT, RPT)])
        pltpu.sync_copy(ones_hbm, ones_v)
        pltpu.sync_copy(dst_hbm.at[wid], didx)
        plsc.subcore_barrier()

        def grp(g, carry):
            for b in range(NBUF):
                i = g * NBUF + b

                @pl.when(g > 0)
                def _wait_prev():
                    pltpu.make_async_copy(
                        ones_v, acc.at[didx.at[i]], sems[b]).wait()

                pltpu.async_copy(ones_v, acc.at[didx.at[i]], sems[b], add=True)
            return carry

        lax.fori_loop(0, NGRP_D, grp, 0)
        for b in range(NBUF):
            pltpu.make_async_copy(ones_v, acc.at[didx.at[b]], sems[b]).wait()
        plsc.subcore_barrier()
        pltpu.sync_copy(acc.at[pl.ds(s * RPT, RPT)],
                        out_hbm.at[c, pl.ds(s * RPT, RPT)])

    return _deg_kernel


@functools.cache
def _make_prop_kernel():
    mesh = plsc.VectorSubcoreMesh(core_axis_name="c", subcore_axis_name="s")

    @functools.partial(
        pl.kernel,
        mesh=mesh,
        out_type=jax.ShapeDtypeStruct((NC, N_ACC, HW), jnp.float32),
        scratch_types=[
            pltpu.VMEM((CHW_P, CH), jnp.int32),
            pltpu.VMEM((CHW_P, CH), jnp.int32),
            pltpu.VMEM((NBUF, CH, HW), jnp.float32),
            pltpu.VMEM_SHARED((N_ACC, HW), jnp.float32),
            pltpu.VMEM_SHARED((N, HW), jnp.float32),
        ] + [pltpu.SemaphoreType.DMA] * (2 * NBUF),
        compiler_params=pltpu.CompilerParams(use_tc_tiling_on_sc=False),
    )
    def _prop_kernel(table_hbm, src_hbm, dst_hbm, zeros_hbm, out_hbm,
                     sidx, didx, rows, acc, tbl, *sems):
        gsem = sems[:NBUF]
        ssem = sems[NBUF:]
        c = lax.axis_index("c")
        s = lax.axis_index("s")
        pltpu.sync_copy(zeros_hbm.at[pl.ds(s * RPT, RPT)],
                        acc.at[pl.ds(s * RPT, RPT)])
        pltpu.sync_copy(table_hbm.at[pl.ds(s * RPN, RPN), pl.ds(c * HW, HW)],
                        tbl.at[pl.ds(s * RPN, RPN)])
        pltpu.sync_copy(src_hbm.at[s], sidx)
        pltpu.sync_copy(dst_hbm.at[s], didx)
        plsc.subcore_barrier()
        for b in range(PF):
            pltpu.async_copy(tbl.at[sidx.at[b]], rows.at[b], gsem[b])

        def grp(g, carry):
            for b in range(NBUF):
                i = g * NBUF + b
                bb = (b + PF) % NBUF
                j = i + PF
                pltpu.make_async_copy(
                    tbl.at[sidx.at[i]], rows.at[b], gsem[b]).wait()
                pltpu.async_copy(rows.at[b], acc.at[didx.at[i]], ssem[b],
                                 add=True)

                @pl.when(j < CHW_P)
                def _prefetch():
                    @pl.when(i >= NBUF - PF)
                    def _wait_scatter():
                        pltpu.make_async_copy(
                            rows.at[bb], acc.at[didx.at[i]], ssem[bb]).wait()

                    pltpu.async_copy(tbl.at[sidx.at[j]], rows.at[bb],
                                     gsem[bb])
            return carry

        lax.fori_loop(0, NGRP_P, grp, 0)
        for b in range(NBUF):
            pltpu.make_async_copy(
                rows.at[b], acc.at[didx.at[b]], ssem[b]).wait()
        plsc.subcore_barrier()
        pltpu.sync_copy(acc.at[pl.ds(s * RPT, RPT)],
                        out_hbm.at[c, pl.ds(s * RPT, RPT)])

    return _prop_kernel



def _compact_body(logits_ref, x_ref, w1_ref, xc_ref, w1c_ref):
    soft = jax.nn.sigmoid(logits_ref[...])
    a = soft[:, None]
    b = soft[None, :]
    i2 = lax.broadcasted_iota(jnp.int32, (F, F), 0)
    j2 = lax.broadcasted_iota(jnp.int32, (F, F), 1)
    beats = (b > a) | ((b == a) & (j2 < i2))
    rank = jnp.sum(beats.astype(jnp.int32), axis=1)
    sel = rank < K
    before = sel[None, :] & (j2 < i2)
    pos = jnp.sum(before.astype(jnp.int32), axis=1)
    kk = lax.broadcasted_iota(jnp.int32, (F, K), 1)
    P = (sel[:, None] & (pos[:, None] == kk)).astype(jnp.float32)
    xc_ref[...] = jnp.dot(x_ref[...], P, preferred_element_type=jnp.float32)
    w1c_ref[...] = lax.dot_general(
        P, w1_ref[...], (((0,), (0,)), ((), ())),
        preferred_element_type=jnp.float32)


def _prep_body(ei_ref, src_ref, dst_ref):
    src_ref[pl.ds(0, E)] = ei_ref[0, :]
    dst_ref[pl.ds(0, E)] = ei_ref[1, :]
    src_ref[pl.ds(E, E_PAD - E)] = jnp.zeros((E_PAD - E,), jnp.int32)
    dst_ref[pl.ds(E, E_PAD - E)] = jnp.full((E_PAD - E,), N, jnp.int32)


def _scale_body(dc_ref, xc_ref, xt_ref, dinv_ref):
    dc0 = dc_ref[0, pl.ds(0, N), pl.ds(0, 1)]
    dc1 = dc_ref[1, pl.ds(0, N), pl.ds(0, 1)]
    deg = dc0 + dc1 + 1.0
    dinv = lax.rsqrt(jnp.maximum(deg, 1e-12))
    dinv_ref[...] = dinv
    xt_ref[...] = xc_ref[...] * dinv


def _mid_body(s1a_ref, s1b_ref, xt_ref, dinv_ref, w1c_ref, b1_ref, w2_ref,
              gt_ref):
    dinv = dinv_ref[...]
    s1 = jnp.concatenate([s1a_ref[0], s1b_ref[0]], axis=1)
    xp = (s1 + xt_ref[...]) * dinv
    h = jnp.dot(xp, w1c_ref[...], preferred_element_type=jnp.float32)
    h = jnp.maximum(h + b1_ref[...], 0.0)
    g = jnp.dot(h, w2_ref[...], preferred_element_type=jnp.float32)
    gt_ref[...] = g * dinv


def _out_body(s2_ref, gt_ref, dinv_ref, b2_ref, out_ref):
    s2 = jnp.concatenate([s2_ref[0, pl.ds(0, N)], s2_ref[1, pl.ds(0, N)]],
                         axis=1)
    out_ref[...] = (s2 + gt_ref[...]) * dinv_ref[...] + b2_ref[...]


_MB = 2000


def kernel(x, edge_index, feature_logits, W1, b1, W2, b2):
    srcp, dstp = pl.pallas_call(
        _prep_body,
        out_shape=(jax.ShapeDtypeStruct((E_PAD,), jnp.int32),
                   jax.ShapeDtypeStruct((E_PAD,), jnp.int32)),
    )(edge_index)
    dst_d = dstp.reshape(NW, CHW_D, CH)
    src_p = srcp.reshape(NS, CHW_P, CH)
    dst_p = dstp.reshape(NS, CHW_P, CH)
    zeros_h = jnp.zeros((N_ACC, HW), jnp.float32)
    zeros_d = jnp.zeros((N_ACC, DW), jnp.float32)
    ones_ch = jnp.ones((CH, DW), jnp.float32)

    dc = _make_deg_kernel()(dst_d, ones_ch, zeros_d)

    xc, w1c = pl.pallas_call(
        _compact_body,
        out_shape=(jax.ShapeDtypeStruct((N, K), jnp.float32),
                   jax.ShapeDtypeStruct((K, H), jnp.float32)),
    )(feature_logits, x, W1)

    xt, dinv = pl.pallas_call(
        _scale_body,
        out_shape=(jax.ShapeDtypeStruct((N, K), jnp.float32),
                   jax.ShapeDtypeStruct((N, 1), jnp.float32)),
    )(dc, xc)

    s1 = _make_prop_kernel()(xt, src_p, dst_p, zeros_h)

    gt = pl.pallas_call(
        _mid_body,
        grid=(N // _MB,),
        in_specs=[
            pl.BlockSpec((1, _MB, HW), lambda i: (0, i, 0)),
            pl.BlockSpec((1, _MB, HW), lambda i: (1, i, 0)),
            pl.BlockSpec((_MB, K), lambda i: (i, 0)),
            pl.BlockSpec((_MB, 1), lambda i: (i, 0)),
            pl.BlockSpec((K, H), lambda i: (0, 0)),
            pl.BlockSpec((1, H), lambda i: (0, 0)),
            pl.BlockSpec((H, C), lambda i: (0, 0)),
        ],
        out_specs=pl.BlockSpec((_MB, C), lambda i: (i, 0)),
        out_shape=jax.ShapeDtypeStruct((N, C), jnp.float32),
    )(s1, s1, xt, dinv, w1c, b1.reshape(1, H), W2)

    s2 = _make_prop_kernel()(gt, src_p, dst_p, zeros_h)

    out = pl.pallas_call(
        _out_body,
        out_shape=jax.ShapeDtypeStruct((N, C), jnp.float32),
    )(s2, gt, dinv, b2.reshape(1, C))
    return out

# --- scband reference (transcript-rebuilt; emitter-appended) ---
"""Pipeline reference for scband-masked-gcn-55679956025582 (READ-ONLY COPY).

The authoritative reference and input builder live on the scoring server;
editing this copy changes nothing except your own understanding.
"""

import jax, jax.numpy as jnp
import numpy as np

N = 10000
E = 320000
F = 128
H = 256
C = 64
K = 64


def setup_inputs(seed: int = 0) -> dict:
    key = jax.random.key(seed)
    ks = jax.random.split(key, 6)
    x = jax.random.normal(ks[0], (N, F), dtype=jnp.float32)
    edge_index = jax.random.randint(ks[1], (2, E), 0, N, dtype=jnp.int32)
    feature_logits = 0.01 * jax.random.normal(ks[2], (F,), dtype=jnp.float32)
    W1 = jax.random.normal(ks[3], (F, H), dtype=jnp.float32) * (1.0 / np.sqrt(F))
    b1 = jnp.zeros((H,), dtype=jnp.float32)
    W2 = jax.random.normal(ks[4], (H, C), dtype=jnp.float32) * (1.0 / np.sqrt(H))
    b2 = jnp.zeros((C,), dtype=jnp.float32)
    return {"x": x, "edge_index": edge_index, "feature_logits": feature_logits,
            "W1": W1, "b1": b1, "W2": W2, "b2": b2}


def _gcn_conv(x, src, dst, W, b, n):
    # PyG-style GCNConv: symmetric normalization with self-loops (loops appended by caller)
    h = x @ W
    ones = jnp.ones((src.shape[0],), dtype=x.dtype)
    deg = jax.ops.segment_sum(ones, dst, num_segments=n)
    dinv = jax.lax.rsqrt(jnp.maximum(deg, 1e-12))
    norm = dinv[src] * dinv[dst]
    msg = h[src] * norm[:, None]
    out = jax.ops.segment_sum(msg, dst, num_segments=n)
    return out + b


def reference(x, edge_index, feature_logits, W1, b1, W2, b2):
    n = x.shape[0]
    # get_mask(): straight-through hard top-k mask
    soft_mask = jax.nn.sigmoid(feature_logits)
    _, top_idx = jax.lax.top_k(soft_mask, K)
    hard_mask = jnp.zeros_like(soft_mask).at[top_idx].set(1.0)
    mask = hard_mask + soft_mask - jax.lax.stop_gradient(soft_mask)
    x_masked = x * mask
    # GCN (eval mode: dropout disabled)
    loop = jnp.arange(n, dtype=edge_index.dtype)
    src = jnp.concatenate([edge_index[0], loop])
    dst = jnp.concatenate([edge_index[1], loop])
    h = jax.nn.relu(_gcn_conv(x_masked, src, dst, W1, b1, n))
    out = _gcn_conv(h, src, dst, W2, b2, n)
    return out

if __name__ == "__main__":
    import jax
    _d = setup_inputs()
    print(jax.jit(kernel)(*tuple(_d.values())))

</pallas_src>

<mosaic_0001>
#map = affine_map<(d0, d1) -> (0, 0, 0)>
#map1 = affine_map<(d0, d1) -> (0, 0)>
module attributes {stable_mosaic.version = 14 : i64} {
  func.func @_deg_kernel(%arg0: i32, %arg1: i32, %arg2: memref<32x80x128xi32, #tpu.memory_space<hbm>>, %arg3: memref<128x8xf32, #tpu.memory_space<hbm>>, %arg4: memref<10112x8xf32, #tpu.memory_space<hbm>>, %arg5: memref<2x10112x8xf32, #tpu.memory_space<hbm>>, %arg6: memref<80x128xi32, #tpu.memory_space<vmem>>, %arg7: memref<128x8xf32, #tpu.memory_space<vmem>>, %arg8: memref<10112x8xf32, #tpu.memory_space<vmem_shared>>, %arg9: memref<!tpu.dma_semaphore, #tpu.memory_space<semaphore_mem>>, %arg10: memref<!tpu.dma_semaphore, #tpu.memory_space<semaphore_mem>>, %arg11: memref<!tpu.dma_semaphore, #tpu.memory_space<semaphore_mem>>, %arg12: memref<!tpu.dma_semaphore, #tpu.memory_space<semaphore_mem>>, %arg13: memref<!tpu.dma_semaphore, #tpu.memory_space<semaphore_mem>>, %arg14: memref<!tpu.dma_semaphore, #tpu.memory_space<semaphore_mem>>, %arg15: memref<!tpu.dma_semaphore, #tpu.memory_space<semaphore_mem>>, %arg16: memref<!tpu.dma_semaphore, #tpu.memory_space<semaphore_mem>>) attributes {dimension_semantics = [#tpu.dimension_semantics<core_parallel>, #tpu.dimension_semantics<subcore_parallel>], iteration_bounds = array<i64: 2, 16>, scalar_prefetch = 0 : i64, scratch_operands = 11 : i64, tpu.core_type = #tpu.core_type<sc_vector_subcore>, window_params = [{transform_indices = #map}, {transform_indices = #map1}, {transform_indices = #map1}, {transform_indices = #map}]} {
    %mul3A = arith.constant 2 : i32
    %mul3A_0 = arith.muli %arg1, %mul3A : i32
    %add3A = arith.addi %mul3A_0, %arg0 : i32
    %mul3A_1 = arith.constant 632 : i32
    %mul3A_2 = arith.muli %arg1, %mul3A_1 : i32
    %mul3A_3 = arith.constant 632 : i32
    %mul3A_4 = arith.muli %arg1, %mul3A_3 : i32
    "tpu.region"() ({
      %run_scoped3A = tpu.sem_alloc : memref<!tpu.dma_semaphore, #tpu.memory_space<semaphore_mem>>
      %dma_start3A = arith.constant 0 : i32
      %dma_start3A_70 = tpu.memref_slice %arg8[%mul3A_4, %dma_start3A] : memref<10112x8xf32, #tpu.memory_space<vmem_shared>> -> memref<632x8xf32, #tpu.memory_space<vmem_shared>>
      %dma_start3A_71 = arith.constant 0 : i32
      %dma_start3A_72 = tpu.memref_slice %arg4[%mul3A_2, %dma_start3A_71] : memref<10112x8xf32, #tpu.memory_space<hbm>> -> memref<632x8xf32, #tpu.memory_space<hbm>>
      tpu.enqueue_dma source(%dma_start3A_72 : memref<632x8xf32, #tpu.memory_space<hbm>>) target(%dma_start3A_70 : memref<632x8xf32, #tpu.memory_space<vmem_shared>>) target_semaphore(%run_scoped3A : memref<!tpu.dma_semaphore, #tpu.memory_space<semaphore_mem>>)
      %dma_wait3A_73 = arith.constant 0 : i32
      %dma_wait3A_74 = tpu.memref_slice %arg8[%mul3A_4, %dma_wait3A_73] : memref<10112x8xf32, #tpu.memory_space<vmem_shared>> -> memref<632x8xf32, #tpu.memory_space<vmem_shared>>
      %dma_wait3A_75 = arith.constant 0 : i32
      %dma_wait3A_76 = tpu.memref_slice %arg4[%mul3A_2, %dma_wait3A_75] : memref<10112x8xf32, #tpu.memory_space<hbm>> -> memref<632x8xf32, #tpu.memory_space<hbm>>
      tpu.wait_dma2 semaphore(%run_scoped3A : memref<!tpu.dma_semaphore, #tpu.memory_space<semaphore_mem>>) src(%dma_wait3A_76 : memref<632x8xf32, #tpu.memory_space<hbm>>) dst(%dma_wait3A_74 : memref<632x8xf32, #tpu.memory_space<vmem_shared>>)
      tpu.yield
    }) : () -> ()
    "tpu.region"() ({
      %run_scoped3A = tpu.sem_alloc : memref<!tpu.dma_semaphore, #tpu.memory_space<semaphore_mem>>
      tpu.enqueue_dma source(%arg3 : memref<128x8xf32, #tpu.memory_space<hbm>>) target(%arg7 : memref<128x8xf32, #tpu.memory_space<vmem>>) target_semaphore(%run_scoped3A : memref<!tpu.dma_semaphore, #tpu.memory_space<semaphore_mem>>)
      tpu.wait_dma2 semaphore(%run_scoped3A : memref<!tpu.dma_semaphore, #tpu.memory_space<semaphore_mem>>) src(%arg3 : memref<128x8xf32, #tpu.memory_space<hbm>>) dst(%arg7 : memref<128x8xf32, #tpu.memory_space<vmem>>)
      tpu.yield
    }) : () -> ()
    "tpu.region"() ({
      %run_scoped3A = tpu.sem_alloc : memref<!tpu.dma_semaphore, #tpu.memory_space<semaphore_mem>>
      %dma_start3A = arith.constant 0 : i32
      %dma_start3A_70 = arith.constant 0 : i32
      %dma_start3A_71 = tpu.memref_slice %arg2[%add3A, %dma_start3A, %dma_start3A_70] : memref<32x80x128xi32, #tpu.memory_space<hbm>> -> memref<1x80x128xi32, #tpu.memory_space<hbm>>
      %dma_start3A_72 = tpu.memref_squeeze %dma_start3A_71 : memref<1x80x128xi32, #tpu.memory_space<hbm>> -> memref<80x128xi32, #tpu.memory_space<hbm>>
      %dma_start3A_73 = arith.constant 0 : i32
      %dma_start3A_74 = arith.constant 0 : i32
      %dma_start3A_75 = tpu.memref_slice %arg2[%add3A, %dma_start3A_73, %dma_start3A_74] : memref<32x80x128xi32, #tpu.memory_space<hbm>> -> memref<1x80x128xi32, #tpu.memory_space<hbm>>
      %dma_start3A_76 = tpu.memref_squeeze %dma_start3A_75 : memref<1x80x128xi32, #tpu.memory_space<hbm>> -> memref<80x128xi32, #tpu.memory_space<hbm>>
      tpu.enqueue_dma source(%dma_start3A_76 : memref<80x128xi32, #tpu.memory_space<hbm>>) target(%arg6 : memref<80x128xi32, #tpu.memory_space<vmem>>) target_semaphore(%run_scoped3A : memref<!tpu.dma_semaphore, #tpu.memory_space<semaphore_mem>>)
      %dma_wait3A_77 = arith.constant 0 : i32
      %dma_wait3A_78 = arith.constant 0 : i32
      %dma_wait3A_79 = tpu.memref_slice %arg2[%add3A, %dma_wait3A_77, %dma_wait3A_78] : memref<32x80x128xi32, #tpu.memory_space<hbm>> -> memref<1x80x128xi32, #tpu.memory_space<hbm>>
      %dma_wait3A_80 = tpu.memref_squeeze %dma_wait3A_79 : memref<1x80x128xi32, #tpu.memory_space<hbm>> -> memref<80x128xi32, #tpu.memory_space<hbm>>
      %dma_wait3A_81 = arith.constant 0 : i32
      %dma_wait3A_82 = arith.constant 0 : i32
      %dma_wait3A_83 = tpu.memref_slice %arg2[%add3A, %dma_wait3A_81, %dma_wait3A_82] : memref<32x80x128xi32, #tpu.memory_space<hbm>> -> memref<1x80x128xi32, #tpu.memory_space<hbm>>
      %dma_wait3A_84 = tpu.memref_squeeze %dma_wait3A_83 : memref<1x80x128xi32, #tpu.memory_space<hbm>> -> memref<80x128xi32, #tpu.memory_space<hbm>>
      tpu.wait_dma2 semaphore(%run_scoped3A : memref<!tpu.dma_semaphore, #tpu.memory_space<semaphore_mem>>) src(%dma_wait3A_84 : memref<80x128xi32, #tpu.memory_space<hbm>>) dst(%arg6 : memref<80x128xi32, #tpu.memory_space<vmem>>)
      tpu.yield
    }) : () -> ()
    %barrier3A = arith.constant 0 : index
    tpu.barrier barrier_id(%barrier3A)
    %scan3A = arith.constant 0 : i32
    %scan3A_5 = arith.constant 0 : i32
    %scan3A_6 = arith.constant 10 : i32
    %scan3A_7 = arith.addi %scan3A_5, %scan3A_6 : i32
    %scan3A_8 = arith.constant 1 : i32
    scf.for %scan3A_70 = %scan3A_5 to %scan3A_7 step %scan3A_8  : i32 {
      %mul3A_71 = arith.constant 8 : i32
      %mul3A_72 = arith.muli %scan3A_70, %mul3A_71 : i32
      %add3A_73 = arith.constant 0 : i32
      %add3A_74 = arith.addi %mul3A_72, %add3A_73 : i32
      %gt3A = arith.constant 0 : i32
      %gt3A_75 = arith.cmpi sgt, %scan3A_70, %gt3A : i32
      %convert_element_type3A = arith.extui %gt3A_75 : i1 to i32
      %cond3A = arith.constant 0 : i32
      %cond3A_76 = arith.cmpi ne, %convert_element_type3A, %cond3A : i32
      scf.if %cond3A_76 {
        %dma_wait3A_187 = arith.constant 0 : i32
        %dma_wait3A_188 = tpu.memref_slice %arg6[%add3A_74, %dma_wait3A_187] : memref<80x128xi32, #tpu.memory_space<vmem>> -> memref<1x128xi32, #tpu.memory_space<vmem>>
        %dma_wait3A_189 = tpu.memref_squeeze %dma_wait3A_188 : memref<1x128xi32, #tpu.memory_space<vmem>> -> memref<128xi32, #tpu.memory_space<vmem>>
        %dma_wait3A_190 = arith.constant 0 : i32
        %dma_wait3A_191 = arith.constant 0 : i32
        %dma_wait3A_192 = tpu.memref_slice %arg8[%dma_wait3A_190, %dma_wait3A_191] : memref<10112x8xf32, #tpu.memory_space<vmem_shared>> -> memref<10112x8xf32, #tpu.memory_space<vmem_shared>>
        tpu.wait_indirect_dma semaphore(%arg9 : memref<!tpu.dma_semaphore, #tpu.memory_space<semaphore_mem>>) src(%arg7 : memref<128x8xf32, #tpu.memory_space<vmem>>) dst(%dma_wait3A_192 : memref<10112x8xf32, #tpu.memory_space<vmem_shared>>)
      } else {
      }
      %dma_start3A = arith.constant 0 : i32
      %dma_start3A_77 = tpu.memref_slice %arg6[%add3A_74, %dma_start3A] : memref<80x128xi32, #tpu.memory_space<vmem>> -> memref<1x128xi32, #tpu.memory_space<vmem>>
      %dma_start3A_78 = tpu.memref_squeeze %dma_start3A_77 : memref<1x128xi32, #tpu.memory_space<vmem>> -> memref<128xi32, #tpu.memory_space<vmem>>
      %dma_start3A_79 = arith.constant 0 : i32
      %dma_start3A_80 = arith.constant 0 : i32
      %dma_start3A_81 = tpu.memref_slice %arg8[%dma_start3A_79, %dma_start3A_80] : memref<10112x8xf32, #tpu.memory_space<vmem_shared>> -> memref<10112x8xf32, #tpu.memory_space<vmem_shared>>
      tpu.enqueue_indirect_dma source(%arg7 : memref<128x8xf32, #tpu.memory_space<vmem>>) target(%dma_start3A_81 : memref<10112x8xf32, #tpu.memory_space<vmem_shared>>) offsets(%dma_start3A_78 : memref<128xi32, #tpu.memory_space<vmem>>) semaphore(%arg9 : memref<!tpu.dma_semaphore, #tpu.memory_space<semaphore_mem>>) {add = true}
      %mul3A_82 = arith.constant 8 : i32
      %mul3A_83 = arith.muli %scan3A_70, %mul3A_82 : i32
      %add3A_84 = arith.constant 1 : i32
      %add3A_85 = arith.addi %mul3A_83, %add3A_84 : i32
      %gt3A_86 = arith.constant 0 : i32
      %gt3A_87 = arith.cmpi sgt, %scan3A_70, %gt3A_86 : i32
      %convert_element_type3A_88 = arith.extui %gt3A_87 : i1 to i32
      %cond3A_89 = arith.constant 0 : i32
      %cond3A_90 = arith.cmpi ne, %convert_element_type3A_88, %cond3A_89 : i32
      scf.if %cond3A_90 {
        %dma_wait3A_187 = arith.constant 0 : i32
        %dma_wait3A_188 = tpu.memref_slice %arg6[%add3A_85, %dma_wait3A_187] : memref<80x128xi32, #tpu.memory_space<vmem>> -> memref<1x128xi32, #tpu.memory_space<vmem>>
        %dma_wait3A_189 = tpu.memref_squeeze %dma_wait3A_188 : memref<1x128xi32, #tpu.memory_space<vmem>> -> memref<128xi32, #tpu.memory_space<vmem>>
        %dma_wait3A_190 = arith.constant 0 : i32
        %dma_wait3A_191 = arith.constant 0 : i32
        %dma_wait3A_192 = tpu.memref_slice %arg8[%dma_wait3A_190, %dma_wait3A_191] : memref<10112x8xf32, #tpu.memory_space<vmem_shared>> -> memref<10112x8xf32, #tpu.memory_space<vmem_shared>>
        tpu.wait_indirect_dma semaphore(%arg10 : memref<!tpu.dma_semaphore, #tpu.memory_space<semaphore_mem>>) src(%arg7 : memref<128x8xf32, #tpu.memory_space<vmem>>) dst(%dma_wait3A_192 : memref<10112x8xf32, #tpu.memory_space<vmem_shared>>)
      } else {
      }
      %dma_start3A_91 = arith.constant 0 : i32
      %dma_start3A_92 = tpu.memref_slice %arg6[%add3A_85, %dma_start3A_91] : memref<80x128xi32, #tpu.memory_space<vmem>> -> memref<1x128xi32, #tpu.memory_space<vmem>>
      %dma_start3A_93 = tpu.memref_squeeze %dma_start3A_92 : memref<1x128xi32, #tpu.memory_space<vmem>> -> memref<128xi32, #tpu.memory_space<vmem>>
      %dma_start3A_94 = arith.constant 0 : i32
      %dma_start3A_95 = arith.constant 0 : i32
      %dma_start3A_96 = tpu.memref_slice %arg8[%dma_start3A_94, %dma_start3A_95] : memref<10112x8xf32, #tpu.memory_space<vmem_shared>> -> memref<10112x8xf32, #tpu.memory_space<vmem_shared>>
      tpu.enqueue_indirect_dma source(%arg7 : memref<128x8xf32, #tpu.memory_space<vmem>>) target(%dma_start3A_96 : memref<10112x8xf32, #tpu.memory_space<vmem_shared>>) offsets(%dma_start3A_93 : memref<128xi32, #tpu.memory_space<vmem>>) semaphore(%arg10 : memref<!tpu.dma_semaphore, #tpu.memory_space<semaphore_mem>>) {add = true}
      %mul3A_97 = arith.constant 8 : i32
      %mul3A_98 = arith.muli %scan3A_70, %mul3A_97 : i32
      %add3A_99 = arith.constant 2 : i32
      %add3A_100 = arith.addi %mul3A_98, %add3A_99 : i32
      %gt3A_101 = arith.constant 0 : i32
      %gt3A_102 = arith.cmpi sgt, %scan3A_70, %gt3A_101 : i32
      %convert_element_type3A_103 = arith.extui %gt3A_102 : i1 to i32
      %cond3A_104 = arith.constant 0 : i32
      %cond3A_105 = arith.cmpi ne, %convert_element_type3A_103, %cond3A_104 : i32
      scf.if %cond3A_105 {
        %dma_wait3A_187 = arith.constant 0 : i32
        %dma_wait3A_188 = tpu.memref_slice %arg6[%add3A_100, %dma_wait3A_187] : memref<80x128xi32, #tpu.memory_space<vmem>> -> memref<1x128xi32, #tpu.memory_space<vmem>>
        %dma_wait3A_189 = tpu.memref_squeeze %dma_wait3A_188 : memref<1x128xi32, #tpu.memory_space<vmem>> -> memref<128xi32, #tpu.memory_space<vmem>>
        %dma_wait3A_190 = arith.constant 0 : i32
        %dma_wait3A_191 = arith.constant 0 : i32
        %dma_wait3A_192 = tpu.memref_slice %arg8[%dma_wait3A_190, %dma_wait3A_191] : memref<10112x8xf32, #tpu.memory_space<vmem_shared>> -> memref<10112x8xf32, #tpu.memory_space<vmem_shared>>
        tpu.wait_indirect_dma semaphore(%arg11 : memref<!tpu.dma_semaphore, #tpu.memory_space<semaphore_mem>>) src(%arg7 : memref<128x8xf32, #tpu.memory_space<vmem>>) dst(%dma_wait3A_192 : memref<10112x8xf32, #tpu.memory_space<vmem_shared>>)
      } else {
      }
      %dma_start3A_106 = arith.constant 0 : i32
      %dma_start3A_107 = tpu.memref_slice %arg6[%add3A_100, %dma_start3A_106] : memref<80x128xi32, #tpu.memory_space<vmem>> -> memref<1x128xi32, #tpu.memory_space<vmem>>
      %dma_start3A_108 = tpu.memref_squeeze %dma_start3A_107 : memref<1x128xi32, #tpu.memory_space<vmem>> -> memref<128xi32, #tpu.memory_space<vmem>>
      %dma_start3A_109 = arith.constant 0 : i32
      %dma_start3A_110 = arith.constant 0 : i32
      %dma_start3A_111 = tpu.memref_slice %arg8[%dma_start3A_109, %dma_start3A_110] : memref<10112x8xf32, #tpu.memory_space<vmem_shared>> -> memref<10112x8xf32, #tpu.memory_space<vmem_shared>>
      tpu.enqueue_indirect_dma source(%arg7 : memref<128x8xf32, #tpu.memory_space<vmem>>) target(%dma_start3A_111 : memref<10112x8xf32, #tpu.memory_space<vmem_shared>>) offsets(%dma_start3A_108 : memref<128xi32, #tpu.memory_space<vmem>>) semaphore(%arg11 : memref<!tpu.dma_semaphore, #tpu.memory_space<semaphore_mem>>) {add = true}
      %mul3A_112 = arith.constant 8 : i32
      %mul3A_113 = arith.muli %scan3A_70, %mul3A_112 : i32
      %add3A_114 = arith.constant 3 : i32
      %add3A_115 = arith.addi %mul3A_113, %add3A_114 : i32
      %gt3A_116 = arith.constant 0 : i32
      %gt3A_117 = arith.cmpi sgt, %scan3A_70, %gt3A_116 : i32
      %convert_element_type3A_118 = arith.extui %gt3A_117 : i1 to i32
      %cond3A_119 = arith.constant 0 : i32
      %cond3A_120 = arith.cmpi ne, %convert_element_type3A_118, %cond3A_119 : i32
      scf.if %cond3A_120 {
        %dma_wait3A_187 = arith.constant 0 : i32
        %dma_wait3A_188 = tpu.memref_slice %arg6[%add3A_115, %dma_wait3A_187] : memref<80x128xi32, #tpu.memory_space<vmem>> -> memref<1x128xi32, #tpu.memory_space<vmem>>
        %dma_wait3A_189 = tpu.memref_squeeze %dma_wait3A_188 : memref<1x128xi32, #tpu.memory_space<vmem>> -> memref<128xi32, #tpu.memory_space<vmem>>
        %dma_wait3A_190 = arith.constant 0 : i32
        %dma_wait3A_191 = arith.constant 0 : i32
        %dma_wait3A_192 = tpu.memref_slice %arg8[%dma_wait3A_190, %dma_wait3A_191] : memref<10112x8xf32, #tpu.memory_space<vmem_shared>> -> memref<10112x8xf32, #tpu.memory_space<vmem_shared>>
        tpu.wait_indirect_dma semaphore(%arg12 : memref<!tpu.dma_semaphore, #tpu.memory_space<semaphore_mem>>) src(%arg7 : memref<128x8xf32, #tpu.memory_space<vmem>>) dst(%dma_wait3A_192 : memref<10112x8xf32, #tpu.memory_space<vmem_shared>>)
      } else {
      }
      %dma_start3A_121 = arith.constant 0 : i32
      %dma_start3A_122 = tpu.memref_slice %arg6[%add3A_115, %dma_start3A_121] : memref<80x128xi32, #tpu.memory_space<vmem>> -> memref<1x128xi32, #tpu.memory_space<vmem>>
      %dma_start3A_123 = tpu.memref_squeeze %dma_start3A_122 : memref<1x128xi32, #tpu.memory_space<vmem>> -> memref<128xi32, #tpu.memory_space<vmem>>
      %dma_start3A_124 = arith.constant 0 : i32
      %dma_start3A_125 = arith.constant 0 : i32
      %dma_start3A_126 = tpu.memref_slice %arg8[%dma_start3A_124, %dma_start3A_125] : memref<10112x8xf32, #tpu.memory_space<vmem_shared>> -> memref<10112x8xf32, #tpu.memory_space<vmem_shared>>
      tpu.enqueue_indirect_dma source(%arg7 : memref<128x8xf32, #tpu.memory_space<vmem>>) target(%dma_start3A_126 : memref<10112x8xf32, #tpu.memory_space<vmem_shared>>) offsets(%dma_start3A_123 : memref<128xi32, #tpu.memory_space<vmem>>) semaphore(%arg12 : memref<!tpu.dma_semaphore, #tpu.memory_space<semaphore_mem>>) {add = true}
      %mul3A_127 = arith.constant 8 : i32
      %mul3A_128 = arith.muli %scan3A_70, %mul3A_127 : i32
      %add3A_129 = arith.constant 4 : i32
      %add3A_130 = arith.addi %mul3A_128, %add3A_129 : i32
      %gt3A_131 = arith.constant 0 : i32
      %gt3A_132 = arith.cmpi sgt, %scan3A_70, %gt3A_131 : i32
      %convert_element_type3A_133 = arith.extui %gt3A_132 : i1 to i32
      %cond3A_134 = arith.constant 0 : i32
      %cond3A_135 = arith.cmpi ne, %convert_element_type3A_133, %cond3A_134 : i32
      scf.if %cond3A_135 {
        %dma_wait3A_187 = arith.constant 0 : i32
        %dma_wait3A_188 = tpu.memref_slice %arg6[%add3A_130, %dma_wait3A_187] : memref<80x128xi32, #tpu.memory_space<vmem>> -> memref<1x128xi32, #tpu.memory_space<vmem>>
        %dma_wait3A_189 = tpu.memref_squeeze %dma_wait3A_188 : memref<1x128xi32, #tpu.memory_space<vmem>> -> memref<128xi32, #tpu.memory_space<vmem>>
        %dma_wait3A_190 = arith.constant 0 : i32
        %dma_wait3A_191 = arith.constant 0 : i32
        %dma_wait3A_192 = tpu.memref_slice %arg8[%dma_wait3A_190, %dma_wait3A_191] : memref<10112x8xf32, #tpu.memory_space<vmem_shared>> -> memref<10112x8xf32, #tpu.memory_space<vmem_shared>>
        tpu.wait_indirect_dma semaphore(%arg13 : memref<!tpu.dma_semaphore, #tpu.memory_space<semaphore_mem>>) src(%arg7 : memref<128x8xf32, #tpu.memory_space<vmem>>) dst(%dma_wait3A_192 : memref<10112x8xf32, #tpu.memory_space<vmem_shared>>)
      } else {
      }
      %dma_start3A_136 = arith.constant 0 : i32
      %dma_start3A_137 = tpu.memref_slice %arg6[%add3A_130, %dma_start3A_136] : memref<80x128xi32, #tpu.memory_space<vmem>> -> memref<1x128xi32, #tpu.memory_space<vmem>>
      %dma_start3A_138 = tpu.memref_squeeze %dma_start3A_137 : memref<1x128xi32, #tpu.memory_space<vmem>> -> memref<128xi32, #tpu.memory_space<vmem>>
      %dma_start3A_139 = arith.constant 0 : i32
      %dma_start3A_140 = arith.constant 0 : i32
      %dma_start3A_141 = tpu.memref_slice %arg8[%dma_start3A_139, %dma_start3A_140] : memref<10112x8xf32, #tpu.memory_space<vmem_shared>> -> memref<10112x8xf32, #tpu.memory_space<vmem_shared>>
      tpu.enqueue_indirect_dma source(%arg7 : memref<128x8xf32, #tpu.memory_space<vmem>>) target(%dma_start3A_141 : memref<10112x8xf32, #tpu.memory_space<vmem_shared>>) offsets(%dma_start3A_138 : memref<128xi32, #tpu.memory_space<vmem>>) semaphore(%arg13 : memref<!tpu.dma_semaphore, #tpu.memory_space<semaphore_mem>>) {add = true}
      %mul3A_142 = arith.constant 8 : i32
      %mul3A_143 = arith.muli %scan3A_70, %mul3A_142 : i32
      %add3A_144 = arith.constant 5 : i32
      %add3A_145 = arith.addi %mul3A_143, %add3A_144 : i32
      %gt3A_146 = arith.constant 0 : i32
      %gt3A_147 = arith.cmpi sgt, %scan3A_70, %gt3A_146 : i32
      %convert_element_type3A_148 = arith.extui %gt3A_147 : i1 to i32
      %cond3A_149 = arith.constant 0 : i32
      %cond3A_150 = arith.cmpi ne, %convert_element_type3A_148, %cond3A_149 : i32
      scf.if %cond3A_150 {
        %dma_wait3A_187 = arith.constant 0 : i32
        %dma_wait3A_188 = tpu.memref_slice %arg6[%add3A_145, %dma_wait3A_187] : memref<80x128xi32, #tpu.memory_space<vmem>> -> memref<1x128xi32, #tpu.memory_space<vmem>>
        %dma_wait3A_189 = tpu.memref_squeeze %dma_wait3A_188 : memref<1x128xi32, #tpu.memory_space<vmem>> -> memref<128xi32, #tpu.memory_space<vmem>>
        %dma_wait3A_190 = arith.constant 0 : i32
        %dma_wait3A_191 = arith.constant 0 : i32
        %dma_wait3A_192 = tpu.memref_slice %arg8[%dma_wait3A_190, %dma_wait3A_191] : memref<10112x8xf32, #tpu.memory_space<vmem_shared>> -> memref<10112x8xf32, #tpu.memory_space<vmem_shared>>
        tpu.wait_indirect_dma semaphore(%arg14 : memref<!tpu.dma_semaphore, #tpu.memory_space<semaphore_mem>>) src(%arg7 : memref<128x8xf32, #tpu.memory_space<vmem>>) dst(%dma_wait3A_192 : memref<10112x8xf32, #tpu.memory_space<vmem_shared>>)
      } else {
      }
      %dma_start3A_151 = arith.constant 0 : i32
      %dma_start3A_152 = tpu.memref_slice %arg6[%add3A_145, %dma_start3A_151] : memref<80x128xi32, #tpu.memory_space<vmem>> -> memref<1x128xi32, #tpu.memory_space<vmem>>
      %dma_start3A_153 = tpu.memref_squeeze %dma_start3A_152 : memref<1x128xi32, #tpu.memory_space<vmem>> -> memref<128xi32, #tpu.memory_space<vmem>>
      %dma_start3A_154 = arith.constant 0 : i32
      %dma_start3A_155 = arith.constant 0 : i32
      %dma_start3A_156 = tpu.memref_slice %arg8[%dma_start3A_154, %dma_start3A_155] : memref<10112x8xf32, #tpu.memory_space<vmem_shared>> -> memref<10112x8xf32, #tpu.memory_space<vmem_shared>>
      tpu.enqueue_indirect_dma source(%arg7 : memref<128x8xf32, #tpu.memory_space<vmem>>) target(%dma_start3A_156 : memref<10112x8xf32, #tpu.memory_space<vmem_shared>>) offsets(%dma_start3A_153 : memref<128xi32, #tpu.memory_space<vmem>>) semaphore(%arg14 : memref<!tpu.dma_semaphore, #tpu.memory_space<semaphore_mem>>) {add = true}
      %mul3A_157 = arith.constant 8 : i32
      %mul3A_158 = arith.muli %scan3A_70, %mul3A_157 : i32
      %add3A_159 = arith.constant 6 : i32
      %add3A_160 = arith.addi %mul3A_158, %add3A_159 : i32
      %gt3A_161 = arith.constant 0 : i32
      %gt3A_162 = arith.cmpi sgt, %scan3A_70, %gt3A_161 : i32
      %convert_element_type3A_163 = arith.extui %gt3A_162 : i1 to i32
      %cond3A_164 = arith.constant 0 : i32
      %cond3A_165 = arith.cmpi ne, %convert_element_type3A_163, %cond3A_164 : i32
      scf.if %cond3A_165 {
        %dma_wait3A_187 = arith.constant 0 : i32
        %dma_wait3A_188 = tpu.memref_slice %arg6[%add3A_160, %dma_wait3A_187] : memref<80x128xi32, #tpu.memory_space<vmem>> -> memref<1x128xi32, #tpu.memory_space<vmem>>
        %dma_wait3A_189 = tpu.memref_squeeze %dma_wait3A_188 : memref<1x128xi32, #tpu.memory_space<vmem>> -> memref<128xi32, #tpu.memory_space<vmem>>
        %dma_wait3A_190 = arith.constant 0 : i32
        %dma_wait3A_191 = arith.constant 0 : i32
        %dma_wait3A_192 = tpu.memref_slice %arg8[%dma_wait3A_190, %dma_wait3A_191] : memref<10112x8xf32, #tpu.memory_space<vmem_shared>> -> memref<10112x8xf32, #tpu.memory_space<vmem_shared>>
        tpu.wait_indirect_dma semaphore(%arg15 : memref<!tpu.dma_semaphore, #tpu.memory_space<semaphore_mem>>) src(%arg7 : memref<128x8xf32, #tpu.memory_space<vmem>>) dst(%dma_wait3A_192 : memref<10112x8xf32, #tpu.memory_space<vmem_shared>>)
      } else {
      }
      %dma_start3A_166 = arith.constant 0 : i32
      %dma_start3A_167 = tpu.memref_slice %arg6[%add3A_160, %dma_start3A_166] : memref<80x128xi32, #tpu.memory_space<vmem>> -> memref<1x128xi32, #tpu.memory_space<vmem>>
      %dma_start3A_168 = tpu.memref_squeeze %dma_start3A_167 : memref<1x128xi32, #tpu.memory_space<vmem>> -> memref<128xi32, #tpu.memory_space<vmem>>
      %dma_start3A_169 = arith.constant 0 : i32
      %dma_start3A_170 = arith.constant 0 : i32
      %dma_start3A_171 = tpu.memref_slice %arg8[%dma_start3A_169, %dma_start3A_170] : memref<10112x8xf32, #tpu.memory_space<vmem_shared>> -> memref<10112x8xf32, #tpu.memory_space<vmem_shared>>
      tpu.enqueue_indirect_dma source(%arg7 : memref<128x8xf32, #tpu.memory_space<vmem>>) target(%dma_start3A_171 : memref<10112x8xf32, #tpu.memory_space<vmem_shared>>) offsets(%dma_start3A_168 : memref<128xi32, #tpu.memory_space<vmem>>) semaphore(%arg15 : memref<!tpu.dma_semaphore, #tpu.memory_space<semaphore_mem>>) {add = true}
      %mul3A_172 = arith.constant 8 : i32
      %mul3A_173 = arith.muli %scan3A_70, %mul3A_172 : i32
      %add3A_174 = arith.constant 7 : i32
      %add3A_175 = arith.addi %mul3A_173, %add3A_174 : i32
      %gt3A_176 = arith.constant 0 : i32
      %gt3A_177 = arith.cmpi sgt, %scan3A_70, %gt3A_176 : i32
      %convert_element_type3A_178 = arith.extui %gt3A_177 : i1 to i32
      %cond3A_179 = arith.constant 0 : i32
      %cond3A_180 = arith.cmpi ne, %convert_element_type3A_178, %cond3A_179 : i32
      scf.if %cond3A_180 {
        %dma_wait3A_187 = arith.constant 0 : i32
        %dma_wait3A_188 = tpu.memref_slice %arg6[%add3A_175, %dma_wait3A_187] : memref<80x128xi32, #tpu.memory_space<vmem>> -> memref<1x128xi32, #tpu.memory_space<vmem>>
        %dma_wait3A_189 = tpu.memref_squeeze %dma_wait3A_188 : memref<1x128xi32, #tpu.memory_space<vmem>> -> memref<128xi32, #tpu.memory_space<vmem>>
        %dma_wait3A_190 = arith.constant 0 : i32
        %dma_wait3A_191 = arith.constant 0 : i32
        %dma_wait3A_192 = tpu.memref_slice %arg8[%dma_wait3A_190, %dma_wait3A_191] : memref<10112x8xf32, #tpu.memory_space<vmem_shared>> -> memref<10112x8xf32, #tpu.memory_space<vmem_shared>>
        tpu.wait_indirect_dma semaphore(%arg16 : memref<!tpu.dma_semaphore, #tpu.memory_space<semaphore_mem>>) src(%arg7 : memref<128x8xf32, #tpu.memory_space<vmem>>) dst(%dma_wait3A_192 : memref<10112x8xf32, #tpu.memory_space<vmem_shared>>)
      } else {
      }
      %dma_start3A_181 = arith.constant 0 : i32
      %dma_start3A_182 = tpu.memref_slice %arg6[%add3A_175, %dma_start3A_181] : memref<80x128xi32, #tpu.memory_space<vmem>> -> memref<1x128xi32, #tpu.memory_space<vmem>>
      %dma_start3A_183 = tpu.memref_squeeze %dma_start3A_182 : memref<1x128xi32, #tpu.memory_space<vmem>> -> memref<128xi32, #tpu.memory_space<vmem>>
      %dma_start3A_184 = arith.constant 0 : i32
      %dma_start3A_185 = arith.constant 0 : i32
      %dma_start3A_186 = tpu.memref_slice %arg8[%dma_start3A_184, %dma_start3A_185] : memref<10112x8xf32, #tpu.memory_space<vmem_shared>> -> memref<10112x8xf32, #tpu.memory_space<vmem_shared>>
      tpu.enqueue_indirect_dma source(%arg7 : memref<128x8xf32, #tpu.memory_space<vmem>>) target(%dma_start3A_186 : memref<10112x8xf32, #tpu.memory_space<vmem_shared>>) offsets(%dma_start3A_183 : memref<128xi32, #tpu.memory_space<vmem>>) semaphore(%arg16 : memref<!tpu.dma_semaphore, #tpu.memory_space<semaphore_mem>>) {add = true}
    }
    %scan3A_9 = arith.constant 10 : i32
    %dma_wait3A = arith.constant 0 : i32
    %dma_wait3A_10 = arith.constant 0 : i32
    %dma_wait3A_11 = tpu.memref_slice %arg6[%dma_wait3A, %dma_wait3A_10] : memref<80x128xi32, #tpu.memory_space<vmem>> -> memref<1x128xi32, #tpu.memory_space<vmem>>
    %dma_wait3A_12 = tpu.memref_squeeze %dma_wait3A_11 : memref<1x128xi32, #tpu.memory_space<vmem>> -> memref<128xi32, #tpu.memory_space<vmem>>
    %dma_wait3A_13 = arith.constant 0 : i32
    %dma_wait3A_14 = arith.constant 0 : i32
    %dma_wait3A_15 = tpu.memref_slice %arg8[%dma_wait3A_13, %dma_wait3A_14] : memref<10112x8xf32, #tpu.memory_space<vmem_shared>> -> memref<10112x8xf32, #tpu.memory_space<vmem_shared>>
    tpu.wait_indirect_dma semaphore(%arg9 : memref<!tpu.dma_semaphore, #tpu.memory_space<semaphore_mem>>) src(%arg7 : memref<128x8xf32, #tpu.memory_space<vmem>>) dst(%dma_wait3A_15 : memref<10112x8xf32, #tpu.memory_space<vmem_shared>>)
    %dma_wait3A_16 = arith.constant 1 : i32
    %dma_wait3A_17 = arith.constant 0 : i32
    %dma_wait3A_18 = tpu.memref_slice %arg6[%dma_wait3A_16, %dma_wait3A_17] : memref<80x128xi32, #tpu.memory_space<vmem>> -> memref<1x128xi32, #tpu.memory_space<vmem>>
    %dma_wait3A_19 = tpu.memref_squeeze %dma_wait3A_18 : memref<1x128xi32, #tpu.memory_space<vmem>> -> memref<128xi32, #tpu.memory_space<vmem>>
    %dma_wait3A_20 = arith.constant 0 : i32
    %dma_wait3A_21 = arith.constant 0 : i32
    %dma_wait3A_22 = tpu.memref_slice %arg8[%dma_wait3A_20, %dma_wait3A_21] : memref<10112x8xf32, #tpu.memory_space<vmem_shared>> -> memref<10112x8xf32, #tpu.memory_space<vmem_shared>>
    tpu.wait_indirect_dma semaphore(%arg10 : memref<!tpu.dma_semaphore, #tpu.memory_space<semaphore_mem>>) src(%arg7 : memref<128x8xf32, #tpu.memory_space<vmem>>) dst(%dma_wait3A_22 : memref<10112x8xf32, #tpu.memory_space<vmem_shared>>)
    %dma_wait3A_23 = arith.constant 2 : i32
    %dma_wait3A_24 = arith.constant 0 : i32
    %dma_wait3A_25 = tpu.memref_slice %arg6[%dma_wait3A_23, %dma_wait3A_24] : memref<80x128xi32, #tpu.memory_space<vmem>> -> memref<1x128xi32, #tpu.memory_space<vmem>>
    %dma_wait3A_26 = tpu.memref_squeeze %dma_wait3A_25 : memref<1x128xi32, #tpu.memory_space<vmem>> -> memref<128xi32, #tpu.memory_space<vmem>>
    %dma_wait3A_27 = arith.constant 0 : i32
    %dma_wait3A_28 = arith.constant 0 : i32
    %dma_wait3A_29 = tpu.memref_slice %arg8[%dma_wait3A_27, %dma_wait3A_28] : memref<10112x8xf32, #tpu.memory_space<vmem_shared>> -> memref<10112x8xf32, #tpu.memory_space<vmem_shared>>
    tpu.wait_indirect_dma semaphore(%arg11 : memref<!tpu.dma_semaphore, #tpu.memory_space<semaphore_mem>>) src(%arg7 : memref<128x8xf32, #tpu.memory_space<vmem>>) dst(%dma_wait3A_29 : memref<10112x8xf32, #tpu.memory_space<vmem_shared>>)
    %dma_wait3A_30 = arith.constant 3 : i32
    %dma_wait3A_31 = arith.constant 0 : i32
    %dma_wait3A_32 = tpu.memref_slice %arg6[%dma_wait3A_30, %dma_wait3A_31] : memref<80x128xi32, #tpu.memory_space<vmem>> -> memref<1x128xi32, #tpu.memory_space<vmem>>
    %dma_wait3A_33 = tpu.memref_squeeze %dma_wait3A_32 : memref<1x128xi32, #tpu.memory_space<vmem>> -> memref<128xi32, #tpu.memory_space<vmem>>
    %dma_wait3A_34 = arith.constant 0 : i32
    %dma_wait3A_35 = arith.constant 0 : i32
    %dma_wait3A_36 = tpu.memref_slice %arg8[%dma_wait3A_34, %dma_wait3A_35] : memref<10112x8xf32, #tpu.memory_space<vmem_shared>> -> memref<10112x8xf32, #tpu.memory_space<vmem_shared>>
    tpu.wait_indirect_dma semaphore(%arg12 : memref<!tpu.dma_semaphore, #tpu.memory_space<semaphore_mem>>) src(%arg7 : memref<128x8xf32, #tpu.memory_space<vmem>>) dst(%dma_wait3A_36 : memref<10112x8xf32, #tpu.memory_space<vmem_shared>>)
    %dma_wait3A_37 = arith.constant 4 : i32
    %dma_wait3A_38 = arith.constant 0 : i32
    %dma_wait3A_39 = tpu.memref_slice %arg6[%dma_wait3A_37, %dma_wait3A_38] : memref<80x128xi32, #tpu.memory_space<vmem>> -> memref<1x128xi32, #tpu.memory_space<vmem>>
    %dma_wait3A_40 = tpu.memref_squeeze %dma_wait3A_39 : memref<1x128xi32, #tpu.memory_space<vmem>> -> memref<128xi32, #tpu.memory_space<vmem>>
    %dma_wait3A_41 = arith.constant 0 : i32
    %dma_wait3A_42 = arith.constant 0 : i32
    %dma_wait3A_43 = tpu.memref_slice %arg8[%dma_wait3A_41, %dma_wait3A_42] : memref<10112x8xf32, #tpu.memory_space<vmem_shared>> -> memref<10112x8xf32, #tpu.memory_space<vmem_shared>>
    tpu.wait_indirect_dma semaphore(%arg13 : memref<!tpu.dma_semaphore, #tpu.memory_space<semaphore_mem>>) src(%arg7 : memref<128x8xf32, #tpu.memory_space<vmem>>) dst(%dma_wait3A_43 : memref<10112x8xf32, #tpu.memory_space<vmem_shared>>)
    %dma_wait3A_44 = arith.constant 5 : i32
    %dma_wait3A_45 = arith.constant 0 : i32
    %dma_wait3A_46 = tpu.memref_slice %arg6[%dma_wait3A_44, %dma_wait3A_45] : memref<80x128xi32, #tpu.memory_space<vmem>> -> memref<1x128xi32, #tpu.memory_space<vmem>>
    %dma_wait3A_47 = tpu.memref_squeeze %dma_wait3A_46 : memref<1x128xi32, #tpu.memory_space<vmem>> -> memref<128xi32, #tpu.memory_space<vmem>>
    %dma_wait3A_48 = arith.constant 0 : i32
    %dma_wait3A_49 = arith.constant 0 : i32
    %dma_wait3A_50 = tpu.memref_slice %arg8[%dma_wait3A_48, %dma_wait3A_49] : memref<10112x8xf32, #tpu.memory_space<vmem_shared>> -> memref<10112x8xf32, #tpu.memory_space<vmem_shared>>
    tpu.wait_indirect_dma semaphore(%arg14 : memref<!tpu.dma_semaphore, #tpu.memory_space<semaphore_mem>>) src(%arg7 : memref<128x8xf32, #tpu.memory_space<vmem>>) dst(%dma_wait3A_50 : memref<10112x8xf32, #tpu.memory_space<vmem_shared>>)
    %dma_wait3A_51 = arith.constant 6 : i32
    %dma_wait3A_52 = arith.constant 0 : i32
    %dma_wait3A_53 = tpu.memref_slice %arg6[%dma_wait3A_51, %dma_wait3A_52] : memref<80x128xi32, #tpu.memory_space<vmem>> -> memref<1x128xi32, #tpu.memory_space<vmem>>
    %dma_wait3A_54 = tpu.memref_squeeze %dma_wait3A_53 : memref<1x128xi32, #tpu.memory_space<vmem>> -> memref<128xi32, #tpu.memory_space<vmem>>
    %dma_wait3A_55 = arith.constant 0 : i32
    %dma_wait3A_56 = arith.constant 0 : i32
    %dma_wait3A_57 = tpu.memref_slice %arg8[%dma_wait3A_55, %dma_wait3A_56] : memref<10112x8xf32, #tpu.memory_space<vmem_shared>> -> memref<10112x8xf32, #tpu.memory_space<vmem_shared>>
    tpu.wait_indirect_dma semaphore(%arg15 : memref<!tpu.dma_semaphore, #tpu.memory_space<semaphore_mem>>) src(%arg7 : memref<128x8xf32, #tpu.memory_space<vmem>>) dst(%dma_wait3A_57 : memref<10112x8xf32, #tpu.memory_space<vmem_shared>>)
    %dma_wait3A_58 = arith.constant 7 : i32
    %dma_wait3A_59 = arith.constant 0 : i32
    %dma_wait3A_60 = tpu.memref_slice %arg6[%dma_wait3A_58, %dma_wait3A_59] : memref<80x128xi32, #tpu.memory_space<vmem>> -> memref<1x128xi32, #tpu.memory_space<vmem>>
    %dma_wait3A_61 = tpu.memref_squeeze %dma_wait3A_60 : memref<1x128xi32, #tpu.memory_space<vmem>> -> memref<128xi32, #tpu.memory_space<vmem>>
    %dma_wait3A_62 = arith.constant 0 : i32
    %dma_wait3A_63 = arith.constant 0 : i32
    %dma_wait3A_64 = tpu.memref_slice %arg8[%dma_wait3A_62, %dma_wait3A_63] : memref<10112x8xf32, #tpu.memory_space<vmem_shared>> -> memref<10112x8xf32, #tpu.memory_space<vmem_shared>>
    tpu.wait_indirect_dma semaphore(%arg16 : memref<!tpu.dma_semaphore, #tpu.memory_space<semaphore_mem>>) src(%arg7 : memref<128x8xf32, #tpu.memory_space<vmem>>) dst(%dma_wait3A_64 : memref<10112x8xf32, #tpu.memory_space<vmem_shared>>)
    %barrier3A_65 = arith.constant 0 : index
    tpu.barrier barrier_id(%barrier3A_65)
    %mul3A_66 = arith.constant 632 : i32
    %mul3A_67 = arith.muli %arg1, %mul3A_66 : i32
    %mul3A_68 = arith.constant 632 : i32
    %mul3A_69 = arith.muli %arg1, %mul3A_68 : i32
    "tpu.region"() ({
      %run_scoped3A = tpu.sem_alloc : memref<!tpu.dma_semaphore, #tpu.memory_space<semaphore_mem>>
      %dma_start3A = arith.constant 0 : i32
      %dma_start3A_70 = tpu.memref_slice %arg5[%arg0, %mul3A_69, %dma_start3A] : memref<2x10112x8xf32, #tpu.memory_space<hbm>> -> memref<1x632x8xf32, #tpu.memory_space<hbm>>
      %dma_start3A_71 = tpu.memref_squeeze %dma_start3A_70 : memref<1x632x8xf32, #tpu.memory_space<hbm>> -> memref<632x8xf32, #tpu.memory_space<hbm>>
      %dma_start3A_72 = arith.constant 0 : i32
      %dma_start3A_73 = tpu.memref_slice %arg8[%mul3A_67, %dma_start3A_72] : memref<10112x8xf32, #tpu.memory_space<vmem_shared>> -> memref<632x8xf32, #tpu.memory_space<vmem_shared>>
      tpu.enqueue_dma source(%dma_start3A_73 : memref<632x8xf32, #tpu.memory_space<vmem_shared>>) target(%dma_start3A_71 : memref<632x8xf32, #tpu.memory_space<hbm>>) target_semaphore(%run_scoped3A : memref<!tpu.dma_semaphore, #tpu.memory_space<semaphore_mem>>)
      %dma_wait3A_74 = arith.constant 0 : i32
      %dma_wait3A_75 = tpu.memref_slice %arg5[%arg0, %mul3A_69, %dma_wait3A_74] : memref<2x10112x8xf32, #tpu.memory_space<hbm>> -> memref<1x632x8xf32, #tpu.memory_space<hbm>>
      %dma_wait3A_76 = tpu.memref_squeeze %dma_wait3A_75 : memref<1x632x8xf32, #tpu.memory_space<hbm>> -> memref<632x8xf32, #tpu.memory_space<hbm>>
      %dma_wait3A_77 = arith.constant 0 : i32
      %dma_wait3A_78 = tpu.memref_slice %arg8[%mul3A_67, %dma_wait3A_77] : memref<10112x8xf32, #tpu.memory_space<vmem_shared>> -> memref<632x8xf32, #tpu.memory_space<vmem_shared>>
      tpu.wait_dma2 semaphore(%run_scoped3A : memref<!tpu.dma_semaphore, #tpu.memory_space<semaphore_mem>>) src(%dma_wait3A_78 : memref<632x8xf32, #tpu.memory_space<vmem_shared>>) dst(%dma_wait3A_76 : memref<632x8xf32, #tpu.memory_space<hbm>>)
      tpu.yield
    }) : () -> ()
    return
  }
}

#map = affine_map<(d0, d1) -> (0, 0)>
#map1 = affine_map<(d0, d1) -> (0, 0, 0)>
module attributes {stable_mosaic.version = 14 : i64} {
  func.func @_prop_kernel(%arg0: i32, %arg1: i32, %arg2: memref<10000x64xf32, #tpu.memory_space<hbm>>, %arg3: memref<16x160x128xi32, #tpu.memory_space<hbm>>, %arg4: memref<16x160x128xi32, #tpu.memory_space<hbm>>, %arg5: memref<10112x32xf32, #tpu.memory_space<hbm>>, %arg6: memref<2x10112x32xf32, #tpu.memory_space<hbm>>, %arg7: memref<160x128xi32, #tpu.memory_space<vmem>>, %arg8: memref<160x128xi32, #tpu.memory_space<vmem>>, %arg9: memref<8x128x32xf32, #tpu.memory_space<vmem>>, %arg10: memref<10112x32xf32, #tpu.memory_space<vmem_shared>>, %arg11: memref<10000x32xf32, #tpu.memory_space<vmem_shared>>, %arg12: memref<!tpu.dma_semaphore, #tpu.memory_space<semaphore_mem>>, %arg13: memref<!tpu.dma_semaphore, #tpu.memory_space<semaphore_mem>>, %arg14: memref<!tpu.dma_semaphore, #tpu.memory_space<semaphore_mem>>, %arg15: memref<!tpu.dma_semaphore, #tpu.memory_space<semaphore_mem>>, %arg16: memref<!tpu.dma_semaphore, #tpu.memory_space<semaphore_mem>>, %arg17: memref<!tpu.dma_semaphore, #tpu.memory_space<semaphore_mem>>, %arg18: memref<!tpu.dma_semaphore, #tpu.memory_space<semaphore_mem>>, %arg19: memref<!tpu.dma_semaphore, #tpu.memory_space<semaphore_mem>>, %arg20: memref<!tpu.dma_semaphore, #tpu.memory_space<semaphore_mem>>, %arg21: memref<!tpu.dma_semaphore, #tpu.memory_space<semaphore_mem>>, %arg22: memref<!tpu.dma_semaphore, #tpu.memory_space<semaphore_mem>>, %arg23: memref<!tpu.dma_semaphore, #tpu.memory_space<semaphore_mem>>, %arg24: memref<!tpu.dma_semaphore, #tpu.memory_space<semaphore_mem>>, %arg25: memref<!tpu.dma_semaphore, #tpu.memory_space<semaphore_mem>>, %arg26: memref<!tpu.dma_semaphore, #tpu.memory_space<semaphore_mem>>, %arg27: memref<!tpu.dma_semaphore, #tpu.memory_space<semaphore_mem>>) attributes {dimension_semantics = [#tpu.dimension_semantics<core_parallel>, #tpu.dimension_semantics<subcore_parallel>], iteration_bounds = array<i64: 2, 16>, scalar_prefetch = 0 : i64, scratch_operands = 21 : i64, tpu.core_type = #tpu.core_type<sc_vector_subcore>, window_params = [{transform_indices = #map}, {transform_indices = #map1}, {transform_indices = #map1}, {transform_indices = #map}, {transform_indices = #map1}]} {
    %mul3A = arith.constant 632 : i32
    %mul3A_0 = arith.muli %arg1, %mul3A : i32
    %mul3A_1 = arith.constant 632 : i32
    %mul3A_2 = arith.muli %arg1, %mul3A_1 : i32
    "tpu.region"() ({
      %run_scoped3A = tpu.sem_alloc : memref<!tpu.dma_semaphore, #tpu.memory_space<semaphore_mem>>
      %dma_start3A_161 = arith.constant 0 : i32
      %dma_start3A_162 = tpu.memref_slice %arg10[%mul3A_2, %dma_start3A_161] : memref<10112x32xf32, #tpu.memory_space<vmem_shared>> -> memref<632x32xf32, #tpu.memory_space<vmem_shared>>
      %dma_start3A_163 = arith.constant 0 : i32
      %dma_start3A_164 = tpu.memref_slice %arg5[%mul3A_0, %dma_start3A_163] : memref<10112x32xf32, #tpu.memory_space<hbm>> -> memref<632x32xf32, #tpu.memory_space<hbm>>
      tpu.enqueue_dma source(%dma_start3A_164 : memref<632x32xf32, #tpu.memory_space<hbm>>) target(%dma_start3A_162 : memref<632x32xf32, #tpu.memory_space<vmem_shared>>) target_semaphore(%run_scoped3A : memref<!tpu.dma_semaphore, #tpu.memory_space<semaphore_mem>>)
      %dma_wait3A_165 = arith.constant 0 : i32
      %dma_wait3A_166 = tpu.memref_slice %arg10[%mul3A_2, %dma_wait3A_165] : memref<10112x32xf32, #tpu.memory_space<vmem_shared>> -> memref<632x32xf32, #tpu.memory_space<vmem_shared>>
      %dma_wait3A_167 = arith.constant 0 : i32
      %dma_wait3A_168 = tpu.memref_slice %arg5[%mul3A_0, %dma_wait3A_167] : memref<10112x32xf32, #tpu.memory_space<hbm>> -> memref<632x32xf32, #tpu.memory_space<hbm>>
      tpu.wait_dma2 semaphore(%run_scoped3A : memref<!tpu.dma_semaphore, #tpu.memory_space<semaphore_mem>>) src(%dma_wait3A_168 : memref<632x32xf32, #tpu.memory_space<hbm>>) dst(%dma_wait3A_166 : memref<632x32xf32, #tpu.memory_space<vmem_shared>>)
      tpu.yield
    }) : () -> ()
    %mul3A_3 = arith.constant 625 : i32
    %mul3A_4 = arith.muli %arg1, %mul3A_3 : i32
    %mul3A_5 = arith.constant 32 : i32
    %mul3A_6 = arith.muli %arg0, %mul3A_5 : i32
    %mul3A_7 = arith.constant 625 : i32
    %mul3A_8 = arith.muli %arg1, %mul3A_7 : i32
    "tpu.region"() ({
      %run_scoped3A = tpu.sem_alloc : memref<!tpu.dma_semaphore, #tpu.memory_space<semaphore_mem>>
      %dma_start3A_161 = arith.constant 0 : i32
      %dma_start3A_162 = tpu.memref_slice %arg11[%mul3A_8, %dma_start3A_161] : memref<10000x32xf32, #tpu.memory_space<vmem_shared>> -> memref<625x32xf32, #tpu.memory_space<vmem_shared>>
      %dma_start3A_163 = tpu.memref_slice %arg2[%mul3A_4, %mul3A_6] : memref<10000x64xf32, #tpu.memory_space<hbm>> -> memref<625x32xf32, #tpu.memory_space<hbm>>
      tpu.enqueue_dma source(%dma_start3A_163 : memref<625x32xf32, #tpu.memory_space<hbm>>) target(%dma_start3A_162 : memref<625x32xf32, #tpu.memory_space<vmem_shared>>) target_semaphore(%run_scoped3A : memref<!tpu.dma_semaphore, #tpu.memory_space<semaphore_mem>>)
      %dma_wait3A_164 = arith.constant 0 : i32
      %dma_wait3A_165 = tpu.memref_slice %arg11[%mul3A_8, %dma_wait3A_164] : memref<10000x32xf32, #tpu.memory_space<vmem_shared>> -> memref<625x32xf32, #tpu.memory_space<vmem_shared>>
      %dma_wait3A_166 = tpu.memref_slice %arg2[%mul3A_4, %mul3A_6] : memref<10000x64xf32, #tpu.memory_space<hbm>> -> memref<625x32xf32, #tpu.memory_space<hbm>>
      tpu.wait_dma2 semaphore(%run_scoped3A : memref<!tpu.dma_semaphore, #tpu.memory_space<semaphore_mem>>) src(%dma_wait3A_166 : memref<625x32xf32, #tpu.memory_space<hbm>>) dst(%dma_wait3A_165 : memref<625x32xf32, #tpu.memory_space<vmem_shared>>)
      tpu.yield
    }) : () -> ()
    "tpu.region"() ({
      %run_scoped3A = tpu.sem_alloc : memref<!tpu.dma_semaphore, #tpu.memory_space<semaphore_mem>>
      %dma_start3A_161 = arith.constant 0 : i32
      %dma_start3A_162 = arith.constant 0 : i32
      %dma_start3A_163 = tpu.memref_slice %arg3[%arg1, %dma_start3A_161, %dma_start3A_162] : memref<16x160x128xi32, #tpu.memory_space<hbm>> -> memref<1x160x128xi32, #tpu.memory_space<hbm>>
      %dma_start3A_164 = tpu.memref_squeeze %dma_start3A_163 : memref<1x160x128xi32, #tpu.memory_space<hbm>> -> memref<160x128xi32, #tpu.memory_space<hbm>>
      %dma_start3A_165 = arith.constant 0 : i32
      %dma_start3A_166 = arith.constant 0 : i32
      %dma_start3A_167 = tpu.memref_slice %arg3[%arg1, %dma_start3A_165, %dma_start3A_166] : memref<16x160x128xi32, #tpu.memory_space<hbm>> -> memref<1x160x128xi32, #tpu.memory_space<hbm>>
      %dma_start3A_168 = tpu.memref_squeeze %dma_start3A_167 : memref<1x160x128xi32, #tpu.memory_space<hbm>> -> memref<160x128xi32, #tpu.memory_space<hbm>>
      tpu.enqueue_dma source(%dma_start3A_168 : memref<160x128xi32, #tpu.memory_space<hbm>>) target(%arg7 : memref<160x128xi32, #tpu.memory_space<vmem>>) target_semaphore(%run_scoped3A : memref<!tpu.dma_semaphore, #tpu.memory_space<semaphore_mem>>)
      %dma_wait3A_169 = arith.constant 0 : i32
      %dma_wait3A_170 = arith.constant 0 : i32
      %dma_wait3A_171 = tpu.memref_slice %arg3[%arg1, %dma_wait3A_169, %dma_wait3A_170] : memref<16x160x128xi32, #tpu.memory_space<hbm>> -> memref<1x160x128xi32, #tpu.memory_space<hbm>>
      %dma_wait3A_172 = tpu.memref_squeeze %dma_wait3A_171 : memref<1x160x128xi32, #tpu.memory_space<hbm>> -> memref<160x128xi32, #tpu.memory_space<hbm>>
      %dma_wait3A_173 = arith.constant 0 : i32
      %dma_wait3A_174 = arith.constant 0 : i32
      %dma_wait3A_175 = tpu.memref_slice %arg3[%arg1, %dma_wait3A_173, %dma_wait3A_174] : memref<16x160x128xi32, #tpu.memory_space<hbm>> -> memref<1x160x128xi32, #tpu.memory_space<hbm>>
      %dma_wait3A_176 = tpu.memref_squeeze %dma_wait3A_175 : memref<1x160x128xi32, #tpu.memory_space<hbm>> -> memref<160x128xi32, #tpu.memory_space<hbm>>
      tpu.wait_dma2 semaphore(%run_scoped3A : memref<!tpu.dma_semaphore, #tpu.memory_space<semaphore_mem>>) src(%dma_wait3A_176 : memref<160x128xi32, #tpu.memory_space<hbm>>) dst(%arg7 : memref<160x128xi32, #tpu.memory_space<vmem>>)
      tpu.yield
    }) : () -> ()
    "tpu.region"() ({
      %run_scoped3A = tpu.sem_alloc : memref<!tpu.dma_semaphore, #tpu.memory_space<semaphore_mem>>
      %dma_start3A_161 = arith.constant 0 : i32
      %dma_start3A_162 = arith.constant 0 : i32
      %dma_start3A_163 = tpu.memref_slice %arg4[%arg1, %dma_start3A_161, %dma_start3A_162] : memref<16x160x128xi32, #tpu.memory_space<hbm>> -> memref<1x160x128xi32, #tpu.memory_space<hbm>>
      %dma_start3A_164 = tpu.memref_squeeze %dma_start3A_163 : memref<1x160x128xi32, #tpu.memory_space<hbm>> -> memref<160x128xi32, #tpu.memory_space<hbm>>
      %dma_start3A_165 = arith.constant 0 : i32
      %dma_start3A_166 = arith.constant 0 : i32
      %dma_start3A_167 = tpu.memref_slice %arg4[%arg1, %dma_start3A_165, %dma_start3A_166] : memref<16x160x128xi32, #tpu.memory_space<hbm>> -> memref<1x160x128xi32, #tpu.memory_space<hbm>>
      %dma_start3A_168 = tpu.memref_squeeze %dma_start3A_167 : memref<1x160x128xi32, #tpu.memory_space<hbm>> -> memref<160x128xi32, #tpu.memory_space<hbm>>
      tpu.enqueue_dma source(%dma_start3A_168 : memref<160x128xi32, #tpu.memory_space<hbm>>) target(%arg8 : memref<160x128xi32, #tpu.memory_space<vmem>>) target_semaphore(%run_scoped3A : memref<!tpu.dma_semaphore, #tpu.memory_space<semaphore_mem>>)
      %dma_wait3A_169 = arith.constant 0 : i32
      %dma_wait3A_170 = arith.constant 0 : i32
      %dma_wait3A_171 = tpu.memref_slice %arg4[%arg1, %dma_wait3A_169, %dma_wait3A_170] : memref<16x160x128xi32, #tpu.memory_space<hbm>> -> memref<1x160x128xi32, #tpu.memory_space<hbm>>
      %dma_wait3A_172 = tpu.memref_squeeze %dma_wait3A_171 : memref<1x160x128xi32, #tpu.memory_space<hbm>> -> memref<160x128xi32, #tpu.memory_space<hbm>>
      %dma_wait3A_173 = arith.constant 0 : i32
      %dma_wait3A_174 = arith.constant 0 : i32
      %dma_wait3A_175 = tpu.memref_slice %arg4[%arg1, %dma_wait3A_173, %dma_wait3A_174] : memref<16x160x128xi32, #tpu.memory_space<hbm>> -> memref<1x160x128xi32, #tpu.memory_space<hbm>>
      %dma_wait3A_176 = tpu.memref_squeeze %dma_wait3A_175 : memref<1x160x128xi32, #tpu.memory_space<hbm>> -> memref<160x128xi32, #tpu.memory_space<hbm>>
      tpu.wait_dma2 semaphore(%run_scoped3A : memref<!tpu.dma_semaphore, #tpu.memory_space<semaphore_mem>>) src(%dma_wait3A_176 : memref<160x128xi32, #tpu.memory_space<hbm>>) dst(%arg8 : memref<160x128xi32, #tpu.memory_space<vmem>>)
      tpu.yield
    }) : () -> ()
    %barrier3A = arith.constant 0 : index
    tpu.barrier barrier_id(%barrier3A)
    %dma_start3A = arith.constant 0 : i32
    %dma_start3A_9 = arith.constant 0 : i32
    %dma_start3A_10 = arith.constant 0 : i32
    %dma_start3A_11 = arith.constant 0 : i32
    %dma_start3A_12 = tpu.memref_slice %arg9[%dma_start3A_9, %dma_start3A_10, %dma_start3A_11] : memref<8x128x32xf32, #tpu.memory_space<vmem>> -> memref<1x128x32xf32, #tpu.memory_space<vmem>>
    %dma_start3A_13 = tpu.memref_squeeze %dma_start3A_12 : memref<1x128x32xf32, #tpu.memory_space<vmem>> -> memref<128x32xf32, #tpu.memory_space<vmem>>
    %dma_start3A_14 = arith.constant 0 : i32
    %dma_start3A_15 = tpu.memref_slice %arg7[%dma_start3A, %dma_start3A_14] : memref<160x128xi32, #tpu.memory_space<vmem>> -> memref<1x128xi32, #tpu.memory_space<vmem>>
    %dma_start3A_16 = tpu.memref_squeeze %dma_start3A_15 : memref<1x128xi32, #tpu.memory_space<vmem>> -> memref<128xi32, #tpu.memory_space<vmem>>
    %dma_start3A_17 = arith.constant 0 : i32
    %dma_start3A_18 = arith.constant 0 : i32
    %dma_start3A_19 = tpu.memref_slice %arg11[%dma_start3A_17, %dma_start3A_18] : memref<10000x32xf32, #tpu.memory_space<vmem_shared>> -> memref<10000x32xf32, #tpu.memory_space<vmem_shared>>
    tpu.enqueue_indirect_dma source(%dma_start3A_19 : memref<10000x32xf32, #tpu.memory_space<vmem_shared>>) target(%dma_start3A_13 : memref<128x32xf32, #tpu.memory_space<vmem>>) offsets(%dma_start3A_16 : memref<128xi32, #tpu.memory_space<vmem>>) semaphore(%arg12 : memref<!tpu.dma_semaphore, #tpu.memory_space<semaphore_mem>>)
    %dma_start3A_20 = arith.constant 1 : i32
    %dma_start3A_21 = arith.constant 1 : i32
    %dma_start3A_22 = arith.constant 0 : i32
    %dma_start3A_23 = arith.constant 0 : i32
    %dma_start3A_24 = tpu.memref_slice %arg9[%dma_start3A_21, %dma_start3A_22, %dma_start3A_23] : memref<8x128x32xf32, #tpu.memory_space<vmem>> -> memref<1x128x32xf32, #tpu.memory_space<vmem>>
    %dma_start3A_25 = tpu.memref_squeeze %dma_start3A_24 : memref<1x128x32xf32, #tpu.memory_space<vmem>> -> memref<128x32xf32, #tpu.memory_space<vmem>>
    %dma_start3A_26 = arith.constant 0 : i32
    %dma_start3A_27 = tpu.memref_slice %arg7[%dma_start3A_20, %dma_start3A_26] : memref<160x128xi32, #tpu.memory_space<vmem>> -> memref<1x128xi32, #tpu.memory_space<vmem>>
    %dma_start3A_28 = tpu.memref_squeeze %dma_start3A_27 : memref<1x128xi32, #tpu.memory_space<vmem>> -> memref<128xi32, #tpu.memory_space<vmem>>
    %dma_start3A_29 = arith.constant 0 : i32
    %dma_start3A_30 = arith.constant 0 : i32
    %dma_start3A_31 = tpu.memref_slice %arg11[%dma_start3A_29, %dma_start3A_30] : memref<10000x32xf32, #tpu.memory_space<vmem_shared>> -> memref<10000x32xf32, #tpu.memory_space<vmem_shared>>
    tpu.enqueue_indirect_dma source(%dma_start3A_31 : memref<10000x32xf32, #tpu.memory_space<vmem_shared>>) target(%dma_start3A_25 : memref<128x32xf32, #tpu.memory_space<vmem>>) offsets(%dma_start3A_28 : memref<128xi32, #tpu.memory_space<vmem>>) semaphore(%arg13 : memref<!tpu.dma_semaphore, #tpu.memory_space<semaphore_mem>>)
    %dma_start3A_32 = arith.constant 2 : i32
    %dma_start3A_33 = arith.constant 2 : i32
    %dma_start3A_34 = arith.constant 0 : i32
    %dma_start3A_35 = arith.constant 0 : i32
    %dma_start3A_36 = tpu.memref_slice %arg9[%dma_start3A_33, %dma_start3A_34, %dma_start3A_35] : memref<8x128x32xf32, #tpu.memory_space<vmem>> -> memref<1x128x32xf32, #tpu.memory_space<vmem>>
    %dma_start3A_37 = tpu.memref_squeeze %dma_start3A_36 : memref<1x128x32xf32, #tpu.memory_space<vmem>> -> memref<128x32xf32, #tpu.memory_space<vmem>>
    %dma_start3A_38 = arith.constant 0 : i32
    %dma_start3A_39 = tpu.memref_slice %arg7[%dma_start3A_32, %dma_start3A_38] : memref<160x128xi32, #tpu.memory_space<vmem>> -> memref<1x128xi32, #tpu.memory_space<vmem>>
    %dma_start3A_40 = tpu.memref_squeeze %dma_start3A_39 : memref<1x128xi32, #tpu.memory_space<vmem>> -> memref<128xi32, #tpu.memory_space<vmem>>
    %dma_start3A_41 = arith.constant 0 : i32
    %dma_start3A_42 = arith.constant 0 : i32
    %dma_start3A_43 = tpu.memref_slice %arg11[%dma_start3A_41, %dma_start3A_42] : memref<10000x32xf32, #tpu.memory_space<vmem_shared>> -> memref<10000x32xf32, #tpu.memory_space<vmem_shared>>
    tpu.enqueue_indirect_dma source(%dma_start3A_43 : memref<10000x32xf32, #tpu.memory_space<vmem_shared>>) target(%dma_start3A_37 : memref<128x32xf32, #tpu.memory_space<vmem>>) offsets(%dma_start3A_40 : memref<128xi32, #tpu.memory_space<vmem>>) semaphore(%arg14 : memref<!tpu.dma_semaphore, #tpu.memory_space<semaphore_mem>>)
    %dma_start3A_44 = arith.constant 3 : i32
    %dma_start3A_45 = arith.constant 3 : i32
    %dma_start3A_46 = arith.constant 0 : i32
    %dma_start3A_47 = arith.constant 0 : i32
    %dma_start3A_48 = tpu.memref_slice %arg9[%dma_start3A_45, %dma_start3A_46, %dma_start3A_47] : memref<8x128x32xf32, #tpu.memory_space<vmem>> -> memref<1x128x32xf32, #tpu.memory_space<vmem>>
    %dma_start3A_49 = tpu.memref_squeeze %dma_start3A_48 : memref<1x128x32xf32, #tpu.memory_space<vmem>> -> memref<128x32xf32, #tpu.memory_space<vmem>>
    %dma_start3A_50 = arith.constant 0 : i32
    %dma_start3A_51 = tpu.memref_slice %arg7[%dma_start3A_44, %dma_start3A_50] : memref<160x128xi32, #tpu.memory_space<vmem>> -> memref<1x128xi32, #tpu.memory_space<vmem>>
    %dma_start3A_52 = tpu.memref_squeeze %dma_start3A_51 : memref<1x128xi32, #tpu.memory_space<vmem>> -> memref<128xi32, #tpu.memory_space<vmem>>
    %dma_start3A_53 = arith.constant 0 : i32
    %dma_start3A_54 = arith.constant 0 : i32
    %dma_start3A_55 = tpu.memref_slice %arg11[%dma_start3A_53, %dma_start3A_54] : memref<10000x32xf32, #tpu.memory_space<vmem_shared>> -> memref<10000x32xf32, #tpu.memory_space<vmem_shared>>
    tpu.enqueue_indirect_dma source(%dma_start3A_55 : memref<10000x32xf32, #tpu.memory_space<vmem_shared>>) target(%dma_start3A_49 : memref<128x32xf32, #tpu.memory_space<vmem>>) offsets(%dma_start3A_52 : memref<128xi32, #tpu.memory_space<vmem>>) semaphore(%arg15 : memref<!tpu.dma_semaphore, #tpu.memory_space<semaphore_mem>>)
    %scan3A = arith.constant 0 : i32
    %scan3A_56 = arith.constant 0 : i32
    %scan3A_57 = arith.constant 20 : i32
    %scan3A_58 = arith.addi %scan3A_56, %scan3A_57 : i32
    %scan3A_59 = arith.constant 1 : i32
    scf.for %scan3A_161 = %scan3A_56 to %scan3A_58 step %scan3A_59  : i32 {
      %mul3A_162 = arith.constant 8 : i32
      %mul3A_163 = arith.muli %scan3A_161, %mul3A_162 : i32
      %add3A = arith.constant 0 : i32
      %add3A_164 = arith.addi %mul3A_163, %add3A : i32
      %add3A_165 = arith.constant 4 : i32
      %add3A_166 = arith.addi %add3A_164, %add3A_165 : i32
      %dma_wait3A_167 = arith.constant 0 : i32
      %dma_wait3A_168 = arith.constant 0 : i32
      %dma_wait3A_169 = arith.constant 0 : i32
      %dma_wait3A_170 = tpu.memref_slice %arg9[%dma_wait3A_167, %dma_wait3A_168, %dma_wait3A_169] : memref<8x128x32xf32, #tpu.memory_space<vmem>> -> memref<1x128x32xf32, #tpu.memory_space<vmem>>
      %dma_wait3A_171 = tpu.memref_squeeze %dma_wait3A_170 : memref<1x128x32xf32, #tpu.memory_space<vmem>> -> memref<128x32xf32, #tpu.memory_space<vmem>>
      %dma_wait3A_172 = arith.constant 0 : i32
      %dma_wait3A_173 = tpu.memref_slice %arg7[%add3A_164, %dma_wait3A_172] : memref<160x128xi32, #tpu.memory_space<vmem>> -> memref<1x128xi32, #tpu.memory_space<vmem>>
      %dma_wait3A_174 = tpu.memref_squeeze %dma_wait3A_173 : memref<1x128xi32, #tpu.memory_space<vmem>> -> memref<128xi32, #tpu.memory_space<vmem>>
      %dma_wait3A_175 = arith.constant 0 : i32
      %dma_wait3A_176 = arith.constant 0 : i32
      %dma_wait3A_177 = tpu.memref_slice %arg11[%dma_wait3A_175, %dma_wait3A_176] : memref<10000x32xf32, #tpu.memory_space<vmem_shared>> -> memref<10000x32xf32, #tpu.memory_space<vmem_shared>>
      tpu.wait_indirect_dma semaphore(%arg12 : memref<!tpu.dma_semaphore, #tpu.memory_space<semaphore_mem>>) src(%dma_wait3A_177 : memref<10000x32xf32, #tpu.memory_space<vmem_shared>>) dst(%dma_wait3A_171 : memref<128x32xf32, #tpu.memory_space<vmem>>)
      %dma_start3A_178 = arith.constant 0 : i32
      %dma_start3A_179 = arith.constant 0 : i32
      %dma_start3A_180 = arith.constant 0 : i32
      %dma_start3A_181 = tpu.memref_slice %arg9[%dma_start3A_178, %dma_start3A_179, %dma_start3A_180] : memref<8x128x32xf32, #tpu.memory_space<vmem>> -> memref<1x128x32xf32, #tpu.memory_space<vmem>>
      %dma_start3A_182 = tpu.memref_squeeze %dma_start3A_181 : memref<1x128x32xf32, #tpu.memory_space<vmem>> -> memref<128x32xf32, #tpu.memory_space<vmem>>
      %dma_start3A_183 = arith.constant 0 : i32
      %dma_start3A_184 = tpu.memref_slice %arg8[%add3A_164, %dma_start3A_183] : memref<160x128xi32, #tpu.memory_space<vmem>> -> memref<1x128xi32, #tpu.memory_space<vmem>>
      %dma_start3A_185 = tpu.memref_squeeze %dma_start3A_184 : memref<1x128xi32, #tpu.memory_space<vmem>> -> memref<128xi32, #tpu.memory_space<vmem>>
      %dma_start3A_186 = arith.constant 0 : i32
      %dma_start3A_187 = arith.constant 0 : i32
      %dma_start3A_188 = tpu.memref_slice %arg10[%dma_start3A_186, %dma_start3A_187] : memref<10112x32xf32, #tpu.memory_space<vmem_shared>> -> memref<10112x32xf32, #tpu.memory_space<vmem_shared>>
      tpu.enqueue_indirect_dma source(%dma_start3A_182 : memref<128x32xf32, #tpu.memory_space<vmem>>) target(%dma_start3A_188 : memref<10112x32xf32, #tpu.memory_space<vmem_shared>>) offsets(%dma_start3A_185 : memref<128xi32, #tpu.memory_space<vmem>>) semaphore(%arg20 : memref<!tpu.dma_semaphore, #tpu.memory_space<semaphore_mem>>) {add = true}
      %lt3A = arith.constant 160 : i32
      %lt3A_189 = arith.cmpi slt, %add3A_166, %lt3A : i32
      %convert_element_type3A = arith.extui %lt3A_189 : i1 to i32
      %cond3A = arith.constant 0 : i32
      %cond3A_190 = arith.cmpi ne, %convert_element_type3A, %cond3A : i32
      scf.if %cond3A_190 {
        %ge3A = arith.constant 4 : i32
        %ge3A_422 = arith.cmpi sge, %add3A_164, %ge3A : i32
        %convert_element_type3A_423 = arith.extui %ge3A_422 : i1 to i32
        %cond3A_424 = arith.constant 0 : i32
        %cond3A_425 = arith.cmpi ne, %convert_element_type3A_423, %cond3A_424 : i32
        scf.if %cond3A_425 {
          %dma_wait3A_437 = arith.constant 4 : i32
          %dma_wait3A_438 = arith.constant 0 : i32
          %dma_wait3A_439 = arith.constant 0 : i32
          %dma_wait3A_440 = tpu.memref_slice %arg9[%dma_wait3A_437, %dma_wait3A_438, %dma_wait3A_439] : memref<8x128x32xf32, #tpu.memory_space<vmem>> -> memref<1x128x32xf32, #tpu.memory_space<vmem>>
          %dma_wait3A_441 = tpu.memref_squeeze %dma_wait3A_440 : memref<1x128x32xf32, #tpu.memory_space<vmem>> -> memref<128x32xf32, #tpu.memory_space<vmem>>
          %dma_wait3A_442 = arith.constant 0 : i32
          %dma_wait3A_443 = tpu.memref_slice %arg8[%add3A_164, %dma_wait3A_442] : memref<160x128xi32, #tpu.memory_space<vmem>> -> memref<1x128xi32, #tpu.memory_space<vmem>>
          %dma_wait3A_444 = tpu.memref_squeeze %dma_wait3A_443 : memref<1x128xi32, #tpu.memory_space<vmem>> -> memref<128xi32, #tpu.memory_space<vmem>>
          %dma_wait3A_445 = arith.constant 0 : i32
          %dma_wait3A_446 = arith.constant 0 : i32
          %dma_wait3A_447 = tpu.memref_slice %arg10[%dma_wait3A_445, %dma_wait3A_446] : memref<10112x32xf32, #tpu.memory_space<vmem_shared>> -> memref<10112x32xf32, #tpu.memory_space<vmem_shared>>
          tpu.wait_indirect_dma semaphore(%arg24 : memref<!tpu.dma_semaphore, #tpu.memory_space<semaphore_mem>>) src(%dma_wait3A_441 : memref<128x32xf32, #tpu.memory_space<vmem>>) dst(%dma_wait3A_447 : memref<10112x32xf32, #tpu.memory_space<vmem_shared>>)
        } else {
        }
        %dma_start3A_426 = arith.constant 4 : i32
        %dma_start3A_427 = arith.constant 0 : i32
        %dma_start3A_428 = arith.constant 0 : i32
        %dma_start3A_429 = tpu.memref_slice %arg9[%dma_start3A_426, %dma_start3A_427, %dma_start3A_428] : memref<8x128x32xf32, #tpu.memory_space<vmem>> -> memref<1x128x32xf32, #tpu.memory_space<vmem>>
        %dma_start3A_430 = tpu.memref_squeeze %dma_start3A_429 : memref<1x128x32xf32, #tpu.memory_space<vmem>> -> memref<128x32xf32, #tpu.memory_space<vmem>>
        %dma_start3A_431 = arith.constant 0 : i32
        %dma_start3A_432 = tpu.memref_slice %arg7[%add3A_166, %dma_start3A_431] : memref<160x128xi32, #tpu.memory_space<vmem>> -> memref<1x128xi32, #tpu.memory_space<vmem>>
        %dma_start3A_433 = tpu.memref_squeeze %dma_start3A_432 : memref<1x128xi32, #tpu.memory_space<vmem>> -> memref<128xi32, #tpu.memory_space<vmem>>
        %dma_start3A_434 = arith.constant 0 : i32
        %dma_start3A_435 = arith.constant 0 : i32
        %dma_start3A_436 = tpu.memref_slice %arg11[%dma_start3A_434, %dma_start3A_435] : memref<10000x32xf32, #tpu.memory_space<vmem_shared>> -> memref<10000x32xf32, #tpu.memory_space<vmem_shared>>
        tpu.enqueue_indirect_dma source(%dma_start3A_436 : memref<10000x32xf32, #tpu.memory_space<vmem_shared>>) target(%dma_start3A_430 : memref<128x32xf32, #tpu.memory_space<vmem>>) offsets(%dma_start3A_433 : memref<128xi32, #tpu.memory_space<vmem>>) semaphore(%arg16 : memref<!tpu.dma_semaphore, #tpu.memory_space<semaphore_mem>>)
      } else {
      }
      %mul3A_191 = arith.constant 8 : i32
      %mul3A_192 = arith.muli %scan3A_161, %mul3A_191 : i32
      %add3A_193 = arith.constant 1 : i32
      %add3A_194 = arith.addi %mul3A_192, %add3A_193 : i32
      %add3A_195 = arith.constant 4 : i32
      %add3A_196 = arith.addi %add3A_194, %add3A_195 : i32
      %dma_wait3A_197 = arith.constant 1 : i32
      %dma_wait3A_198 = arith.constant 0 : i32
      %dma_wait3A_199 = arith.constant 0 : i32
      %dma_wait3A_200 = tpu.memref_slice %arg9[%dma_wait3A_197, %dma_wait3A_198, %dma_wait3A_199] : memref<8x128x32xf32, #tpu.memory_space<vmem>> -> memref<1x128x32xf32, #tpu.memory_space<vmem>>
      %dma_wait3A_201 = tpu.memref_squeeze %dma_wait3A_200 : memref<1x128x32xf32, #tpu.memory_space<vmem>> -> memref<128x32xf32, #tpu.memory_space<vmem>>
      %dma_wait3A_202 = arith.constant 0 : i32
      %dma_wait3A_203 = tpu.memref_slice %arg7[%add3A_194, %dma_wait3A_202] : memref<160x128xi32, #tpu.memory_space<vmem>> -> memref<1x128xi32, #tpu.memory_space<vmem>>
      %dma_wait3A_204 = tpu.memref_squeeze %dma_wait3A_203 : memref<1x128xi32, #tpu.memory_space<vmem>> -> memref<128xi32, #tpu.memory_space<vmem>>
      %dma_wait3A_205 = arith.constant 0 : i32
      %dma_wait3A_206 = arith.constant 0 : i32
      %dma_wait3A_207 = tpu.memref_slice %arg11[%dma_wait3A_205, %dma_wait3A_206] : memref<10000x32xf32, #tpu.memory_space<vmem_shared>> -> memref<10000x32xf32, #tpu.memory_space<vmem_shared>>
      tpu.wait_indirect_dma semaphore(%arg13 : memref<!tpu.dma_semaphore, #tpu.memory_space<semaphore_mem>>) src(%dma_wait3A_207 : memref<10000x32xf32, #tpu.memory_space<vmem_shared>>) dst(%dma_wait3A_201 : memref<128x32xf32, #tpu.memory_space<vmem>>)
      %dma_start3A_208 = arith.constant 1 : i32
      %dma_start3A_209 = arith.constant 0 : i32
      %dma_start3A_210 = arith.constant 0 : i32
      %dma_start3A_211 = tpu.memref_slice %arg9[%dma_start3A_208, %dma_start3A_209, %dma_start3A_210] : memref<8x128x32xf32, #tpu.memory_space<vmem>> -> memref<1x128x32xf32, #tpu.memory_space<vmem>>
      %dma_start3A_212 = tpu.memref_squeeze %dma_start3A_211 : memref<1x128x32xf32, #tpu.memory_space<vmem>> -> memref<128x32xf32, #tpu.memory_space<vmem>>
      %dma_start3A_213 = arith.constant 0 : i32
      %dma_start3A_214 = tpu.memref_slice %arg8[%add3A_194, %dma_start3A_213] : memref<160x128xi32, #tpu.memory_space<vmem>> -> memref<1x128xi32, #tpu.memory_space<vmem>>
      %dma_start3A_215 = tpu.memref_squeeze %dma_start3A_214 : memref<1x128xi32, #tpu.memory_space<vmem>> -> memref<128xi32, #tpu.memory_space<vmem>>
      %dma_start3A_216 = arith.constant 0 : i32
      %dma_start3A_217 = arith.constant 0 : i32
      %dma_start3A_218 = tpu.memref_slice %arg10[%dma_start3A_216, %dma_start3A_217] : memref<10112x32xf32, #tpu.memory_space<vmem_shared>> -> memref<10112x32xf32, #tpu.memory_space<vmem_shared>>
      tpu.enqueue_indirect_dma source(%dma_start3A_212 : memref<128x32xf32, #tpu.memory_space<vmem>>) target(%dma_start3A_218 : memref<10112x32xf32, #tpu.memory_space<vmem_shared>>) offsets(%dma_start3A_215 : memref<128xi32, #tpu.memory_space<vmem>>) semaphore(%arg21 : memref<!tpu.dma_semaphore, #tpu.memory_space<semaphore_mem>>) {add = true}
      %lt3A_219 = arith.constant 160 : i32
      %lt3A_220 = arith.cmpi slt, %add3A_196, %lt3A_219 : i32
      %convert_element_type3A_221 = arith.extui %lt3A_220 : i1 to i32
      %cond3A_222 = arith.constant 0 : i32
      %cond3A_223 = arith.cmpi ne, %convert_element_type3A_221, %cond3A_222 : i32
      scf.if %cond3A_223 {
        %ge3A = arith.constant 4 : i32
        %ge3A_422 = arith.cmpi sge, %add3A_194, %ge3A : i32
        %convert_element_type3A_423 = arith.extui %ge3A_422 : i1 to i32
        %cond3A_424 = arith.constant 0 : i32
        %cond3A_425 = arith.cmpi ne, %convert_element_type3A_423, %cond3A_424 : i32
        scf.if %cond3A_425 {
          %dma_wait3A_437 = arith.constant 5 : i32
          %dma_wait3A_438 = arith.constant 0 : i32
          %dma_wait3A_439 = arith.constant 0 : i32
          %dma_wait3A_440 = tpu.memref_slice %arg9[%dma_wait3A_437, %dma_wait3A_438, %dma_wait3A_439] : memref<8x128x32xf32, #tpu.memory_space<vmem>> -> memref<1x128x32xf32, #tpu.memory_space<vmem>>
          %dma_wait3A_441 = tpu.memref_squeeze %dma_wait3A_440 : memref<1x128x32xf32, #tpu.memory_space<vmem>> -> memref<128x32xf32, #tpu.memory_space<vmem>>
          %dma_wait3A_442 = arith.constant 0 : i32
          %dma_wait3A_443 = tpu.memref_slice %arg8[%add3A_194, %dma_wait3A_442] : memref<160x128xi32, #tpu.memory_space<vmem>> -> memref<1x128xi32, #tpu.memory_space<vmem>>
          %dma_wait3A_444 = tpu.memref_squeeze %dma_wait3A_443 : memref<1x128xi32, #tpu.memory_space<vmem>> -> memref<128xi32, #tpu.memory_space<vmem>>
          %dma_wait3A_445 = arith.constant 0 : i32
          %dma_wait3A_446 = arith.constant 0 : i32
          %dma_wait3A_447 = tpu.memref_slice %arg10[%dma_wait3A_445, %dma_wait3A_446] : memref<10112x32xf32, #tpu.memory_space<vmem_shared>> -> memref<10112x32xf32, #tpu.memory_space<vmem_shared>>
          tpu.wait_indirect_dma semaphore(%arg25 : memref<!tpu.dma_semaphore, #tpu.memory_space<semaphore_mem>>) src(%dma_wait3A_441 : memref<128x32xf32, #tpu.memory_space<vmem>>) dst(%dma_wait3A_447 : memref<10112x32xf32, #tpu.memory_space<vmem_shared>>)
        } else {
        }
        %dma_start3A_426 = arith.constant 5 : i32
        %dma_start3A_427 = arith.constant 0 : i32
        %dma_start3A_428 = arith.constant 0 : i32
        %dma_start3A_429 = tpu.memref_slice %arg9[%dma_start3A_426, %dma_start3A_427, %dma_start3A_428] : memref<8x128x32xf32, #tpu.memory_space<vmem>> -> memref<1x128x32xf32, #tpu.memory_space<vmem>>
        %dma_start3A_430 = tpu.memref_squeeze %dma_start3A_429 : memref<1x128x32xf32, #tpu.memory_space<vmem>> -> memref<128x32xf32, #tpu.memory_space<vmem>>
        %dma_start3A_431 = arith.constant 0 : i32
        %dma_start3A_432 = tpu.memref_slice %arg7[%add3A_196, %dma_start3A_431] : memref<160x128xi32, #tpu.memory_space<vmem>> -> memref<1x128xi32, #tpu.memory_space<vmem>>
        %dma_start3A_433 = tpu.memref_squeeze %dma_start3A_432 : memref<1x128xi32, #tpu.memory_space<vmem>> -> memref<128xi32, #tpu.memory_space<vmem>>
        %dma_start3A_434 = arith.constant 0 : i32
        %dma_start3A_435 = arith.constant 0 : i32
        %dma_start3A_436 = tpu.memref_slice %arg11[%dma_start3A_434, %dma_start3A_435] : memref<10000x32xf32, #tpu.memory_space<vmem_shared>> -> memref<10000x32xf32, #tpu.memory_space<vmem_shared>>
        tpu.enqueue_indirect_dma source(%dma_start3A_436 : memref<10000x32xf32, #tpu.memory_space<vmem_shared>>) target(%dma_start3A_430 : memref<128x32xf32, #tpu.memory_space<vmem>>) offsets(%dma_start3A_433 : memref<128xi32, #tpu.memory_space<vmem>>) semaphore(%arg17 : memref<!tpu.dma_semaphore, #tpu.memory_space<semaphore_mem>>)
      } else {
      }
      %mul3A_224 = arith.constant 8 : i32
      %mul3A_225 = arith.muli %scan3A_161, %mul3A_224 : i32
      %add3A_226 = arith.constant 2 : i32
      %add3A_227 = arith.addi %mul3A_225, %add3A_226 : i32
      %add3A_228 = arith.constant 4 : i32
      %add3A_229 = arith.addi %add3A_227, %add3A_228 : i32
      %dma_wait3A_230 = arith.constant 2 : i32
      %dma_wait3A_231 = arith.constant 0 : i32
      %dma_wait3A_232 = arith.constant 0 : i32
      %dma_wait3A_233 = tpu.memref_slice %arg9[%dma_wait3A_230, %dma_wait3A_231, %dma_wait3A_232] : memref<8x128x32xf32, #tpu.memory_space<vmem>> -> memref<1x128x32xf32, #tpu.memory_space<vmem>>
      %dma_wait3A_234 = tpu.memref_squeeze %dma_wait3A_233 : memref<1x128x32xf32, #tpu.memory_space<vmem>> -> memref<128x32xf32, #tpu.memory_space<vmem>>
      %dma_wait3A_235 = arith.constant 0 : i32
      %dma_wait3A_236 = tpu.memref_slice %arg7[%add3A_227, %dma_wait3A_235] : memref<160x128xi32, #tpu.memory_space<vmem>> -> memref<1x128xi32, #tpu.memory_space<vmem>>
      %dma_wait3A_237 = tpu.memref_squeeze %dma_wait3A_236 : memref<1x128xi32, #tpu.memory_space<vmem>> -> memref<128xi32, #tpu.memory_space<vmem>>
      %dma_wait3A_238 = arith.constant 0 : i32
      %dma_wait3A_239 = arith.constant 0 : i32
      %dma_wait3A_240 = tpu.memref_slice %arg11[%dma_wait3A_238, %dma_wait3A_239] : memref<10000x32xf32, #tpu.memory_space<vmem_shared>> -> memref<10000x32xf32, #tpu.memory_space<vmem_shared>>
      tpu.wait_indirect_dma semaphore(%arg14 : memref<!tpu.dma_semaphore, #tpu.memory_space<semaphore_mem>>) src(%dma_wait3A_240 : memref<10000x32xf32, #tpu.memory_space<vmem_shared>>) dst(%dma_wait3A_234 : memref<128x32xf32, #tpu.memory_space<vmem>>)
      %dma_start3A_241 = arith.constant 2 : i32
      %dma_start3A_242 = arith.constant 0 : i32
      %dma_start3A_243 = arith.constant 0 : i32
      %dma_start3A_244 = tpu.memref_slice %arg9[%dma_start3A_241, %dma_start3A_242, %dma_start3A_243] : memref<8x128x32xf32, #tpu.memory_space<vmem>> -> memref<1x128x32xf32, #tpu.memory_space<vmem>>
      %dma_start3A_245 = tpu.memref_squeeze %dma_start3A_244 : memref<1x128x32xf32, #tpu.memory_space<vmem>> -> memref<128x32xf32, #tpu.memory_space<vmem>>
      %dma_start3A_246 = arith.constant 0 : i32
      %dma_start3A_247 = tpu.memref_slice %arg8[%add3A_227, %dma_start3A_246] : memref<160x128xi32, #tpu.memory_space<vmem>> -> memref<1x128xi32, #tpu.memory_space<vmem>>
      %dma_start3A_248 = tpu.memref_squeeze %dma_start3A_247 : memref<1x128xi32, #tpu.memory_space<vmem>> -> memref<128xi32, #tpu.memory_space<vmem>>
      %dma_start3A_249 = arith.constant 0 : i32
      %dma_start3A_250 = arith.constant 0 : i32
      %dma_start3A_251 = tpu.memref_slice %arg10[%dma_start3A_249, %dma_start3A_250] : memref<10112x32xf32, #tpu.memory_space<vmem_shared>> -> memref<10112x32xf32, #tpu.memory_space<vmem_shared>>
      tpu.enqueue_indirect_dma source(%dma_start3A_245 : memref<128x32xf32, #tpu.memory_space<vmem>>) target(%dma_start3A_251 : memref<10112x32xf32, #tpu.memory_space<vmem_shared>>) offsets(%dma_start3A_248 : memref<128xi32, #tpu.memory_space<vmem>>) semaphore(%arg22 : memref<!tpu.dma_semaphore, #tpu.memory_space<semaphore_mem>>) {add = true}
      %lt3A_252 = arith.constant 160 : i32
      %lt3A_253 = arith.cmpi slt, %add3A_229, %lt3A_252 : i32
      %convert_element_type3A_254 = arith.extui %lt3A_253 : i1 to i32
      %cond3A_255 = arith.constant 0 : i32
      %cond3A_256 = arith.cmpi ne, %convert_element_type3A_254, %cond3A_255 : i32
      scf.if %cond3A_256 {
        %ge3A = arith.constant 4 : i32
        %ge3A_422 = arith.cmpi sge, %add3A_227, %ge3A : i32
        %convert_element_type3A_423 = arith.extui %ge3A_422 : i1 to i32
        %cond3A_424 = arith.constant 0 : i32
        %cond3A_425 = arith.cmpi ne, %convert_element_type3A_423, %cond3A_424 : i32
        scf.if %cond3A_425 {
          %dma_wait3A_437 = arith.constant 6 : i32
          %dma_wait3A_438 = arith.constant 0 : i32
          %dma_wait3A_439 = arith.constant 0 : i32
          %dma_wait3A_440 = tpu.memref_slice %arg9[%dma_wait3A_437, %dma_wait3A_438, %dma_wait3A_439] : memref<8x128x32xf32, #tpu.memory_space<vmem>> -> memref<1x128x32xf32, #tpu.memory_space<vmem>>
          %dma_wait3A_441 = tpu.memref_squeeze %dma_wait3A_440 : memref<1x128x32xf32, #tpu.memory_space<vmem>> -> memref<128x32xf32, #tpu.memory_space<vmem>>
          %dma_wait3A_442 = arith.constant 0 : i32
          %dma_wait3A_443 = tpu.memref_slice %arg8[%add3A_227, %dma_wait3A_442] : memref<160x128xi32, #tpu.memory_space<vmem>> -> memref<1x128xi32, #tpu.memory_space<vmem>>
          %dma_wait3A_444 = tpu.memref_squeeze %dma_wait3A_443 : memref<1x128xi32, #tpu.memory_space<vmem>> -> memref<128xi32, #tpu.memory_space<vmem>>
          %dma_wait3A_445 = arith.constant 0 : i32
          %dma_wait3A_446 = arith.constant 0 : i32
          %dma_wait3A_447 = tpu.memref_slice %arg10[%dma_wait3A_445, %dma_wait3A_446] : memref<10112x32xf32, #tpu.memory_space<vmem_shared>> -> memref<10112x32xf32, #tpu.memory_space<vmem_shared>>
          tpu.wait_indirect_dma semaphore(%arg26 : memref<!tpu.dma_semaphore, #tpu.memory_space<semaphore_mem>>) src(%dma_wait3A_441 : memref<128x32xf32, #tpu.memory_space<vmem>>) dst(%dma_wait3A_447 : memref<10112x32xf32, #tpu.memory_space<vmem_shared>>)
        } else {
        }
        %dma_start3A_426 = arith.constant 6 : i32
        %dma_start3A_427 = arith.constant 0 : i32
        %dma_start3A_428 = arith.constant 0 : i32
        %dma_start3A_429 = tpu.memref_slice %arg9[%dma_start3A_426, %dma_start3A_427, %dma_start3A_428] : memref<8x128x32xf32, #tpu.memory_space<vmem>> -> memref<1x128x32xf32, #tpu.memory_space<vmem>>
        %dma_start3A_430 = tpu.memref_squeeze %dma_start3A_429 : memref<1x128x32xf32, #tpu.memory_space<vmem>> -> memref<128x32xf32, #tpu.memory_space<vmem>>
        %dma_start3A_431 = arith.constant 0 : i32
        %dma_start3A_432 = tpu.memref_slice %arg7[%add3A_229, %dma_start3A_431] : memref<160x128xi32, #tpu.memory_space<vmem>> -> memref<1x128xi32, #tpu.memory_space<vmem>>
        %dma_start3A_433 = tpu.memref_squeeze %dma_start3A_432 : memref<1x128xi32, #tpu.memory_space<vmem>> -> memref<128xi32, #tpu.memory_space<vmem>>
        %dma_start3A_434 = arith.constant 0 : i32
        %dma_start3A_435 = arith.constant 0 : i32
        %dma_start3A_436 = tpu.memref_slice %arg11[%dma_start3A_434, %dma_start3A_435] : memref<10000x32xf32, #tpu.memory_space<vmem_shared>> -> memref<10000x32xf32, #tpu.memory_space<vmem_shared>>
        tpu.enqueue_indirect_dma source(%dma_start3A_436 : memref<10000x32xf32, #tpu.memory_space<vmem_shared>>) target(%dma_start3A_430 : memref<128x32xf32, #tpu.memory_space<vmem>>) offsets(%dma_start3A_433 : memref<128xi32, #tpu.memory_space<vmem>>) semaphore(%arg18 : memref<!tpu.dma_semaphore, #tpu.memory_space<semaphore_mem>>)
      } else {
      }
      %mul3A_257 = arith.constant 8 : i32
      %mul3A_258 = arith.muli %scan3A_161, %mul3A_257 : i32
      %add3A_259 = arith.constant 3 : i32
      %add3A_260 = arith.addi %mul3A_258, %add3A_259 : i32
      %add3A_261 = arith.constant 4 : i32
      %add3A_262 = arith.addi %add3A_260, %add3A_261 : i32
      %dma_wait3A_263 = arith.constant 3 : i32
      %dma_wait3A_264 = arith.constant 0 : i32
      %dma_wait3A_265 = arith.constant 0 : i32
      %dma_wait3A_266 = tpu.memref_slice %arg9[%dma_wait3A_263, %dma_wait3A_264, %dma_wait3A_265] : memref<8x128x32xf32, #tpu.memory_space<vmem>> -> memref<1x128x32xf32, #tpu.memory_space<vmem>>
      %dma_wait3A_267 = tpu.memref_squeeze %dma_wait3A_266 : memref<1x128x32xf32, #tpu.memory_space<vmem>> -> memref<128x32xf32, #tpu.memory_space<vmem>>
      %dma_wait3A_268 = arith.constant 0 : i32
      %dma_wait3A_269 = tpu.memref_slice %arg7[%add3A_260, %dma_wait3A_268] : memref<160x128xi32, #tpu.memory_space<vmem>> -> memref<1x128xi32, #tpu.memory_space<vmem>>
      %dma_wait3A_270 = tpu.memref_squeeze %dma_wait3A_269 : memref<1x128xi32, #tpu.memory_space<vmem>> -> memref<128xi32, #tpu.memory_space<vmem>>
      %dma_wait3A_271 = arith.constant 0 : i32
      %dma_wait3A_272 = arith.constant 0 : i32
      %dma_wait3A_273 = tpu.memref_slice %arg11[%dma_wait3A_271, %dma_wait3A_272] : memref<10000x32xf32, #tpu.memory_space<vmem_shared>> -> memref<10000x32xf32, #tpu.memory_space<vmem_shared>>
      tpu.wait_indirect_dma semaphore(%arg15 : memref<!tpu.dma_semaphore, #tpu.memory_space<semaphore_mem>>) src(%dma_wait3A_273 : memref<10000x32xf32, #tpu.memory_space<vmem_shared>>) dst(%dma_wait3A_267 : memref<128x32xf32, #tpu.memory_space<vmem>>)
      %dma_start3A_274 = arith.constant 3 : i32
      %dma_start3A_275 = arith.constant 0 : i32
      %dma_start3A_276 = arith.constant 0 : i32
      %dma_start3A_277 = tpu.memref_slice %arg9[%dma_start3A_274, %dma_start3A_275, %dma_start3A_276] : memref<8x128x32xf32, #tpu.memory_space<vmem>> -> memref<1x128x32xf32, #tpu.memory_space<vmem>>
      %dma_start3A_278 = tpu.memref_squeeze %dma_start3A_277 : memref<1x128x32xf32, #tpu.memory_space<vmem>> -> memref<128x32xf32, #tpu.memory_space<vmem>>
      %dma_start3A_279 = arith.constant 0 : i32
      %dma_start3A_280 = tpu.memref_slice %arg8[%add3A_260, %dma_start3A_279] : memref<160x128xi32, #tpu.memory_space<vmem>> -> memref<1x128xi32, #tpu.memory_space<vmem>>
      %dma_start3A_281 = tpu.memref_squeeze %dma_start3A_280 : memref<1x128xi32, #tpu.memory_space<vmem>> -> memref<128xi32, #tpu.memory_space<vmem>>
      %dma_start3A_282 = arith.constant 0 : i32
      %dma_start3A_283 = arith.constant 0 : i32
      %dma_start3A_284 = tpu.memref_slice %arg10[%dma_start3A_282, %dma_start3A_283] : memref<10112x32xf32, #tpu.memory_space<vmem_shared>> -> memref<10112x32xf32, #tpu.memory_space<vmem_shared>>
      tpu.enqueue_indirect_dma source(%dma_start3A_278 : memref<128x32xf32, #tpu.memory_space<vmem>>) target(%dma_start3A_284 : memref<10112x32xf32, #tpu.memory_space<vmem_shared>>) offsets(%dma_start3A_281 : memref<128xi32, #tpu.memory_space<vmem>>) semaphore(%arg23 : memref<!tpu.dma_semaphore, #tpu.memory_space<semaphore_mem>>) {add = true}
      %lt3A_285 = arith.constant 160 : i32
      %lt3A_286 = arith.cmpi slt, %add3A_262, %lt3A_285 : i32
      %convert_element_type3A_287 = arith.extui %lt3A_286 : i1 to i32
      %cond3A_288 = arith.constant 0 : i32
      %cond3A_289 = arith.cmpi ne, %convert_element_type3A_287, %cond3A_288 : i32
      scf.if %cond3A_289 {
        %ge3A = arith.constant 4 : i32
        %ge3A_422 = arith.cmpi sge, %add3A_260, %ge3A : i32
        %convert_element_type3A_423 = arith.extui %ge3A_422 : i1 to i32
        %cond3A_424 = arith.constant 0 : i32
        %cond3A_425 = arith.cmpi ne, %convert_element_type3A_423, %cond3A_424 : i32
        scf.if %cond3A_425 {
          %dma_wait3A_437 = arith.constant 7 : i32
          %dma_wait3A_438 = arith.constant 0 : i32
          %dma_wait3A_439 = arith.constant 0 : i32
          %dma_wait3A_440 = tpu.memref_slice %arg9[%dma_wait3A_437, %dma_wait3A_438, %dma_wait3A_439] : memref<8x128x32xf32, #tpu.memory_space<vmem>> -> memref<1x128x32xf32, #tpu.memory_space<vmem>>
          %dma_wait3A_441 = tpu.memref_squeeze %dma_wait3A_440 : memref<1x128x32xf32, #tpu.memory_space<vmem>> -> memref<128x32xf32, #tpu.memory_space<vmem>>
          %dma_wait3A_442 = arith.constant 0 : i32
          %dma_wait3A_443 = tpu.memref_slice %arg8[%add3A_260, %dma_wait3A_442] : memref<160x128xi32, #tpu.memory_space<vmem>> -> memref<1x128xi32, #tpu.memory_space<vmem>>
          %dma_wait3A_444 = tpu.memref_squeeze %dma_wait3A_443 : memref<1x128xi32, #tpu.memory_space<vmem>> -> memref<128xi32, #tpu.memory_space<vmem>>
          %dma_wait3A_445 = arith.constant 0 : i32
          %dma_wait3A_446 = arith.constant 0 : i32
          %dma_wait3A_447 = tpu.memref_slice %arg10[%dma_wait3A_445, %dma_wait3A_446] : memref<10112x32xf32, #tpu.memory_space<vmem_shared>> -> memref<10112x32xf32, #tpu.memory_space<vmem_shared>>
          tpu.wait_indirect_dma semaphore(%arg27 : memref<!tpu.dma_semaphore, #tpu.memory_space<semaphore_mem>>) src(%dma_wait3A_441 : memref<128x32xf32, #tpu.memory_space<vmem>>) dst(%dma_wait3A_447 : memref<10112x32xf32, #tpu.memory_space<vmem_shared>>)
        } else {
        }
        %dma_start3A_426 = arith.constant 7 : i32
        %dma_start3A_427 = arith.constant 0 : i32
        %dma_start3A_428 = arith.constant 0 : i32
        %dma_start3A_429 = tpu.memref_slice %arg9[%dma_start3A_426, %dma_start3A_427, %dma_start3A_428] : memref<8x128x32xf32, #tpu.memory_space<vmem>> -> memref<1x128x32xf32, #tpu.memory_space<vmem>>
        %dma_start3A_430 = tpu.memref_squeeze %dma_start3A_429 : memref<1x128x32xf32, #tpu.memory_space<vmem>> -> memref<128x32xf32, #tpu.memory_space<vmem>>
        %dma_start3A_431 = arith.constant 0 : i32
        %dma_start3A_432 = tpu.memref_slice %arg7[%add3A_262, %dma_start3A_431] : memref<160x128xi32, #tpu.memory_space<vmem>> -> memref<1x128xi32, #tpu.memory_space<vmem>>
        %dma_start3A_433 = tpu.memref_squeeze %dma_start3A_432 : memref<1x128xi32, #tpu.memory_space<vmem>> -> memref<128xi32, #tpu.memory_space<vmem>>
        %dma_start3A_434 = arith.constant 0 : i32
        %dma_start3A_435 = arith.constant 0 : i32
        %dma_start3A_436 = tpu.memref_slice %arg11[%dma_start3A_434, %dma_start3A_435] : memref<10000x32xf32, #tpu.memory_space<vmem_shared>> -> memref<10000x32xf32, #tpu.memory_space<vmem_shared>>
        tpu.enqueue_indirect_dma source(%dma_start3A_436 : memref<10000x32xf32, #tpu.memory_space<vmem_shared>>) target(%dma_start3A_430 : memref<128x32xf32, #tpu.memory_space<vmem>>) offsets(%dma_start3A_433 : memref<128xi32, #tpu.memory_space<vmem>>) semaphore(%arg19 : memref<!tpu.dma_semaphore, #tpu.memory_space<semaphore_mem>>)
      } else {
      }
      %mul3A_290 = arith.constant 8 : i32
      %mul3A_291 = arith.muli %scan3A_161, %mul3A_290 : i32
      %add3A_292 = arith.constant 4 : i32
      %add3A_293 = arith.addi %mul3A_291, %add3A_292 : i32
      %add3A_294 = arith.constant 4 : i32
      %add3A_295 = arith.addi %add3A_293, %add3A_294 : i32
      %dma_wait3A_296 = arith.constant 4 : i32
      %dma_wait3A_297 = arith.constant 0 : i32
      %dma_wait3A_298 = arith.constant 0 : i32
      %dma_wait3A_299 = tpu.memref_slice %arg9[%dma_wait3A_296, %dma_wait3A_297, %dma_wait3A_298] : memref<8x128x32xf32, #tpu.memory_space<vmem>> -> memref<1x128x32xf32, #tpu.memory_space<vmem>>
      %dma_wait3A_300 = tpu.memref_squeeze %dma_wait3A_299 : memref<1x128x32xf32, #tpu.memory_space<vmem>> -> memref<128x32xf32, #tpu.memory_space<vmem>>
      %dma_wait3A_301 = arith.constant 0 : i32
      %dma_wait3A_302 = tpu.memref_slice %arg7[%add3A_293, %dma_wait3A_301] : memref<160x128xi32, #tpu.memory_space<vmem>> -> memref<1x128xi32, #tpu.memory_space<vmem>>
      %dma_wait3A_303 = tpu.memref_squeeze %dma_wait3A_302 : memref<1x128xi32, #tpu.memory_space<vmem>> -> memref<128xi32, #tpu.memory_space<vmem>>
      %dma_wait3A_304 = arith.constant 0 : i32
      %dma_wait3A_305 = arith.constant 0 : i32
      %dma_wait3A_306 = tpu.memref_slice %arg11[%dma_wait3A_304, %dma_wait3A_305] : memref<10000x32xf32, #tpu.memory_space<vmem_shared>> -> memref<10000x32xf32, #tpu.memory_space<vmem_shared>>
      tpu.wait_indirect_dma semaphore(%arg16 : memref<!tpu.dma_semaphore, #tpu.memory_space<semaphore_mem>>) src(%dma_wait3A_306 : memref<10000x32xf32, #tpu.memory_space<vmem_shared>>) dst(%dma_wait3A_300 : memref<128x32xf32, #tpu.memory_space<vmem>>)
      %dma_start3A_307 = arith.constant 4 : i32
      %dma_start3A_308 = arith.constant 0 : i32
      %dma_start3A_309 = arith.constant 0 : i32
      %dma_start3A_310 = tpu.memref_slice %arg9[%dma_start3A_307, %dma_start3A_308, %dma_start3A_309] : memref<8x128x32xf32, #tpu.memory_space<vmem>> -> memref<1x128x32xf32, #tpu.memory_space<vmem>>
      %dma_start3A_311 = tpu.memref_squeeze %dma_start3A_310 : memref<1x128x32xf32, #tpu.memory_space<vmem>> -> memref<128x32xf32, #tpu.memory_space<vmem>>
      %dma_start3A_312 = arith.constant 0 : i32
      %dma_start3A_313 = tpu.memref_slice %arg8[%add3A_293, %dma_start3A_312] : memref<160x128xi32, #tpu.memory_space<vmem>> -> memref<1x128xi32, #tpu.memory_space<vmem>>
      %dma_start3A_314 = tpu.memref_squeeze %dma_start3A_313 : memref<1x128xi32, #tpu.memory_space<vmem>> -> memref<128xi32, #tpu.memory_space<vmem>>
      %dma_start3A_315 = arith.constant 0 : i32
      %dma_start3A_316 = arith.constant 0 : i32
      %dma_start3A_317 = tpu.memref_slice %arg10[%dma_start3A_315, %dma_start3A_316] : memref<10112x32xf32, #tpu.memory_space<vmem_shared>> -> memref<10112x32xf32, #tpu.memory_space<vmem_shared>>
      tpu.enqueue_indirect_dma source(%dma_start3A_311 : memref<128x32xf32, #tpu.memory_space<vmem>>) target(%dma_start3A_317 : memref<10112x32xf32, #tpu.memory_space<vmem_shared>>) offsets(%dma_start3A_314 : memref<128xi32, #tpu.memory_space<vmem>>) semaphore(%arg24 : memref<!tpu.dma_semaphore, #tpu.memory_space<semaphore_mem>>) {add = true}
      %lt3A_318 = arith.constant 160 : i32
      %lt3A_319 = arith.cmpi slt, %add3A_295, %lt3A_318 : i32
      %convert_element_type3A_320 = arith.extui %lt3A_319 : i1 to i32
      %cond3A_321 = arith.constant 0 : i32
      %cond3A_322 = arith.cmpi ne, %convert_element_type3A_320, %cond3A_321 : i32
      scf.if %cond3A_322 {
        %ge3A = arith.constant 4 : i32
        %ge3A_422 = arith.cmpi sge, %add3A_293, %ge3A : i32
        %convert_element_type3A_423 = arith.extui %ge3A_422 : i1 to i32
        %cond3A_424 = arith.constant 0 : i32
        %cond3A_425 = arith.cmpi ne, %convert_element_type3A_423, %cond3A_424 : i32
        scf.if %cond3A_425 {
          %dma_wait3A_437 = arith.constant 0 : i32
          %dma_wait3A_438 = arith.constant 0 : i32
          %dma_wait3A_439 = arith.constant 0 : i32
          %dma_wait3A_440 = tpu.memref_slice %arg9[%dma_wait3A_437, %dma_wait3A_438, %dma_wait3A_439] : memref<8x128x32xf32, #tpu.memory_space<vmem>> -> memref<1x128x32xf32, #tpu.memory_space<vmem>>
          %dma_wait3A_441 = tpu.memref_squeeze %dma_wait3A_440 : memref<1x128x32xf32, #tpu.memory_space<vmem>> -> memref<128x32xf32, #tpu.memory_space<vmem>>
          %dma_wait3A_442 = arith.constant 0 : i32
          %dma_wait3A_443 = tpu.memref_slice %arg8[%add3A_293, %dma_wait3A_442] : memref<160x128xi32, #tpu.memory_space<vmem>> -> memref<1x128xi32, #tpu.memory_space<vmem>>
          %dma_wait3A_444 = tpu.memref_squeeze %dma_wait3A_443 : memref<1x128xi32, #tpu.memory_space<vmem>> -> memref<128xi32, #tpu.memory_space<vmem>>
          %dma_wait3A_445 = arith.constant 0 : i32
          %dma_wait3A_446 = arith.constant 0 : i32
          %dma_wait3A_447 = tpu.memref_slice %arg10[%dma_wait3A_445, %dma_wait3A_446] : memref<10112x32xf32, #tpu.memory_space<vmem_shared>> -> memref<10112x32xf32, #tpu.memory_space<vmem_shared>>
          tpu.wait_indirect_dma semaphore(%arg20 : memref<!tpu.dma_semaphore, #tpu.memory_space<semaphore_mem>>) src(%dma_wait3A_441 : memref<128x32xf32, #tpu.memory_space<vmem>>) dst(%dma_wait3A_447 : memref<10112x32xf32, #tpu.memory_space<vmem_shared>>)
        } else {
        }
        %dma_start3A_426 = arith.constant 0 : i32
        %dma_start3A_427 = arith.constant 0 : i32
        %dma_start3A_428 = arith.constant 0 : i32
        %dma_start3A_429 = tpu.memref_slice %arg9[%dma_start3A_426, %dma_start3A_427, %dma_start3A_428] : memref<8x128x32xf32, #tpu.memory_space<vmem>> -> memref<1x128x32xf32, #tpu.memory_space<vmem>>
        %dma_start3A_430 = tpu.memref_squeeze %dma_start3A_429 : memref<1x128x32xf32, #tpu.memory_space<vmem>> -> memref<128x32xf32, #tpu.memory_space<vmem>>
        %dma_start3A_431 = arith.constant 0 : i32
        %dma_start3A_432 = tpu.memref_slice %arg7[%add3A_295, %dma_start3A_431] : memref<160x128xi32, #tpu.memory_space<vmem>> -> memref<1x128xi32, #tpu.memory_space<vmem>>
        %dma_start3A_433 = tpu.memref_squeeze %dma_start3A_432 : memref<1x128xi32, #tpu.memory_space<vmem>> -> memref<128xi32, #tpu.memory_space<vmem>>
        %dma_start3A_434 = arith.constant 0 : i32
        %dma_start3A_435 = arith.constant 0 : i32
        %dma_start3A_436 = tpu.memref_slice %arg11[%dma_start3A_434, %dma_start3A_435] : memref<10000x32xf32, #tpu.memory_space<vmem_shared>> -> memref<10000x32xf32, #tpu.memory_space<vmem_shared>>
        tpu.enqueue_indirect_dma source(%dma_start3A_436 : memref<10000x32xf32, #tpu.memory_space<vmem_shared>>) target(%dma_start3A_430 : memref<128x32xf32, #tpu.memory_space<vmem>>) offsets(%dma_start3A_433 : memref<128xi32, #tpu.memory_space<vmem>>) semaphore(%arg12 : memref<!tpu.dma_semaphore, #tpu.memory_space<semaphore_mem>>)
      } else {
      }
      %mul3A_323 = arith.constant 8 : i32
      %mul3A_324 = arith.muli %scan3A_161, %mul3A_323 : i32
      %add3A_325 = arith.constant 5 : i32
      %add3A_326 = arith.addi %mul3A_324, %add3A_325 : i32
      %add3A_327 = arith.constant 4 : i32
      %add3A_328 = arith.addi %add3A_326, %add3A_327 : i32
      %dma_wait3A_329 = arith.constant 5 : i32
      %dma_wait3A_330 = arith.constant 0 : i32
      %dma_wait3A_331 = arith.constant 0 : i32
      %dma_wait3A_332 = tpu.memref_slice %arg9[%dma_wait3A_329, %dma_wait3A_330, %dma_wait3A_331] : memref<8x128x32xf32, #tpu.memory_space<vmem>> -> memref<1x128x32xf32, #tpu.memory_space<vmem>>
      %dma_wait3A_333 = tpu.memref_squeeze %dma_wait3A_332 : memref<1x128x32xf32, #tpu.memory_space<vmem>> -> memref<128x32xf32, #tpu.memory_space<vmem>>
      %dma_wait3A_334 = arith.constant 0 : i32
      %dma_wait3A_335 = tpu.memref_slice %arg7[%add3A_326, %dma_wait3A_334] : memref<160x128xi32, #tpu.memory_space<vmem>> -> memref<1x128xi32, #tpu.memory_space<vmem>>
      %dma_wait3A_336 = tpu.memref_squeeze %dma_wait3A_335 : memref<1x128xi32, #tpu.memory_space<vmem>> -> memref<128xi32, #tpu.memory_space<vmem>>
      %dma_wait3A_337 = arith.constant 0 : i32
      %dma_wait3A_338 = arith.constant 0 : i32
      %dma_wait3A_339 = tpu.memref_slice %arg11[%dma_wait3A_337, %dma_wait3A_338] : memref<10000x32xf32, #tpu.memory_space<vmem_shared>> -> memref<10000x32xf32, #tpu.memory_space<vmem_shared>>
      tpu.wait_indirect_dma semaphore(%arg17 : memref<!tpu.dma_semaphore, #tpu.memory_space<semaphore_mem>>) src(%dma_wait3A_339 : memref<10000x32xf32, #tpu.memory_space<vmem_shared>>) dst(%dma_wait3A_333 : memref<128x32xf32, #tpu.memory_space<vmem>>)
      %dma_start3A_340 = arith.constant 5 : i32
      %dma_start3A_341 = arith.constant 0 : i32
      %dma_start3A_342 = arith.constant 0 : i32
      %dma_start3A_343 = tpu.memref_slice %arg9[%dma_start3A_340, %dma_start3A_341, %dma_start3A_342] : memref<8x128x32xf32, #tpu.memory_space<vmem>> -> memref<1x128x32xf32, #tpu.memory_space<vmem>>
      %dma_start3A_344 = tpu.memref_squeeze %dma_start3A_343 : memref<1x128x32xf32, #tpu.memory_space<vmem>> -> memref<128x32xf32, #tpu.memory_space<vmem>>
      %dma_start3A_345 = arith.constant 0 : i32
      %dma_start3A_346 = tpu.memref_slice %arg8[%add3A_326, %dma_start3A_345] : memref<160x128xi32, #tpu.memory_space<vmem>> -> memref<1x128xi32, #tpu.memory_space<vmem>>
      %dma_start3A_347 = tpu.memref_squeeze %dma_start3A_346 : memref<1x128xi32, #tpu.memory_space<vmem>> -> memref<128xi32, #tpu.memory_space<vmem>>
      %dma_start3A_348 = arith.constant 0 : i32
      %dma_start3A_349 = arith.constant 0 : i32
      %dma_start3A_350 = tpu.memref_slice %arg10[%dma_start3A_348, %dma_start3A_349] : memref<10112x32xf32, #tpu.memory_space<vmem_shared>> -> memref<10112x32xf32, #tpu.memory_space<vmem_shared>>
      tpu.enqueue_indirect_dma source(%dma_start3A_344 : memref<128x32xf32, #tpu.memory_space<vmem>>) target(%dma_start3A_350 : memref<10112x32xf32, #tpu.memory_space<vmem_shared>>) offsets(%dma_start3A_347 : memref<128xi32, #tpu.memory_space<vmem>>) semaphore(%arg25 : memref<!tpu.dma_semaphore, #tpu.memory_space<semaphore_mem>>) {add = true}
      %lt3A_351 = arith.constant 160 : i32
      %lt3A_352 = arith.cmpi slt, %add3A_328, %lt3A_351 : i32
      %convert_element_type3A_353 = arith.extui %lt3A_352 : i1 to i32
      %cond3A_354 = arith.constant 0 : i32
      %cond3A_355 = arith.cmpi ne, %convert_element_type3A_353, %cond3A_354 : i32
      scf.if %cond3A_355 {
        %ge3A = arith.constant 4 : i32
        %ge3A_422 = arith.cmpi sge, %add3A_326, %ge3A : i32
        %convert_element_type3A_423 = arith.extui %ge3A_422 : i1 to i32
        %cond3A_424 = arith.constant 0 : i32
        %cond3A_425 = arith.cmpi ne, %convert_element_type3A_423, %cond3A_424 : i32
        scf.if %cond3A_425 {
          %dma_wait3A_437 = arith.constant 1 : i32
          %dma_wait3A_438 = arith.constant 0 : i32
          %dma_wait3A_439 = arith.constant 0 : i32
          %dma_wait3A_440 = tpu.memref_slice %arg9[%dma_wait3A_437, %dma_wait3A_438, %dma_wait3A_439] : memref<8x128x32xf32, #tpu.memory_space<vmem>> -> memref<1x128x32xf32, #tpu.memory_space<vmem>>
          %dma_wait3A_441 = tpu.memref_squeeze %dma_wait3A_440 : memref<1x128x32xf32, #tpu.memory_space<vmem>> -> memref<128x32xf32, #tpu.memory_space<vmem>>
          %dma_wait3A_442 = arith.constant 0 : i32
          %dma_wait3A_443 = tpu.memref_slice %arg8[%add3A_326, %dma_wait3A_442] : memref<160x128xi32, #tpu.memory_space<vmem>> -> memref<1x128xi32, #tpu.memory_space<vmem>>
          %dma_wait3A_444 = tpu.memref_squeeze %dma_wait3A_443 : memref<1x128xi32, #tpu.memory_space<vmem>> -> memref<128xi32, #tpu.memory_space<vmem>>
          %dma_wait3A_445 = arith.constant 0 : i32
          %dma_wait3A_446 = arith.constant 0 : i32
          %dma_wait3A_447 = tpu.memref_slice %arg10[%dma_wait3A_445, %dma_wait3A_446] : memref<10112x32xf32, #tpu.memory_space<vmem_shared>> -> memref<10112x32xf32, #tpu.memory_space<vmem_shared>>
          tpu.wait_indirect_dma semaphore(%arg21 : memref<!tpu.dma_semaphore, #tpu.memory_space<semaphore_mem>>) src(%dma_wait3A_441 : memref<128x32xf32, #tpu.memory_space<vmem>>) dst(%dma_wait3A_447 : memref<10112x32xf32, #tpu.memory_space<vmem_shared>>)
        } else {
        }
        %dma_start3A_426 = arith.constant 1 : i32
        %dma_start3A_427 = arith.constant 0 : i32
        %dma_start3A_428 = arith.constant 0 : i32
        %dma_start3A_429 = tpu.memref_slice %arg9[%dma_start3A_426, %dma_start3A_427, %dma_start3A_428] : memref<8x128x32xf32, #tpu.memory_space<vmem>> -> memref<1x128x32xf32, #tpu.memory_space<vmem>>
        %dma_start3A_430 = tpu.memref_squeeze %dma_start3A_429 : memref<1x128x32xf32, #tpu.memory_space<vmem>> -> memref<128x32xf32, #tpu.memory_space<vmem>>
        %dma_start3A_431 = arith.constant 0 : i32
        %dma_start3A_432 = tpu.memref_slice %arg7[%add3A_328, %dma_start3A_431] : memref<160x128xi32, #tpu.memory_space<vmem>> -> memref<1x128xi32, #tpu.memory_space<vmem>>
        %dma_start3A_433 = tpu.memref_squeeze %dma_start3A_432 : memref<1x128xi32, #tpu.memory_space<vmem>> -> memref<128xi32, #tpu.memory_space<vmem>>
        %dma_start3A_434 = arith.constant 0 : i32
        %dma_start3A_435 = arith.constant 0 : i32
        %dma_start3A_436 = tpu.memref_slice %arg11[%dma_start3A_434, %dma_start3A_435] : memref<10000x32xf32, #tpu.memory_space<vmem_shared>> -> memref<10000x32xf32, #tpu.memory_space<vmem_shared>>
        tpu.enqueue_indirect_dma source(%dma_start3A_436 : memref<10000x32xf32, #tpu.memory_space<vmem_shared>>) target(%dma_start3A_430 : memref<128x32xf32, #tpu.memory_space<vmem>>) offsets(%dma_start3A_433 : memref<128xi32, #tpu.memory_space<vmem>>) semaphore(%arg13 : memref<!tpu.dma_semaphore, #tpu.memory_space<semaphore_mem>>)
      } else {
      }
      %mul3A_356 = arith.constant 8 : i32
      %mul3A_357 = arith.muli %scan3A_161, %mul3A_356 : i32
      %add3A_358 = arith.constant 6 : i32
      %add3A_359 = arith.addi %mul3A_357, %add3A_358 : i32
      %add3A_360 = arith.constant 4 : i32
      %add3A_361 = arith.addi %add3A_359, %add3A_360 : i32
      %dma_wait3A_362 = arith.constant 6 : i32
      %dma_wait3A_363 = arith.constant 0 : i32
      %dma_wait3A_364 = arith.constant 0 : i32
      %dma_wait3A_365 = tpu.memref_slice %arg9[%dma_wait3A_362, %dma_wait3A_363, %dma_wait3A_364] : memref<8x128x32xf32, #tpu.memory_space<vmem>> -> memref<1x128x32xf32, #tpu.memory_space<vmem>>
      %dma_wait3A_366 = tpu.memref_squeeze %dma_wait3A_365 : memref<1x128x32xf32, #tpu.memory_space<vmem>> -> memref<128x32xf32, #tpu.memory_space<vmem>>
      %dma_wait3A_367 = arith.constant 0 : i32
      %dma_wait3A_368 = tpu.memref_slice %arg7[%add3A_359, %dma_wait3A_367] : memref<160x128xi32, #tpu.memory_space<vmem>> -> memref<1x128xi32, #tpu.memory_space<vmem>>
      %dma_wait3A_369 = tpu.memref_squeeze %dma_wait3A_368 : memref<1x128xi32, #tpu.memory_space<vmem>> -> memref<128xi32, #tpu.memory_space<vmem>>
      %dma_wait3A_370 = arith.constant 0 : i32
      %dma_wait3A_371 = arith.constant 0 : i32
      %dma_wait3A_372 = tpu.memref_slice %arg11[%dma_wait3A_370, %dma_wait3A_371] : memref<10000x32xf32, #tpu.memory_space<vmem_shared>> -> memref<10000x32xf32, #tpu.memory_space<vmem_shared>>
      tpu.wait_indirect_dma semaphore(%arg18 : memref<!tpu.dma_semaphore, #tpu.memory_space<semaphore_mem>>) src(%dma_wait3A_372 : memref<10000x32xf32, #tpu.memory_space<vmem_shared>>) dst(%dma_wait3A_366 : memref<128x32xf32, #tpu.memory_space<vmem>>)
      %dma_start3A_373 = arith.constant 6 : i32
      %dma_start3A_374 = arith.constant 0 : i32
      %dma_start3A_375 = arith.constant 0 : i32
      %dma_start3A_376 = tpu.memref_slice %arg9[%dma_start3A_373, %dma_start3A_374, %dma_start3A_375] : memref<8x128x32xf32, #tpu.memory_space<vmem>> -> memref<1x128x32xf32, #tpu.memory_space<vmem>>
      %dma_start3A_377 = tpu.memref_squeeze %dma_start3A_376 : memref<1x128x32xf32, #tpu.memory_space<vmem>> -> memref<128x32xf32, #tpu.memory_space<vmem>>
      %dma_start3A_378 = arith.constant 0 : i32
      %dma_start3A_379 = tpu.memref_slice %arg8[%add3A_359, %dma_start3A_378] : memref<160x128xi32, #tpu.memory_space<vmem>> -> memref<1x128xi32, #tpu.memory_space<vmem>>
      %dma_start3A_380 = tpu.memref_squeeze %dma_start3A_379 : memref<1x128xi32, #tpu.memory_space<vmem>> -> memref<128xi32, #tpu.memory_space<vmem>>
      %dma_start3A_381 = arith.constant 0 : i32
      %dma_start3A_382 = arith.constant 0 : i32
      %dma_start3A_383 = tpu.memref_slice %arg10[%dma_start3A_381, %dma_start3A_382] : memref<10112x32xf32, #tpu.memory_space<vmem_shared>> -> memref<10112x32xf32, #tpu.memory_space<vmem_shared>>
      tpu.enqueue_indirect_dma source(%dma_start3A_377 : memref<128x32xf32, #tpu.memory_space<vmem>>) target(%dma_start3A_383 : memref<10112x32xf32, #tpu.memory_space<vmem_shared>>) offsets(%dma_start3A_380 : memref<128xi32, #tpu.memory_space<vmem>>) semaphore(%arg26 : memref<!tpu.dma_semaphore, #tpu.memory_space<semaphore_mem>>) {add = true}
      %lt3A_384 = arith.constant 160 : i32
      %lt3A_385 = arith.cmpi slt, %add3A_361, %lt3A_384 : i32
      %convert_element_type3A_386 = arith.extui %lt3A_385 : i1 to i32
      %cond3A_387 = arith.constant 0 : i32
      %cond3A_388 = arith.cmpi ne, %convert_element_type3A_386, %cond3A_387 : i32
      scf.if %cond3A_388 {
        %ge3A = arith.constant 4 : i32
        %ge3A_422 = arith.cmpi sge, %add3A_359, %ge3A : i32
        %convert_element_type3A_423 = arith.extui %ge3A_422 : i1 to i32
        %cond3A_424 = arith.constant 0 : i32
        %cond3A_425 = arith.cmpi ne, %convert_element_type3A_423, %cond3A_424 : i32
        scf.if %cond3A_425 {
          %dma_wait3A_437 = arith.constant 2 : i32
          %dma_wait3A_438 = arith.constant 0 : i32
          %dma_wait3A_439 = arith.constant 0 : i32
          %dma_wait3A_440 = tpu.memref_slice %arg9[%dma_wait3A_437, %dma_wait3A_438, %dma_wait3A_439] : memref<8x128x32xf32, #tpu.memory_space<vmem>> -> memref<1x128x32xf32, #tpu.memory_space<vmem>>
          %dma_wait3A_441 = tpu.memref_squeeze %dma_wait3A_440 : memref<1x128x32xf32, #tpu.memory_space<vmem>> -> memref<128x32xf32, #tpu.memory_space<vmem>>
          %dma_wait3A_442 = arith.constant 0 : i32
          %dma_wait3A_443 = tpu.memref_slice %arg8[%add3A_359, %dma_wait3A_442] : memref<160x128xi32, #tpu.memory_space<vmem>> -> memref<1x128xi32, #tpu.memory_space<vmem>>
          %dma_wait3A_444 = tpu.memref_squeeze %dma_wait3A_443 : memref<1x128xi32, #tpu.memory_space<vmem>> -> memref<128xi32, #tpu.memory_space<vmem>>
          %dma_wait3A_445 = arith.constant 0 : i32
          %dma_wait3A_446 = arith.constant 0 : i32
          %dma_wait3A_447 = tpu.memref_slice %arg10[%dma_wait3A_445, %dma_wait3A_446] : memref<10112x32xf32, #tpu.memory_space<vmem_shared>> -> memref<10112x32xf32, #tpu.memory_space<vmem_shared>>
          tpu.wait_indirect_dma semaphore(%arg22 : memref<!tpu.dma_semaphore, #tpu.memory_space<semaphore_mem>>) src(%dma_wait3A_441 : memref<128x32xf32, #tpu.memory_space<vmem>>) dst(%dma_wait3A_447 : memref<10112x32xf32, #tpu.memory_space<vmem_shared>>)
        } else {
        }
        %dma_start3A_426 = arith.constant 2 : i32
        %dma_start3A_427 = arith.constant 0 : i32
        %dma_start3A_428 = arith.constant 0 : i32
        %dma_start3A_429 = tpu.memref_slice %arg9[%dma_start3A_426, %dma_start3A_427, %dma_start3A_428] : memref<8x128x32xf32, #tpu.memory_space<vmem>> -> memref<1x128x32xf32, #tpu.memory_space<vmem>>
        %dma_start3A_430 = tpu.memref_squeeze %dma_start3A_429 : memref<1x128x32xf32, #tpu.memory_space<vmem>> -> memref<128x32xf32, #tpu.memory_space<vmem>>
        %dma_start3A_431 = arith.constant 0 : i32
        %dma_start3A_432 = tpu.memref_slice %arg7[%add3A_361, %dma_start3A_431] : memref<160x128xi32, #tpu.memory_space<vmem>> -> memref<1x128xi32, #tpu.memory_space<vmem>>
        %dma_start3A_433 = tpu.memref_squeeze %dma_start3A_432 : memref<1x128xi32, #tpu.memory_space<vmem>> -> memref<128xi32, #tpu.memory_space<vmem>>
        %dma_start3A_434 = arith.constant 0 : i32
        %dma_start3A_435 = arith.constant 0 : i32
        %dma_start3A_436 = tpu.memref_slice %arg11[%dma_start3A_434, %dma_start3A_435] : memref<10000x32xf32, #tpu.memory_space<vmem_shared>> -> memref<10000x32xf32, #tpu.memory_space<vmem_shared>>
        tpu.enqueue_indirect_dma source(%dma_start3A_436 : memref<10000x32xf32, #tpu.memory_space<vmem_shared>>) target(%dma_start3A_430 : memref<128x32xf32, #tpu.memory_space<vmem>>) offsets(%dma_start3A_433 : memref<128xi32, #tpu.memory_space<vmem>>) semaphore(%arg14 : memref<!tpu.dma_semaphore, #tpu.memory_space<semaphore_mem>>)
      } else {
      }
      %mul3A_389 = arith.constant 8 : i32
      %mul3A_390 = arith.muli %scan3A_161, %mul3A_389 : i32
      %add3A_391 = arith.constant 7 : i32
      %add3A_392 = arith.addi %mul3A_390, %add3A_391 : i32
      %add3A_393 = arith.constant 4 : i32
      %add3A_394 = arith.addi %add3A_392, %add3A_393 : i32
      %dma_wait3A_395 = arith.constant 7 : i32
      %dma_wait3A_396 = arith.constant 0 : i32
      %dma_wait3A_397 = arith.constant 0 : i32
      %dma_wait3A_398 = tpu.memref_slice %arg9[%dma_wait3A_395, %dma_wait3A_396, %dma_wait3A_397] : memref<8x128x32xf32, #tpu.memory_space<vmem>> -> memref<1x128x32xf32, #tpu.memory_space<vmem>>
      %dma_wait3A_399 = tpu.memref_squeeze %dma_wait3A_398 : memref<1x128x32xf32, #tpu.memory_space<vmem>> -> memref<128x32xf32, #tpu.memory_space<vmem>>
      %dma_wait3A_400 = arith.constant 0 : i32
      %dma_wait3A_401 = tpu.memref_slice %arg7[%add3A_392, %dma_wait3A_400] : memref<160x128xi32, #tpu.memory_space<vmem>> -> memref<1x128xi32, #tpu.memory_space<vmem>>
      %dma_wait3A_402 = tpu.memref_squeeze %dma_wait3A_401 : memref<1x128xi32, #tpu.memory_space<vmem>> -> memref<128xi32, #tpu.memory_space<vmem>>
      %dma_wait3A_403 = arith.constant 0 : i32
      %dma_wait3A_404 = arith.constant 0 : i32
      %dma_wait3A_405 = tpu.memref_slice %arg11[%dma_wait3A_403, %dma_wait3A_404] : memref<10000x32xf32, #tpu.memory_space<vmem_shared>> -> memref<10000x32xf32, #tpu.memory_space<vmem_shared>>
      tpu.wait_indirect_dma semaphore(%arg19 : memref<!tpu.dma_semaphore, #tpu.memory_space<semaphore_mem>>) src(%dma_wait3A_405 : memref<10000x32xf32, #tpu.memory_space<vmem_shared>>) dst(%dma_wait3A_399 : memref<128x32xf32, #tpu.memory_space<vmem>>)
      %dma_start3A_406 = arith.constant 7 : i32
      %dma_start3A_407 = arith.constant 0 : i32
      %dma_start3A_408 = arith.constant 0 : i32
      %dma_start3A_409 = tpu.memref_slice %arg9[%dma_start3A_406, %dma_start3A_407, %dma_start3A_408] : memref<8x128x32xf32, #tpu.memory_space<vmem>> -> memref<1x128x32xf32, #tpu.memory_space<vmem>>
      %dma_start3A_410 = tpu.memref_squeeze %dma_start3A_409 : memref<1x128x32xf32, #tpu.memory_space<vmem>> -> memref<128x32xf32, #tpu.memory_space<vmem>>
      %dma_start3A_411 = arith.constant 0 : i32
      %dma_start3A_412 = tpu.memref_slice %arg8[%add3A_392, %dma_start3A_411] : memref<160x128xi32, #tpu.memory_space<vmem>> -> memref<1x128xi32, #tpu.memory_space<vmem>>
      %dma_start3A_413 = tpu.memref_squeeze %dma_start3A_412 : memref<1x128xi32, #tpu.memory_space<vmem>> -> memref<128xi32, #tpu.memory_space<vmem>>
      %dma_start3A_414 = arith.constant 0 : i32
      %dma_start3A_415 = arith.constant 0 : i32
      %dma_start3A_416 = tpu.memref_slice %arg10[%dma_start3A_414, %dma_start3A_415] : memref<10112x32xf32, #tpu.memory_space<vmem_shared>> -> memref<10112x32xf32, #tpu.memory_space<vmem_shared>>
      tpu.enqueue_indirect_dma source(%dma_start3A_410 : memref<128x32xf32, #tpu.memory_space<vmem>>) target(%dma_start3A_416 : memref<10112x32xf32, #tpu.memory_space<vmem_shared>>) offsets(%dma_start3A_413 : memref<128xi32, #tpu.memory_space<vmem>>) semaphore(%arg27 : memref<!tpu.dma_semaphore, #tpu.memory_space<semaphore_mem>>) {add = true}
      %lt3A_417 = arith.constant 160 : i32
      %lt3A_418 = arith.cmpi slt, %add3A_394, %lt3A_417 : i32
      %convert_element_type3A_419 = arith.extui %lt3A_418 : i1 to i32
      %cond3A_420 = arith.constant 0 : i32
      %cond3A_421 = arith.cmpi ne, %convert_element_type3A_419, %cond3A_420 : i32
      scf.if %cond3A_421 {
        %ge3A = arith.constant 4 : i32
        %ge3A_422 = arith.cmpi sge, %add3A_392, %ge3A : i32
        %convert_element_type3A_423 = arith.extui %ge3A_422 : i1 to i32
        %cond3A_424 = arith.constant 0 : i32
        %cond3A_425 = arith.cmpi ne, %convert_element_type3A_423, %cond3A_424 : i32
        scf.if %cond3A_425 {
          %dma_wait3A_437 = arith.constant 3 : i32
          %dma_wait3A_438 = arith.constant 0 : i32
          %dma_wait3A_439 = arith.constant 0 : i32
          %dma_wait3A_440 = tpu.memref_slice %arg9[%dma_wait3A_437, %dma_wait3A_438, %dma_wait3A_439] : memref<8x128x32xf32, #tpu.memory_space<vmem>> -> memref<1x128x32xf32, #tpu.memory_space<vmem>>
          %dma_wait3A_441 = tpu.memref_squeeze %dma_wait3A_440 : memref<1x128x32xf32, #tpu.memory_space<vmem>> -> memref<128x32xf32, #tpu.memory_space<vmem>>
          %dma_wait3A_442 = arith.constant 0 : i32
          %dma_wait3A_443 = tpu.memref_slice %arg8[%add3A_392, %dma_wait3A_442] : memref<160x128xi32, #tpu.memory_space<vmem>> -> memref<1x128xi32, #tpu.memory_space<vmem>>
          %dma_wait3A_444 = tpu.memref_squeeze %dma_wait3A_443 : memref<1x128xi32, #tpu.memory_space<vmem>> -> memref<128xi32, #tpu.memory_space<vmem>>
          %dma_wait3A_445 = arith.constant 0 : i32
          %dma_wait3A_446 = arith.constant 0 : i32
          %dma_wait3A_447 = tpu.memref_slice %arg10[%dma_wait3A_445, %dma_wait3A_446] : memref<10112x32xf32, #tpu.memory_space<vmem_shared>> -> memref<10112x32xf32, #tpu.memory_space<vmem_shared>>
          tpu.wait_indirect_dma semaphore(%arg23 : memref<!tpu.dma_semaphore, #tpu.memory_space<semaphore_mem>>) src(%dma_wait3A_441 : memref<128x32xf32, #tpu.memory_space<vmem>>) dst(%dma_wait3A_447 : memref<10112x32xf32, #tpu.memory_space<vmem_shared>>)
        } else {
        }
        %dma_start3A_426 = arith.constant 3 : i32
        %dma_start3A_427 = arith.constant 0 : i32
        %dma_start3A_428 = arith.constant 0 : i32
        %dma_start3A_429 = tpu.memref_slice %arg9[%dma_start3A_426, %dma_start3A_427, %dma_start3A_428] : memref<8x128x32xf32, #tpu.memory_space<vmem>> -> memref<1x128x32xf32, #tpu.memory_space<vmem>>
        %dma_start3A_430 = tpu.memref_squeeze %dma_start3A_429 : memref<1x128x32xf32, #tpu.memory_space<vmem>> -> memref<128x32xf32, #tpu.memory_space<vmem>>
        %dma_start3A_431 = arith.constant 0 : i32
        %dma_start3A_432 = tpu.memref_slice %arg7[%add3A_394, %dma_start3A_431] : memref<160x128xi32, #tpu.memory_space<vmem>> -> memref<1x128xi32, #tpu.memory_space<vmem>>
        %dma_start3A_433 = tpu.memref_squeeze %dma_start3A_432 : memref<1x128xi32, #tpu.memory_space<vmem>> -> memref<128xi32, #tpu.memory_space<vmem>>
        %dma_start3A_434 = arith.constant 0 : i32
        %dma_start3A_435 = arith.constant 0 : i32
        %dma_start3A_436 = tpu.memref_slice %arg11[%dma_start3A_434, %dma_start3A_435] : memref<10000x32xf32, #tpu.memory_space<vmem_shared>> -> memref<10000x32xf32, #tpu.memory_space<vmem_shared>>
        tpu.enqueue_indirect_dma source(%dma_start3A_436 : memref<10000x32xf32, #tpu.memory_space<vmem_shared>>) target(%dma_start3A_430 : memref<128x32xf32, #tpu.memory_space<vmem>>) offsets(%dma_start3A_433 : memref<128xi32, #tpu.memory_space<vmem>>) semaphore(%arg15 : memref<!tpu.dma_semaphore, #tpu.memory_space<semaphore_mem>>)
      } else {
      }
    }
    %scan3A_60 = arith.constant 20 : i32
    %dma_wait3A = arith.constant 0 : i32
    %dma_wait3A_61 = arith.constant 0 : i32
    %dma_wait3A_62 = arith.constant 0 : i32
    %dma_wait3A_63 = arith.constant 0 : i32
    %dma_wait3A_64 = tpu.memref_slice %arg9[%dma_wait3A, %dma_wait3A_62, %dma_wait3A_63] : memref<8x128x32xf32, #tpu.memory_space<vmem>> -> memref<1x128x32xf32, #tpu.memory_space<vmem>>
    %dma_wait3A_65 = tpu.memref_squeeze %dma_wait3A_64 : memref<1x128x32xf32, #tpu.memory_space<vmem>> -> memref<128x32xf32, #tpu.memory_space<vmem>>
    %dma_wait3A_66 = arith.constant 0 : i32
    %dma_wait3A_67 = tpu.memref_slice %arg8[%dma_wait3A_61, %dma_wait3A_66] : memref<160x128xi32, #tpu.memory_space<vmem>> -> memref<1x128xi32, #tpu.memory_space<vmem>>
    %dma_wait3A_68 = tpu.memref_squeeze %dma_wait3A_67 : memref<1x128xi32, #tpu.memory_space<vmem>> -> memref<128xi32, #tpu.memory_space<vmem>>
    %dma_wait3A_69 = arith.constant 0 : i32
    %dma_wait3A_70 = arith.constant 0 : i32
    %dma_wait3A_71 = tpu.memref_slice %arg10[%dma_wait3A_69, %dma_wait3A_70] : memref<10112x32xf32, #tpu.memory_space<vmem_shared>> -> memref<10112x32xf32, #tpu.memory_space<vmem_shared>>
    tpu.wait_indirect_dma semaphore(%arg20 : memref<!tpu.dma_semaphore, #tpu.memory_space<semaphore_mem>>) src(%dma_wait3A_65 : memref<128x32xf32, #tpu.memory_space<vmem>>) dst(%dma_wait3A_71 : memref<10112x32xf32, #tpu.memory_space<vmem_shared>>)
    %dma_wait3A_72 = arith.constant 1 : i32
    %dma_wait3A_73 = arith.constant 1 : i32
    %dma_wait3A_74 = arith.constant 0 : i32
    %dma_wait3A_75 = arith.constant 0 : i32
    %dma_wait3A_76 = tpu.memref_slice %arg9[%dma_wait3A_72, %dma_wait3A_74, %dma_wait3A_75] : memref<8x128x32xf32, #tpu.memory_space<vmem>> -> memref<1x128x32xf32, #tpu.memory_space<vmem>>
    %dma_wait3A_77 = tpu.memref_squeeze %dma_wait3A_76 : memref<1x128x32xf32, #tpu.memory_space<vmem>> -> memref<128x32xf32, #tpu.memory_space<vmem>>
    %dma_wait3A_78 = arith.constant 0 : i32
    %dma_wait3A_79 = tpu.memref_slice %arg8[%dma_wait3A_73, %dma_wait3A_78] : memref<160x128xi32, #tpu.memory_space<vmem>> -> memref<1x128xi32, #tpu.memory_space<vmem>>
    %dma_wait3A_80 = tpu.memref_squeeze %dma_wait3A_79 : memref<1x128xi32, #tpu.memory_space<vmem>> -> memref<128xi32, #tpu.memory_space<vmem>>
    %dma_wait3A_81 = arith.constant 0 : i32
    %dma_wait3A_82 = arith.constant 0 : i32
    %dma_wait3A_83 = tpu.memref_slice %arg10[%dma_wait3A_81, %dma_wait3A_82] : memref<10112x32xf32, #tpu.memory_space<vmem_shared>> -> memref<10112x32xf32, #tpu.memory_space<vmem_shared>>
    tpu.wait_indirect_dma semaphore(%arg21 : memref<!tpu.dma_semaphore, #tpu.memory_space<semaphore_mem>>) src(%dma_wait3A_77 : memref<128x32xf32, #tpu.memory_space<vmem>>) dst(%dma_wait3A_83 : memref<10112x32xf32, #tpu.memory_space<vmem_shared>>)
    %dma_wait3A_84 = arith.constant 2 : i32
    %dma_wait3A_85 = arith.constant 2 : i32
    %dma_wait3A_86 = arith.constant 0 : i32
    %dma_wait3A_87 = arith.constant 0 : i32
    %dma_wait3A_88 = tpu.memref_slice %arg9[%dma_wait3A_84, %dma_wait3A_86, %dma_wait3A_87] : memref<8x128x32xf32, #tpu.memory_space<vmem>> -> memref<1x128x32xf32, #tpu.memory_space<vmem>>
    %dma_wait3A_89 = tpu.memref_squeeze %dma_wait3A_88 : memref<1x128x32xf32, #tpu.memory_space<vmem>> -> memref<128x32xf32, #tpu.memory_space<vmem>>
    %dma_wait3A_90 = arith.constant 0 : i32
    %dma_wait3A_91 = tpu.memref_slice %arg8[%dma_wait3A_85, %dma_wait3A_90] : memref<160x128xi32, #tpu.memory_space<vmem>> -> memref<1x128xi32, #tpu.memory_space<vmem>>
    %dma_wait3A_92 = tpu.memref_squeeze %dma_wait3A_91 : memref<1x128xi32, #tpu.memory_space<vmem>> -> memref<128xi32, #tpu.memory_space<vmem>>
    %dma_wait3A_93 = arith.constant 0 : i32
    %dma_wait3A_94 = arith.constant 0 : i32
    %dma_wait3A_95 = tpu.memref_slice %arg10[%dma_wait3A_93, %dma_wait3A_94] : memref<10112x32xf32, #tpu.memory_space<vmem_shared>> -> memref<10112x32xf32, #tpu.memory_space<vmem_shared>>
    tpu.wait_indirect_dma semaphore(%arg22 : memref<!tpu.dma_semaphore, #tpu.memory_space<semaphore_mem>>) src(%dma_wait3A_89 : memref<128x32xf32, #tpu.memory_space<vmem>>) dst(%dma_wait3A_95 : memref<10112x32xf32, #tpu.memory_space<vmem_shared>>)
    %dma_wait3A_96 = arith.constant 3 : i32
    %dma_wait3A_97 = arith.constant 3 : i32
    %dma_wait3A_98 = arith.constant 0 : i32
    %dma_wait3A_99 = arith.constant 0 : i32
    %dma_wait3A_100 = tpu.memref_slice %arg9[%dma_wait3A_96, %dma_wait3A_98, %dma_wait3A_99] : memref<8x128x32xf32, #tpu.memory_space<vmem>> -> memref<1x128x32xf32, #tpu.memory_space<vmem>>
    %dma_wait3A_101 = tpu.memref_squeeze %dma_wait3A_100 : memref<1x128x32xf32, #tpu.memory_space<vmem>> -> memref<128x32xf32, #tpu.memory_space<vmem>>
    %dma_wait3A_102 = arith.constant 0 : i32
    %dma_wait3A_103 = tpu.memref_slice %arg8[%dma_wait3A_97, %dma_wait3A_102] : memref<160x128xi32, #tpu.memory_space<vmem>> -> memref<1x128xi32, #tpu.memory_space<vmem>>
    %dma_wait3A_104 = tpu.memref_squeeze %dma_wait3A_103 : memref<1x128xi32, #tpu.memory_space<vmem>> -> memref<128xi32, #tpu.memory_space<vmem>>
    %dma_wait3A_105 = arith.constant 0 : i32
    %dma_wait3A_106 = arith.constant 0 : i32
    %dma_wait3A_107 = tpu.memref_slice %arg10[%dma_wait3A_105, %dma_wait3A_106] : memref<10112x32xf32, #tpu.memory_space<vmem_shared>> -> memref<10112x32xf32, #tpu.memory_space<vmem_shared>>
    tpu.wait_indirect_dma semaphore(%arg23 : memref<!tpu.dma_semaphore, #tpu.memory_space<semaphore_mem>>) src(%dma_wait3A_101 : memref<128x32xf32, #tpu.memory_space<vmem>>) dst(%dma_wait3A_107 : memref<10112x32xf32, #tpu.memory_space<vmem_shared>>)
    %dma_wait3A_108 = arith.constant 4 : i32
    %dma_wait3A_109 = arith.constant 4 : i32
    %dma_wait3A_110 = arith.constant 0 : i32
    %dma_wait3A_111 = arith.constant 0 : i32
    %dma_wait3A_112 = tpu.memref_slice %arg9[%dma_wait3A_108, %dma_wait3A_110, %dma_wait3A_111] : memref<8x128x32xf32, #tpu.memory_space<vmem>> -> memref<1x128x32xf32, #tpu.memory_space<vmem>>
    %dma_wait3A_113 = tpu.memref_squeeze %dma_wait3A_112 : memref<1x128x32xf32, #tpu.memory_space<vmem>> -> memref<128x32xf32, #tpu.memory_space<vmem>>
    %dma_wait3A_114 = arith.constant 0 : i32
    %dma_wait3A_115 = tpu.memref_slice %arg8[%dma_wait3A_109, %dma_wait3A_114] : memref<160x128xi32, #tpu.memory_space<vmem>> -> memref<1x128xi32, #tpu.memory_space<vmem>>
    %dma_wait3A_116 = tpu.memref_squeeze %dma_wait3A_115 : memref<1x128xi32, #tpu.memory_space<vmem>> -> memref<128xi32, #tpu.memory_space<vmem>>
    %dma_wait3A_117 = arith.constant 0 : i32
    %dma_wait3A_118 = arith.constant 0 : i32
    %dma_wait3A_119 = tpu.memref_slice %arg10[%dma_wait3A_117, %dma_wait3A_118] : memref<10112x32xf32, #tpu.memory_space<vmem_shared>> -> memref<10112x32xf32, #tpu.memory_space<vmem_shared>>
    tpu.wait_indirect_dma semaphore(%arg24 : memref<!tpu.dma_semaphore, #tpu.memory_space<semaphore_mem>>) src(%dma_wait3A_113 : memref<128x32xf32, #tpu.memory_space<vmem>>) dst(%dma_wait3A_119 : memref<10112x32xf32, #tpu.memory_space<vmem_shared>>)
    %dma_wait3A_120 = arith.constant 5 : i32
    %dma_wait3A_121 = arith.constant 5 : i32
    %dma_wait3A_122 = arith.constant 0 : i32
    %dma_wait3A_123 = arith.constant 0 : i32
    %dma_wait3A_124 = tpu.memref_slice %arg9[%dma_wait3A_120, %dma_wait3A_122, %dma_wait3A_123] : memref<8x128x32xf32, #tpu.memory_space<vmem>> -> memref<1x128x32xf32, #tpu.memory_space<vmem>>
    %dma_wait3A_125 = tpu.memref_squeeze %dma_wait3A_124 : memref<1x128x32xf32, #tpu.memory_space<vmem>> -> memref<128x32xf32, #tpu.memory_space<vmem>>
    %dma_wait3A_126 = arith.constant 0 : i32
    %dma_wait3A_127 = tpu.memref_slice %arg8[%dma_wait3A_121, %dma_wait3A_126] : memref<160x128xi32, #tpu.memory_space<vmem>> -> memref<1x128xi32, #tpu.memory_space<vmem>>
    %dma_wait3A_128 = tpu.memref_squeeze %dma_wait3A_127 : memref<1x128xi32, #tpu.memory_space<vmem>> -> memref<128xi32, #tpu.memory_space<vmem>>
    %dma_wait3A_129 = arith.constant 0 : i32
    %dma_wait3A_130 = arith.constant 0 : i32
    %dma_wait3A_131 = tpu.memref_slice %arg10[%dma_wait3A_129, %dma_wait3A_130] : memref<10112x32xf32, #tpu.memory_space<vmem_shared>> -> memref<10112x32xf32, #tpu.memory_space<vmem_shared>>
    tpu.wait_indirect_dma semaphore(%arg25 : memref<!tpu.dma_semaphore, #tpu.memory_space<semaphore_mem>>) src(%dma_wait3A_125 : memref<128x32xf32, #tpu.memory_space<vmem>>) dst(%dma_wait3A_131 : memref<10112x32xf32, #tpu.memory_space<vmem_shared>>)
    %dma_wait3A_132 = arith.constant 6 : i32
    %dma_wait3A_133 = arith.constant 6 : i32
    %dma_wait3A_134 = arith.constant 0 : i32
    %dma_wait3A_135 = arith.constant 0 : i32
    %dma_wait3A_136 = tpu.memref_slice %arg9[%dma_wait3A_132, %dma_wait3A_134, %dma_wait3A_135] : memref<8x128x32xf32, #tpu.memory_space<vmem>> -> memref<1x128x32xf32, #tpu.memory_space<vmem>>
    %dma_wait3A_137 = tpu.memref_squeeze %dma_wait3A_136 : memref<1x128x32xf32, #tpu.memory_space<vmem>> -> memref<128x32xf32, #tpu.memory_space<vmem>>
    %dma_wait3A_138 = arith.constant 0 : i32
    %dma_wait3A_139 = tpu.memref_slice %arg8[%dma_wait3A_133, %dma_wait3A_138] : memref<160x128xi32, #tpu.memory_space<vmem>> -> memref<1x128xi32, #tpu.memory_space<vmem>>
    %dma_wait3A_140 = tpu.memref_squeeze %dma_wait3A_139 : memref<1x128xi32, #tpu.memory_space<vmem>> -> memref<128xi32, #tpu.memory_space<vmem>>
    %dma_wait3A_141 = arith.constant 0 : i32
    %dma_wait3A_142 = arith.constant 0 : i32
    %dma_wait3A_143 = tpu.memref_slice %arg10[%dma_wait3A_141, %dma_wait3A_142] : memref<10112x32xf32, #tpu.memory_space<vmem_shared>> -> memref<10112x32xf32, #tpu.memory_space<vmem_shared>>
    tpu.wait_indirect_dma semaphore(%arg26 : memref<!tpu.dma_semaphore, #tpu.memory_space<semaphore_mem>>) src(%dma_wait3A_137 : memref<128x32xf32, #tpu.memory_space<vmem>>) dst(%dma_wait3A_143 : memref<10112x32xf32, #tpu.memory_space<vmem_shared>>)
    %dma_wait3A_144 = arith.constant 7 : i32
    %dma_wait3A_145 = arith.constant 7 : i32
    %dma_wait3A_146 = arith.constant 0 : i32
    %dma_wait3A_147 = arith.constant 0 : i32
    %dma_wait3A_148 = tpu.memref_slice %arg9[%dma_wait3A_144, %dma_wait3A_146, %dma_wait3A_147] : memref<8x128x32xf32, #tpu.memory_space<vmem>> -> memref<1x128x32xf32, #tpu.memory_space<vmem>>
    %dma_wait3A_149 = tpu.memref_squeeze %dma_wait3A_148 : memref<1x128x32xf32, #tpu.memory_space<vmem>> -> memref<128x32xf32, #tpu.memory_space<vmem>>
    %dma_wait3A_150 = arith.constant 0 : i32
    %dma_wait3A_151 = tpu.memref_slice %arg8[%dma_wait3A_145, %dma_wait3A_150] : memref<160x128xi32, #tpu.memory_space<vmem>> -> memref<1x128xi32, #tpu.memory_space<vmem>>
    %dma_wait3A_152 = tpu.memref_squeeze %dma_wait3A_151 : memref<1x128xi32, #tpu.memory_space<vmem>> -> memref<128xi32, #tpu.memory_space<vmem>>
    %dma_wait3A_153 = arith.constant 0 : i32
    %dma_wait3A_154 = arith.constant 0 : i32
    %dma_wait3A_155 = tpu.memref_slice %arg10[%dma_wait3A_153, %dma_wait3A_154] : memref<10112x32xf32, #tpu.memory_space<vmem_shared>> -> memref<10112x32xf32, #tpu.memory_space<vmem_shared>>
    tpu.wait_indirect_dma semaphore(%arg27 : memref<!tpu.dma_semaphore, #tpu.memory_space<semaphore_mem>>) src(%dma_wait3A_149 : memref<128x32xf32, #tpu.memory_space<vmem>>) dst(%dma_wait3A_155 : memref<10112x32xf32, #tpu.memory_space<vmem_shared>>)
    %barrier3A_156 = arith.constant 0 : index
    tpu.barrier barrier_id(%barrier3A_156)
    %mul3A_157 = arith.constant 632 : i32
    %mul3A_158 = arith.muli %arg1, %mul3A_157 : i32
    %mul3A_159 = arith.constant 632 : i32
    %mul3A_160 = arith.muli %arg1, %mul3A_159 : i32
    "tpu.region"() ({
      %run_scoped3A = tpu.sem_alloc : memref<!tpu.dma_semaphore, #tpu.memory_space<semaphore_mem>>
      %dma_start3A_161 = arith.constant 0 : i32
      %dma_start3A_162 = tpu.memref_slice %arg6[%arg0, %mul3A_160, %dma_start3A_161] : memref<2x10112x32xf32, #tpu.memory_space<hbm>> -> memref<1x632x32xf32, #tpu.memory_space<hbm>>
      %dma_start3A_163 = tpu.memref_squeeze %dma_start3A_162 : memref<1x632x32xf32, #tpu.memory_space<hbm>> -> memref<632x32xf32, #tpu.memory_space<hbm>>
      %dma_start3A_164 = arith.constant 0 : i32
      %dma_start3A_165 = tpu.memref_slice %arg10[%mul3A_158, %dma_start3A_164] : memref<10112x32xf32, #tpu.memory_space<vmem_shared>> -> memref<632x32xf32, #tpu.memory_space<vmem_shared>>
      tpu.enqueue_dma source(%dma_start3A_165 : memref<632x32xf32, #tpu.memory_space<vmem_shared>>) target(%dma_start3A_163 : memref<632x32xf32, #tpu.memory_space<hbm>>) target_semaphore(%run_scoped3A : memref<!tpu.dma_semaphore, #tpu.memory_space<semaphore_mem>>)
      %dma_wait3A_166 = arith.constant 0 : i32
      %dma_wait3A_167 = tpu.memref_slice %arg6[%arg0, %mul3A_160, %dma_wait3A_166] : memref<2x10112x32xf32, #tpu.memory_space<hbm>> -> memref<1x632x32xf32, #tpu.memory_space<hbm>>
      %dma_wait3A_168 = tpu.memref_squeeze %dma_wait3A_167 : memref<1x632x32xf32, #tpu.memory_space<hbm>> -> memref<632x32xf32, #tpu.memory_space<hbm>>
      %dma_wait3A_169 = arith.constant 0 : i32
      %dma_wait3A_170 = tpu.memref_slice %arg10[%mul3A_158, %dma_wait3A_169] : memref<10112x32xf32, #tpu.memory_space<vmem_shared>> -> memref<632x32xf32, #tpu.memory_space<vmem_shared>>
      tpu.wait_dma2 semaphore(%run_scoped3A : memref<!tpu.dma_semaphore, #tpu.memory_space<semaphore_mem>>) src(%dma_wait3A_170 : memref<632x32xf32, #tpu.memory_space<vmem_shared>>) dst(%dma_wait3A_168 : memref<632x32xf32, #tpu.memory_space<hbm>>)
      tpu.yield
    }) : () -> ()
    return
  }
}

#map = affine_map<(d0, d1) -> (0, 0)>
#map1 = affine_map<(d0, d1) -> (0, 0, 0)>
module attributes {stable_mosaic.version = 14 : i64} {
  func.func @_prop_kernel(%arg0: i32, %arg1: i32, %arg2: memref<10000x64xf32, #tpu.memory_space<hbm>>, %arg3: memref<16x160x128xi32, #tpu.memory_space<hbm>>, %arg4: memref<16x160x128xi32, #tpu.memory_space<hbm>>, %arg5: memref<10112x32xf32, #tpu.memory_space<hbm>>, %arg6: memref<2x10112x32xf32, #tpu.memory_space<hbm>>, %arg7: memref<160x128xi32, #tpu.memory_space<vmem>>, %arg8: memref<160x128xi32, #tpu.memory_space<vmem>>, %arg9: memref<8x128x32xf32, #tpu.memory_space<vmem>>, %arg10: memref<10112x32xf32, #tpu.memory_space<vmem_shared>>, %arg11: memref<10000x32xf32, #tpu.memory_space<vmem_shared>>, %arg12: memref<!tpu.dma_semaphore, #tpu.memory_space<semaphore_mem>>, %arg13: memref<!tpu.dma_semaphore, #tpu.memory_space<semaphore_mem>>, %arg14: memref<!tpu.dma_semaphore, #tpu.memory_space<semaphore_mem>>, %arg15: memref<!tpu.dma_semaphore, #tpu.memory_space<semaphore_mem>>, %arg16: memref<!tpu.dma_semaphore, #tpu.memory_space<semaphore_mem>>, %arg17: memref<!tpu.dma_semaphore, #tpu.memory_space<semaphore_mem>>, %arg18: memref<!tpu.dma_semaphore, #tpu.memory_space<semaphore_mem>>, %arg19: memref<!tpu.dma_semaphore, #tpu.memory_space<semaphore_mem>>, %arg20: memref<!tpu.dma_semaphore, #tpu.memory_space<semaphore_mem>>, %arg21: memref<!tpu.dma_semaphore, #tpu.memory_space<semaphore_mem>>, %arg22: memref<!tpu.dma_semaphore, #tpu.memory_space<semaphore_mem>>, %arg23: memref<!tpu.dma_semaphore, #tpu.memory_space<semaphore_mem>>, %arg24: memref<!tpu.dma_semaphore, #tpu.memory_space<semaphore_mem>>, %arg25: memref<!tpu.dma_semaphore, #tpu.memory_space<semaphore_mem>>, %arg26: memref<!tpu.dma_semaphore, #tpu.memory_space<semaphore_mem>>, %arg27: memref<!tpu.dma_semaphore, #tpu.memory_space<semaphore_mem>>) attributes {dimension_semantics = [#tpu.dimension_semantics<core_parallel>, #tpu.dimension_semantics<subcore_parallel>], iteration_bounds = array<i64: 2, 16>, scalar_prefetch = 0 : i64, scratch_operands = 21 : i64, tpu.core_type = #tpu.core_type<sc_vector_subcore>, window_params = [{transform_indices = #map}, {transform_indices = #map1}, {transform_indices = #map1}, {transform_indices = #map}, {transform_indices = #map1}]} {
    %mul3A = arith.constant 632 : i32
    %mul3A_0 = arith.muli %arg1, %mul3A : i32
    %mul3A_1 = arith.constant 632 : i32
    %mul3A_2 = arith.muli %arg1, %mul3A_1 : i32
    "tpu.region"() ({
      %run_scoped3A = tpu.sem_alloc : memref<!tpu.dma_semaphore, #tpu.memory_space<semaphore_mem>>
      %dma_start3A_161 = arith.constant 0 : i32
      %dma_start3A_162 = tpu.memref_slice %arg10[%mul3A_2, %dma_start3A_161] : memref<10112x32xf32, #tpu.memory_space<vmem_shared>> -> memref<632x32xf32, #tpu.memory_space<vmem_shared>>
      %dma_start3A_163 = arith.constant 0 : i32
      %dma_start3A_164 = tpu.memref_slice %arg5[%mul3A_0, %dma_start3A_163] : memref<10112x32xf32, #tpu.memory_space<hbm>> -> memref<632x32xf32, #tpu.memory_space<hbm>>
      tpu.enqueue_dma source(%dma_start3A_164 : memref<632x32xf32, #tpu.memory_space<hbm>>) target(%dma_start3A_162 : memref<632x32xf32, #tpu.memory_space<vmem_shared>>) target_semaphore(%run_scoped3A : memref<!tpu.dma_semaphore, #tpu.memory_space<semaphore_mem>>)
      %dma_wait3A_165 = arith.constant 0 : i32
      %dma_wait3A_166 = tpu.memref_slice %arg10[%mul3A_2, %dma_wait3A_165] : memref<10112x32xf32, #tpu.memory_space<vmem_shared>> -> memref<632x32xf32, #tpu.memory_space<vmem_shared>>
      %dma_wait3A_167 = arith.constant 0 : i32
      %dma_wait3A_168 = tpu.memref_slice %arg5[%mul3A_0, %dma_wait3A_167] : memref<10112x32xf32, #tpu.memory_space<hbm>> -> memref<632x32xf32, #tpu.memory_space<hbm>>
      tpu.wait_dma2 semaphore(%run_scoped3A : memref<!tpu.dma_semaphore, #tpu.memory_space<semaphore_mem>>) src(%dma_wait3A_168 : memref<632x32xf32, #tpu.memory_space<hbm>>) dst(%dma_wait3A_166 : memref<632x32xf32, #tpu.memory_space<vmem_shared>>)
      tpu.yield
    }) : () -> ()
    %mul3A_3 = arith.constant 625 : i32
    %mul3A_4 = arith.muli %arg1, %mul3A_3 : i32
    %mul3A_5 = arith.constant 32 : i32
    %mul3A_6 = arith.muli %arg0, %mul3A_5 : i32
    %mul3A_7 = arith.constant 625 : i32
    %mul3A_8 = arith.muli %arg1, %mul3A_7 : i32
    "tpu.region"() ({
      %run_scoped3A = tpu.sem_alloc : memref<!tpu.dma_semaphore, #tpu.memory_space<semaphore_mem>>
      %dma_start3A_161 = arith.constant 0 : i32
      %dma_start3A_162 = tpu.memref_slice %arg11[%mul3A_8, %dma_start3A_161] : memref<10000x32xf32, #tpu.memory_space<vmem_shared>> -> memref<625x32xf32, #tpu.memory_space<vmem_shared>>
      %dma_start3A_163 = tpu.memref_slice %arg2[%mul3A_4, %mul3A_6] : memref<10000x64xf32, #tpu.memory_space<hbm>> -> memref<625x32xf32, #tpu.memory_space<hbm>>
      tpu.enqueue_dma source(%dma_start3A_163 : memref<625x32xf32, #tpu.memory_space<hbm>>) target(%dma_start3A_162 : memref<625x32xf32, #tpu.memory_space<vmem_shared>>) target_semaphore(%run_scoped3A : memref<!tpu.dma_semaphore, #tpu.memory_space<semaphore_mem>>)
      %dma_wait3A_164 = arith.constant 0 : i32
      %dma_wait3A_165 = tpu.memref_slice %arg11[%mul3A_8, %dma_wait3A_164] : memref<10000x32xf32, #tpu.memory_space<vmem_shared>> -> memref<625x32xf32, #tpu.memory_space<vmem_shared>>
      %dma_wait3A_166 = tpu.memref_slice %arg2[%mul3A_4, %mul3A_6] : memref<10000x64xf32, #tpu.memory_space<hbm>> -> memref<625x32xf32, #tpu.memory_space<hbm>>
      tpu.wait_dma2 semaphore(%run_scoped3A : memref<!tpu.dma_semaphore, #tpu.memory_space<semaphore_mem>>) src(%dma_wait3A_166 : memref<625x32xf32, #tpu.memory_space<hbm>>) dst(%dma_wait3A_165 : memref<625x32xf32, #tpu.memory_space<vmem_shared>>)
      tpu.yield
    }) : () -> ()
    "tpu.region"() ({
      %run_scoped3A = tpu.sem_alloc : memref<!tpu.dma_semaphore, #tpu.memory_space<semaphore_mem>>
      %dma_start3A_161 = arith.constant 0 : i32
      %dma_start3A_162 = arith.constant 0 : i32
      %dma_start3A_163 = tpu.memref_slice %arg3[%arg1, %dma_start3A_161, %dma_start3A_162] : memref<16x160x128xi32, #tpu.memory_space<hbm>> -> memref<1x160x128xi32, #tpu.memory_space<hbm>>
      %dma_start3A_164 = tpu.memref_squeeze %dma_start3A_163 : memref<1x160x128xi32, #tpu.memory_space<hbm>> -> memref<160x128xi32, #tpu.memory_space<hbm>>
      %dma_start3A_165 = arith.constant 0 : i32
      %dma_start3A_166 = arith.constant 0 : i32
      %dma_start3A_167 = tpu.memref_slice %arg3[%arg1, %dma_start3A_165, %dma_start3A_166] : memref<16x160x128xi32, #tpu.memory_space<hbm>> -> memref<1x160x128xi32, #tpu.memory_space<hbm>>
      %dma_start3A_168 = tpu.memref_squeeze %dma_start3A_167 : memref<1x160x128xi32, #tpu.memory_space<hbm>> -> memref<160x128xi32, #tpu.memory_space<hbm>>
      tpu.enqueue_dma source(%dma_start3A_168 : memref<160x128xi32, #tpu.memory_space<hbm>>) target(%arg7 : memref<160x128xi32, #tpu.memory_space<vmem>>) target_semaphore(%run_scoped3A : memref<!tpu.dma_semaphore, #tpu.memory_space<semaphore_mem>>)
      %dma_wait3A_169 = arith.constant 0 : i32
      %dma_wait3A_170 = arith.constant 0 : i32
      %dma_wait3A_171 = tpu.memref_slice %arg3[%arg1, %dma_wait3A_169, %dma_wait3A_170] : memref<16x160x128xi32, #tpu.memory_space<hbm>> -> memref<1x160x128xi32, #tpu.memory_space<hbm>>
      %dma_wait3A_172 = tpu.memref_squeeze %dma_wait3A_171 : memref<1x160x128xi32, #tpu.memory_space<hbm>> -> memref<160x128xi32, #tpu.memory_space<hbm>>
      %dma_wait3A_173 = arith.constant 0 : i32
      %dma_wait3A_174 = arith.constant 0 : i32
      %dma_wait3A_175 = tpu.memref_slice %arg3[%arg1, %dma_wait3A_173, %dma_wait3A_174] : memref<16x160x128xi32, #tpu.memory_space<hbm>> -> memref<1x160x128xi32, #tpu.memory_space<hbm>>
      %dma_wait3A_176 = tpu.memref_squeeze %dma_wait3A_175 : memref<1x160x128xi32, #tpu.memory_space<hbm>> -> memref<160x128xi32, #tpu.memory_space<hbm>>
      tpu.wait_dma2 semaphore(%run_scoped3A : memref<!tpu.dma_semaphore, #tpu.memory_space<semaphore_mem>>) src(%dma_wait3A_176 : memref<160x128xi32, #tpu.memory_space<hbm>>) dst(%arg7 : memref<160x128xi32, #tpu.memory_space<vmem>>)
      tpu.yield
    }) : () -> ()
    "tpu.region"() ({
      %run_scoped3A = tpu.sem_alloc : memref<!tpu.dma_semaphore, #tpu.memory_space<semaphore_mem>>
      %dma_start3A_161 = arith.constant 0 : i32
      %dma_start3A_162 = arith.constant 0 : i32
      %dma_start3A_163 = tpu.memref_slice %arg4[%arg1, %dma_start3A_161, %dma_start3A_162] : memref<16x160x128xi32, #tpu.memory_space<hbm>> -> memref<1x160x128xi32, #tpu.memory_space<hbm>>
      %dma_start3A_164 = tpu.memref_squeeze %dma_start3A_163 : memref<1x160x128xi32, #tpu.memory_space<hbm>> -> memref<160x128xi32, #tpu.memory_space<hbm>>
      %dma_start3A_165 = arith.constant 0 : i32
      %dma_start3A_166 = arith.constant 0 : i32
      %dma_start3A_167 = tpu.memref_slice %arg4[%arg1, %dma_start3A_165, %dma_start3A_166] : memref<16x160x128xi32, #tpu.memory_space<hbm>> -> memref<1x160x128xi32, #tpu.memory_space<hbm>>
      %dma_start3A_168 = tpu.memref_squeeze %dma_start3A_167 : memref<1x160x128xi32, #tpu.memory_space<hbm>> -> memref<160x128xi32, #tpu.memory_space<hbm>>
      tpu.enqueue_dma source(%dma_start3A_168 : memref<160x128xi32, #tpu.memory_space<hbm>>) target(%arg8 : memref<160x128xi32, #tpu.memory_space<vmem>>) target_semaphore(%run_scoped3A : memref<!tpu.dma_semaphore, #tpu.memory_space<semaphore_mem>>)
      %dma_wait3A_169 = arith.constant 0 : i32
      %dma_wait3A_170 = arith.constant 0 : i32
      %dma_wait3A_171 = tpu.memref_slice %arg4[%arg1, %dma_wait3A_169, %dma_wait3A_170] : memref<16x160x128xi32, #tpu.memory_space<hbm>> -> memref<1x160x128xi32, #tpu.memory_space<hbm>>
      %dma_wait3A_172 = tpu.memref_squeeze %dma_wait3A_171 : memref<1x160x128xi32, #tpu.memory_space<hbm>> -> memref<160x128xi32, #tpu.memory_space<hbm>>
      %dma_wait3A_173 = arith.constant 0 : i32
      %dma_wait3A_174 = arith.constant 0 : i32
      %dma_wait3A_175 = tpu.memref_slice %arg4[%arg1, %dma_wait3A_173, %dma_wait3A_174] : memref<16x160x128xi32, #tpu.memory_space<hbm>> -> memref<1x160x128xi32, #tpu.memory_space<hbm>>
      %dma_wait3A_176 = tpu.memref_squeeze %dma_wait3A_175 : memref<1x160x128xi32, #tpu.memory_space<hbm>> -> memref<160x128xi32, #tpu.memory_space<hbm>>
      tpu.wait_dma2 semaphore(%run_scoped3A : memref<!tpu.dma_semaphore, #tpu.memory_space<semaphore_mem>>) src(%dma_wait3A_176 : memref<160x128xi32, #tpu.memory_space<hbm>>) dst(%arg8 : memref<160x128xi32, #tpu.memory_space<vmem>>)
      tpu.yield
    }) : () -> ()
    %barrier3A = arith.constant 0 : index
    tpu.barrier barrier_id(%barrier3A)
    %dma_start3A = arith.constant 0 : i32
    %dma_start3A_9 = arith.constant 0 : i32
    %dma_start3A_10 = arith.constant 0 : i32
    %dma_start3A_11 = arith.constant 0 : i32
    %dma_start3A_12 = tpu.memref_slice %arg9[%dma_start3A_9, %dma_start3A_10, %dma_start3A_11] : memref<8x128x32xf32, #tpu.memory_space<vmem>> -> memref<1x128x32xf32, #tpu.memory_space<vmem>>
    %dma_start3A_13 = tpu.memref_squeeze %dma_start3A_12 : memref<1x128x32xf32, #tpu.memory_space<vmem>> -> memref<128x32xf32, #tpu.memory_space<vmem>>
    %dma_start3A_14 = arith.constant 0 : i32
    %dma_start3A_15 = tpu.memref_slice %arg7[%dma_start3A, %dma_start3A_14] : memref<160x128xi32, #tpu.memory_space<vmem>> -> memref<1x128xi32, #tpu.memory_space<vmem>>
    %dma_start3A_16 = tpu.memref_squeeze %dma_start3A_15 : memref<1x128xi32, #tpu.memory_space<vmem>> -> memref<128xi32, #tpu.memory_space<vmem>>
    %dma_start3A_17 = arith.constant 0 : i32
    %dma_start3A_18 = arith.constant 0 : i32
    %dma_start3A_19 = tpu.memref_slice %arg11[%dma_start3A_17, %dma_start3A_18] : memref<10000x32xf32, #tpu.memory_space<vmem_shared>> -> memref<10000x32xf32, #tpu.memory_space<vmem_shared>>
    tpu.enqueue_indirect_dma source(%dma_start3A_19 : memref<10000x32xf32, #tpu.memory_space<vmem_shared>>) target(%dma_start3A_13 : memref<128x32xf32, #tpu.memory_space<vmem>>) offsets(%dma_start3A_16 : memref<128xi32, #tpu.memory_space<vmem>>) semaphore(%arg12 : memref<!tpu.dma_semaphore, #tpu.memory_space<semaphore_mem>>)
    %dma_start3A_20 = arith.constant 1 : i32
    %dma_start3A_21 = arith.constant 1 : i32
    %dma_start3A_22 = arith.constant 0 : i32
    %dma_start3A_23 = arith.constant 0 : i32
    %dma_start3A_24 = tpu.memref_slice %arg9[%dma_start3A_21, %dma_start3A_22, %dma_start3A_23] : memref<8x128x32xf32, #tpu.memory_space<vmem>> -> memref<1x128x32xf32, #tpu.memory_space<vmem>>
    %dma_start3A_25 = tpu.memref_squeeze %dma_start3A_24 : memref<1x128x32xf32, #tpu.memory_space<vmem>> -> memref<128x32xf32, #tpu.memory_space<vmem>>
    %dma_start3A_26 = arith.constant 0 : i32
    %dma_start3A_27 = tpu.memref_slice %arg7[%dma_start3A_20, %dma_start3A_26] : memref<160x128xi32, #tpu.memory_space<vmem>> -> memref<1x128xi32, #tpu.memory_space<vmem>>
    %dma_start3A_28 = tpu.memref_squeeze %dma_start3A_27 : memref<1x128xi32, #tpu.memory_space<vmem>> -> memref<128xi32, #tpu.memory_space<vmem>>
    %dma_start3A_29 = arith.constant 0 : i32
    %dma_start3A_30 = arith.constant 0 : i32
    %dma_start3A_31 = tpu.memref_slice %arg11[%dma_start3A_29, %dma_start3A_30] : memref<10000x32xf32, #tpu.memory_space<vmem_shared>> -> memref<10000x32xf32, #tpu.memory_space<vmem_shared>>
    tpu.enqueue_indirect_dma source(%dma_start3A_31 : memref<10000x32xf32, #tpu.memory_space<vmem_shared>>) target(%dma_start3A_25 : memref<128x32xf32, #tpu.memory_space<vmem>>) offsets(%dma_start3A_28 : memref<128xi32, #tpu.memory_space<vmem>>) semaphore(%arg13 : memref<!tpu.dma_semaphore, #tpu.memory_space<semaphore_mem>>)
    %dma_start3A_32 = arith.constant 2 : i32
    %dma_start3A_33 = arith.constant 2 : i32
    %dma_start3A_34 = arith.constant 0 : i32
    %dma_start3A_35 = arith.constant 0 : i32
    %dma_start3A_36 = tpu.memref_slice %arg9[%dma_start3A_33, %dma_start3A_34, %dma_start3A_35] : memref<8x128x32xf32, #tpu.memory_space<vmem>> -> memref<1x128x32xf32, #tpu.memory_space<vmem>>
    %dma_start3A_37 = tpu.memref_squeeze %dma_start3A_36 : memref<1x128x32xf32, #tpu.memory_space<vmem>> -> memref<128x32xf32, #tpu.memory_space<vmem>>
    %dma_start3A_38 = arith.constant 0 : i32
    %dma_start3A_39 = tpu.memref_slice %arg7[%dma_start3A_32, %dma_start3A_38] : memref<160x128xi32, #tpu.memory_space<vmem>> -> memref<1x128xi32, #tpu.memory_space<vmem>>
    %dma_start3A_40 = tpu.memref_squeeze %dma_start3A_39 : memref<1x128xi32, #tpu.memory_space<vmem>> -> memref<128xi32, #tpu.memory_space<vmem>>
    %dma_start3A_41 = arith.constant 0 : i32
    %dma_start3A_42 = arith.constant 0 : i32
    %dma_start3A_43 = tpu.memref_slice %arg11[%dma_start3A_41, %dma_start3A_42] : memref<10000x32xf32, #tpu.memory_space<vmem_shared>> -> memref<10000x32xf32, #tpu.memory_space<vmem_shared>>
    tpu.enqueue_indirect_dma source(%dma_start3A_43 : memref<10000x32xf32, #tpu.memory_space<vmem_shared>>) target(%dma_start3A_37 : memref<128x32xf32, #tpu.memory_space<vmem>>) offsets(%dma_start3A_40 : memref<128xi32, #tpu.memory_space<vmem>>) semaphore(%arg14 : memref<!tpu.dma_semaphore, #tpu.memory_space<semaphore_mem>>)
    %dma_start3A_44 = arith.constant 3 : i32
    %dma_start3A_45 = arith.constant 3 : i32
    %dma_start3A_46 = arith.constant 0 : i32
    %dma_start3A_47 = arith.constant 0 : i32
    %dma_start3A_48 = tpu.memref_slice %arg9[%dma_start3A_45, %dma_start3A_46, %dma_start3A_47] : memref<8x128x32xf32, #tpu.memory_space<vmem>> -> memref<1x128x32xf32, #tpu.memory_space<vmem>>
    %dma_start3A_49 = tpu.memref_squeeze %dma_start3A_48 : memref<1x128x32xf32, #tpu.memory_space<vmem>> -> memref<128x32xf32, #tpu.memory_space<vmem>>
    %dma_start3A_50 = arith.constant 0 : i32
    %dma_start3A_51 = tpu.memref_slice %arg7[%dma_start3A_44, %dma_start3A_50] : memref<160x128xi32, #tpu.memory_space<vmem>> -> memref<1x128xi32, #tpu.memory_space<vmem>>
    %dma_start3A_52 = tpu.memref_squeeze %dma_start3A_51 : memref<1x128xi32, #tpu.memory_space<vmem>> -> memref<128xi32, #tpu.memory_space<vmem>>
    %dma_start3A_53 = arith.constant 0 : i32
    %dma_start3A_54 = arith.constant 0 : i32
    %dma_start3A_55 = tpu.memref_slice %arg11[%dma_start3A_53, %dma_start3A_54] : memref<10000x32xf32, #tpu.memory_space<vmem_shared>> -> memref<10000x32xf32, #tpu.memory_space<vmem_shared>>
    tpu.enqueue_indirect_dma source(%dma_start3A_55 : memref<10000x32xf32, #tpu.memory_space<vmem_shared>>) target(%dma_start3A_49 : memref<128x32xf32, #tpu.memory_space<vmem>>) offsets(%dma_start3A_52 : memref<128xi32, #tpu.memory_space<vmem>>) semaphore(%arg15 : memref<!tpu.dma_semaphore, #tpu.memory_space<semaphore_mem>>)
    %scan3A = arith.constant 0 : i32
    %scan3A_56 = arith.constant 0 : i32
    %scan3A_57 = arith.constant 20 : i32
    %scan3A_58 = arith.addi %scan3A_56, %scan3A_57 : i32
    %scan3A_59 = arith.constant 1 : i32
    scf.for %scan3A_161 = %scan3A_56 to %scan3A_58 step %scan3A_59  : i32 {
      %mul3A_162 = arith.constant 8 : i32
      %mul3A_163 = arith.muli %scan3A_161, %mul3A_162 : i32
      %add3A = arith.constant 0 : i32
      %add3A_164 = arith.addi %mul3A_163, %add3A : i32
      %add3A_165 = arith.constant 4 : i32
      %add3A_166 = arith.addi %add3A_164, %add3A_165 : i32
      %dma_wait3A_167 = arith.constant 0 : i32
      %dma_wait3A_168 = arith.constant 0 : i32
      %dma_wait3A_169 = arith.constant 0 : i32
      %dma_wait3A_170 = tpu.memref_slice %arg9[%dma_wait3A_167, %dma_wait3A_168, %dma_wait3A_169] : memref<8x128x32xf32, #tpu.memory_space<vmem>> -> memref<1x128x32xf32, #tpu.memory_space<vmem>>
      %dma_wait3A_171 = tpu.memref_squeeze %dma_wait3A_170 : memref<1x128x32xf32, #tpu.memory_space<vmem>> -> memref<128x32xf32, #tpu.memory_space<vmem>>
      %dma_wait3A_172 = arith.constant 0 : i32
      %dma_wait3A_173 = tpu.memref_slice %arg7[%add3A_164, %dma_wait3A_172] : memref<160x128xi32, #tpu.memory_space<vmem>> -> memref<1x128xi32, #tpu.memory_space<vmem>>
      %dma_wait3A_174 = tpu.memref_squeeze %dma_wait3A_173 : memref<1x128xi32, #tpu.memory_space<vmem>> -> memref<128xi32, #tpu.memory_space<vmem>>
      %dma_wait3A_175 = arith.constant 0 : i32
      %dma_wait3A_176 = arith.constant 0 : i32
      %dma_wait3A_177 = tpu.memref_slice %arg11[%dma_wait3A_175, %dma_wait3A_176] : memref<10000x32xf32, #tpu.memory_space<vmem_shared>> -> memref<10000x32xf32, #tpu.memory_space<vmem_shared>>
      tpu.wait_indirect_dma semaphore(%arg12 : memref<!tpu.dma_semaphore, #tpu.memory_space<semaphore_mem>>) src(%dma_wait3A_177 : memref<10000x32xf32, #tpu.memory_space<vmem_shared>>) dst(%dma_wait3A_171 : memref<128x32xf32, #tpu.memory_space<vmem>>)
      %dma_start3A_178 = arith.constant 0 : i32
      %dma_start3A_179 = arith.constant 0 : i32
      %dma_start3A_180 = arith.constant 0 : i32
      %dma_start3A_181 = tpu.memref_slice %arg9[%dma_start3A_178, %dma_start3A_179, %dma_start3A_180] : memref<8x128x32xf32, #tpu.memory_space<vmem>> -> memref<1x128x32xf32, #tpu.memory_space<vmem>>
      %dma_start3A_182 = tpu.memref_squeeze %dma_start3A_181 : memref<1x128x32xf32, #tpu.memory_space<vmem>> -> memref<128x32xf32, #tpu.memory_space<vmem>>
      %dma_start3A_183 = arith.constant 0 : i32
      %dma_start3A_184 = tpu.memref_slice %arg8[%add3A_164, %dma_start3A_183] : memref<160x128xi32, #tpu.memory_space<vmem>> -> memref<1x128xi32, #tpu.memory_space<vmem>>
      %dma_start3A_185 = tpu.memref_squeeze %dma_start3A_184 : memref<1x128xi32, #tpu.memory_space<vmem>> -> memref<128xi32, #tpu.memory_space<vmem>>
      %dma_start3A_186 = arith.constant 0 : i32
      %dma_start3A_187 = arith.constant 0 : i32
      %dma_start3A_188 = tpu.memref_slice %arg10[%dma_start3A_186, %dma_start3A_187] : memref<10112x32xf32, #tpu.memory_space<vmem_shared>> -> memref<10112x32xf32, #tpu.memory_space<vmem_shared>>
      tpu.enqueue_indirect_dma source(%dma_start3A_182 : memref<128x32xf32, #tpu.memory_space<vmem>>) target(%dma_start3A_188 : memref<10112x32xf32, #tpu.memory_space<vmem_shared>>) offsets(%dma_start3A_185 : memref<128xi32, #tpu.memory_space<vmem>>) semaphore(%arg20 : memref<!tpu.dma_semaphore, #tpu.memory_space<semaphore_mem>>) {add = true}
      %lt3A = arith.constant 160 : i32
      %lt3A_189 = arith.cmpi slt, %add3A_166, %lt3A : i32
      %convert_element_type3A = arith.extui %lt3A_189 : i1 to i32
      %cond3A = arith.constant 0 : i32
      %cond3A_190 = arith.cmpi ne, %convert_element_type3A, %cond3A : i32
      scf.if %cond3A_190 {
        %ge3A = arith.constant 4 : i32
        %ge3A_422 = arith.cmpi sge, %add3A_164, %ge3A : i32
        %convert_element_type3A_423 = arith.extui %ge3A_422 : i1 to i32
        %cond3A_424 = arith.constant 0 : i32
        %cond3A_425 = arith.cmpi ne, %convert_element_type3A_423, %cond3A_424 : i32
        scf.if %cond3A_425 {
          %dma_wait3A_437 = arith.constant 4 : i32
          %dma_wait3A_438 = arith.constant 0 : i32
          %dma_wait3A_439 = arith.constant 0 : i32
          %dma_wait3A_440 = tpu.memref_slice %arg9[%dma_wait3A_437, %dma_wait3A_438, %dma_wait3A_439] : memref<8x128x32xf32, #tpu.memory_space<vmem>> -> memref<1x128x32xf32, #tpu.memory_space<vmem>>
          %dma_wait3A_441 = tpu.memref_squeeze %dma_wait3A_440 : memref<1x128x32xf32, #tpu.memory_space<vmem>> -> memref<128x32xf32, #tpu.memory_space<vmem>>
          %dma_wait3A_442 = arith.constant 0 : i32
          %dma_wait3A_443 = tpu.memref_slice %arg8[%add3A_164, %dma_wait3A_442] : memref<160x128xi32, #tpu.memory_space<vmem>> -> memref<1x128xi32, #tpu.memory_space<vmem>>
          %dma_wait3A_444 = tpu.memref_squeeze %dma_wait3A_443 : memref<1x128xi32, #tpu.memory_space<vmem>> -> memref<128xi32, #tpu.memory_space<vmem>>
          %dma_wait3A_445 = arith.constant 0 : i32
          %dma_wait3A_446 = arith.constant 0 : i32
          %dma_wait3A_447 = tpu.memref_slice %arg10[%dma_wait3A_445, %dma_wait3A_446] : memref<10112x32xf32, #tpu.memory_space<vmem_shared>> -> memref<10112x32xf32, #tpu.memory_space<vmem_shared>>
          tpu.wait_indirect_dma semaphore(%arg24 : memref<!tpu.dma_semaphore, #tpu.memory_space<semaphore_mem>>) src(%dma_wait3A_441 : memref<128x32xf32, #tpu.memory_space<vmem>>) dst(%dma_wait3A_447 : memref<10112x32xf32, #tpu.memory_space<vmem_shared>>)
        } else {
        }
        %dma_start3A_426 = arith.constant 4 : i32
        %dma_start3A_427 = arith.constant 0 : i32
        %dma_start3A_428 = arith.constant 0 : i32
        %dma_start3A_429 = tpu.memref_slice %arg9[%dma_start3A_426, %dma_start3A_427, %dma_start3A_428] : memref<8x128x32xf32, #tpu.memory_space<vmem>> -> memref<1x128x32xf32, #tpu.memory_space<vmem>>
        %dma_start3A_430 = tpu.memref_squeeze %dma_start3A_429 : memref<1x128x32xf32, #tpu.memory_space<vmem>> -> memref<128x32xf32, #tpu.memory_space<vmem>>
        %dma_start3A_431 = arith.constant 0 : i32
        %dma_start3A_432 = tpu.memref_slice %arg7[%add3A_166, %dma_start3A_431] : memref<160x128xi32, #tpu.memory_space<vmem>> -> memref<1x128xi32, #tpu.memory_space<vmem>>
        %dma_start3A_433 = tpu.memref_squeeze %dma_start3A_432 : memref<1x128xi32, #tpu.memory_space<vmem>> -> memref<128xi32, #tpu.memory_space<vmem>>
        %dma_start3A_434 = arith.constant 0 : i32
        %dma_start3A_435 = arith.constant 0 : i32
        %dma_start3A_436 = tpu.memref_slice %arg11[%dma_start3A_434, %dma_start3A_435] : memref<10000x32xf32, #tpu.memory_space<vmem_shared>> -> memref<10000x32xf32, #tpu.memory_space<vmem_shared>>
        tpu.enqueue_indirect_dma source(%dma_start3A_436 : memref<10000x32xf32, #tpu.memory_space<vmem_shared>>) target(%dma_start3A_430 : memref<128x32xf32, #tpu.memory_space<vmem>>) offsets(%dma_start3A_433 : memref<128xi32, #tpu.memory_space<vmem>>) semaphore(%arg16 : memref<!tpu.dma_semaphore, #tpu.memory_space<semaphore_mem>>)
      } else {
      }
      %mul3A_191 = arith.constant 8 : i32
      %mul3A_192 = arith.muli %scan3A_161, %mul3A_191 : i32
      %add3A_193 = arith.constant 1 : i32
      %add3A_194 = arith.addi %mul3A_192, %add3A_193 : i32
      %add3A_195 = arith.constant 4 : i32
      %add3A_196 = arith.addi %add3A_194, %add3A_195 : i32
      %dma_wait3A_197 = arith.constant 1 : i32
      %dma_wait3A_198 = arith.constant 0 : i32
      %dma_wait3A_199 = arith.constant 0 : i32
      %dma_wait3A_200 = tpu.memref_slice %arg9[%dma_wait3A_197, %dma_wait3A_198, %dma_wait3A_199] : memref<8x128x32xf32, #tpu.memory_space<vmem>> -> memref<1x128x32xf32, #tpu.memory_space<vmem>>
      %dma_wait3A_201 = tpu.memref_squeeze %dma_wait3A_200 : memref<1x128x32xf32, #tpu.memory_space<vmem>> -> memref<128x32xf32, #tpu.memory_space<vmem>>
      %dma_wait3A_202 = arith.constant 0 : i32
      %dma_wait3A_203 = tpu.memref_slice %arg7[%add3A_194, %dma_wait3A_202] : memref<160x128xi32, #tpu.memory_space<vmem>> -> memref<1x128xi32, #tpu.memory_space<vmem>>
      %dma_wait3A_204 = tpu.memref_squeeze %dma_wait3A_203 : memref<1x128xi32, #tpu.memory_space<vmem>> -> memref<128xi32, #tpu.memory_space<vmem>>
      %dma_wait3A_205 = arith.constant 0 : i32
      %dma_wait3A_206 = arith.constant 0 : i32
      %dma_wait3A_207 = tpu.memref_slice %arg11[%dma_wait3A_205, %dma_wait3A_206] : memref<10000x32xf32, #tpu.memory_space<vmem_shared>> -> memref<10000x32xf32, #tpu.memory_space<vmem_shared>>
      tpu.wait_indirect_dma semaphore(%arg13 : memref<!tpu.dma_semaphore, #tpu.memory_space<semaphore_mem>>) src(%dma_wait3A_207 : memref<10000x32xf32, #tpu.memory_space<vmem_shared>>) dst(%dma_wait3A_201 : memref<128x32xf32, #tpu.memory_space<vmem>>)
      %dma_start3A_208 = arith.constant 1 : i32
      %dma_start3A_209 = arith.constant 0 : i32
      %dma_start3A_210 = arith.constant 0 : i32
      %dma_start3A_211 = tpu.memref_slice %arg9[%dma_start3A_208, %dma_start3A_209, %dma_start3A_210] : memref<8x128x32xf32, #tpu.memory_space<vmem>> -> memref<1x128x32xf32, #tpu.memory_space<vmem>>
      %dma_start3A_212 = tpu.memref_squeeze %dma_start3A_211 : memref<1x128x32xf32, #tpu.memory_space<vmem>> -> memref<128x32xf32, #tpu.memory_space<vmem>>
      %dma_start3A_213 = arith.constant 0 : i32
      %dma_start3A_214 = tpu.memref_slice %arg8[%add3A_194, %dma_start3A_213] : memref<160x128xi32, #tpu.memory_space<vmem>> -> memref<1x128xi32, #tpu.memory_space<vmem>>
      %dma_start3A_215 = tpu.memref_squeeze %dma_start3A_214 : memref<1x128xi32, #tpu.memory_space<vmem>> -> memref<128xi32, #tpu.memory_space<vmem>>
      %dma_start3A_216 = arith.constant 0 : i32
      %dma_start3A_217 = arith.constant 0 : i32
      %dma_start3A_218 = tpu.memref_slice %arg10[%dma_start3A_216, %dma_start3A_217] : memref<10112x32xf32, #tpu.memory_space<vmem_shared>> -> memref<10112x32xf32, #tpu.memory_space<vmem_shared>>
      tpu.enqueue_indirect_dma source(%dma_start3A_212 : memref<128x32xf32, #tpu.memory_space<vmem>>) target(%dma_start3A_218 : memref<10112x32xf32, #tpu.memory_space<vmem_shared>>) offsets(%dma_start3A_215 : memref<128xi32, #tpu.memory_space<vmem>>) semaphore(%arg21 : memref<!tpu.dma_semaphore, #tpu.memory_space<semaphore_mem>>) {add = true}
      %lt3A_219 = arith.constant 160 : i32
      %lt3A_220 = arith.cmpi slt, %add3A_196, %lt3A_219 : i32
      %convert_element_type3A_221 = arith.extui %lt3A_220 : i1 to i32
      %cond3A_222 = arith.constant 0 : i32
      %cond3A_223 = arith.cmpi ne, %convert_element_type3A_221, %cond3A_222 : i32
      scf.if %cond3A_223 {
        %ge3A = arith.constant 4 : i32
        %ge3A_422 = arith.cmpi sge, %add3A_194, %ge3A : i32
        %convert_element_type3A_423 = arith.extui %ge3A_422 : i1 to i32
        %cond3A_424 = arith.constant 0 : i32
        %cond3A_425 = arith.cmpi ne, %convert_element_type3A_423, %cond3A_424 : i32
        scf.if %cond3A_425 {
          %dma_wait3A_437 = arith.constant 5 : i32
          %dma_wait3A_438 = arith.constant 0 : i32
          %dma_wait3A_439 = arith.constant 0 : i32
          %dma_wait3A_440 = tpu.memref_slice %arg9[%dma_wait3A_437, %dma_wait3A_438, %dma_wait3A_439] : memref<8x128x32xf32, #tpu.memory_space<vmem>> -> memref<1x128x32xf32, #tpu.memory_space<vmem>>
          %dma_wait3A_441 = tpu.memref_squeeze %dma_wait3A_440 : memref<1x128x32xf32, #tpu.memory_space<vmem>> -> memref<128x32xf32, #tpu.memory_space<vmem>>
          %dma_wait3A_442 = arith.constant 0 : i32
          %dma_wait3A_443 = tpu.memref_slice %arg8[%add3A_194, %dma_wait3A_442] : memref<160x128xi32, #tpu.memory_space<vmem>> -> memref<1x128xi32, #tpu.memory_space<vmem>>
          %dma_wait3A_444 = tpu.memref_squeeze %dma_wait3A_443 : memref<1x128xi32, #tpu.memory_space<vmem>> -> memref<128xi32, #tpu.memory_space<vmem>>
          %dma_wait3A_445 = arith.constant 0 : i32
          %dma_wait3A_446 = arith.constant 0 : i32
          %dma_wait3A_447 = tpu.memref_slice %arg10[%dma_wait3A_445, %dma_wait3A_446] : memref<10112x32xf32, #tpu.memory_space<vmem_shared>> -> memref<10112x32xf32, #tpu.memory_space<vmem_shared>>
          tpu.wait_indirect_dma semaphore(%arg25 : memref<!tpu.dma_semaphore, #tpu.memory_space<semaphore_mem>>) src(%dma_wait3A_441 : memref<128x32xf32, #tpu.memory_space<vmem>>) dst(%dma_wait3A_447 : memref<10112x32xf32, #tpu.memory_space<vmem_shared>>)
        } else {
        }
        %dma_start3A_426 = arith.constant 5 : i32
        %dma_start3A_427 = arith.constant 0 : i32
        %dma_start3A_428 = arith.constant 0 : i32
        %dma_start3A_429 = tpu.memref_slice %arg9[%dma_start3A_426, %dma_start3A_427, %dma_start3A_428] : memref<8x128x32xf32, #tpu.memory_space<vmem>> -> memref<1x128x32xf32, #tpu.memory_space<vmem>>
        %dma_start3A_430 = tpu.memref_squeeze %dma_start3A_429 : memref<1x128x32xf32, #tpu.memory_space<vmem>> -> memref<128x32xf32, #tpu.memory_space<vmem>>
        %dma_start3A_431 = arith.constant 0 : i32
        %dma_start3A_432 = tpu.memref_slice %arg7[%add3A_196, %dma_start3A_431] : memref<160x128xi32, #tpu.memory_space<vmem>> -> memref<1x128xi32, #tpu.memory_space<vmem>>
        %dma_start3A_433 = tpu.memref_squeeze %dma_start3A_432 : memref<1x128xi32, #tpu.memory_space<vmem>> -> memref<128xi32, #tpu.memory_space<vmem>>
        %dma_start3A_434 = arith.constant 0 : i32
        %dma_start3A_435 = arith.constant 0 : i32
        %dma_start3A_436 = tpu.memref_slice %arg11[%dma_start3A_434, %dma_start3A_435] : memref<10000x32xf32, #tpu.memory_space<vmem_shared>> -> memref<10000x32xf32, #tpu.memory_space<vmem_shared>>
        tpu.enqueue_indirect_dma source(%dma_start3A_436 : memref<10000x32xf32, #tpu.memory_space<vmem_shared>>) target(%dma_start3A_430 : memref<128x32xf32, #tpu.memory_space<vmem>>) offsets(%dma_start3A_433 : memref<128xi32, #tpu.memory_space<vmem>>) semaphore(%arg17 : memref<!tpu.dma_semaphore, #tpu.memory_space<semaphore_mem>>)
      } else {
      }
      %mul3A_224 = arith.constant 8 : i32
      %mul3A_225 = arith.muli %scan3A_161, %mul3A_224 : i32
      %add3A_226 = arith.constant 2 : i32
      %add3A_227 = arith.addi %mul3A_225, %add3A_226 : i32
      %add3A_228 = arith.constant 4 : i32
      %add3A_229 = arith.addi %add3A_227, %add3A_228 : i32
      %dma_wait3A_230 = arith.constant 2 : i32
      %dma_wait3A_231 = arith.constant 0 : i32
      %dma_wait3A_232 = arith.constant 0 : i32
      %dma_wait3A_233 = tpu.memref_slice %arg9[%dma_wait3A_230, %dma_wait3A_231, %dma_wait3A_232] : memref<8x128x32xf32, #tpu.memory_space<vmem>> -> memref<1x128x32xf32, #tpu.memory_space<vmem>>
      %dma_wait3A_234 = tpu.memref_squeeze %dma_wait3A_233 : memref<1x128x32xf32, #tpu.memory_space<vmem>> -> memref<128x32xf32, #tpu.memory_space<vmem>>
      %dma_wait3A_235 = arith.constant 0 : i32
      %dma_wait3A_236 = tpu.memref_slice %arg7[%add3A_227, %dma_wait3A_235] : memref<160x128xi32, #tpu.memory_space<vmem>> -> memref<1x128xi32, #tpu.memory_space<vmem>>
      %dma_wait3A_237 = tpu.memref_squeeze %dma_wait3A_236 : memref<1x128xi32, #tpu.memory_space<vmem>> -> memref<128xi32, #tpu.memory_space<vmem>>
      %dma_wait3A_238 = arith.constant 0 : i32
      %dma_wait3A_239 = arith.constant 0 : i32
      %dma_wait3A_240 = tpu.memref_slice %arg11[%dma_wait3A_238, %dma_wait3A_239] : memref<10000x32xf32, #tpu.memory_space<vmem_shared>> -> memref<10000x32xf32, #tpu.memory_space<vmem_shared>>
      tpu.wait_indirect_dma semaphore(%arg14 : memref<!tpu.dma_semaphore, #tpu.memory_space<semaphore_mem>>) src(%dma_wait3A_240 : memref<10000x32xf32, #tpu.memory_space<vmem_shared>>) dst(%dma_wait3A_234 : memref<128x32xf32, #tpu.memory_space<vmem>>)
      %dma_start3A_241 = arith.constant 2 : i32
      %dma_start3A_242 = arith.constant 0 : i32
      %dma_start3A_243 = arith.constant 0 : i32
      %dma_start3A_244 = tpu.memref_slice %arg9[%dma_start3A_241, %dma_start3A_242, %dma_start3A_243] : memref<8x128x32xf32, #tpu.memory_space<vmem>> -> memref<1x128x32xf32, #tpu.memory_space<vmem>>
      %dma_start3A_245 = tpu.memref_squeeze %dma_start3A_244 : memref<1x128x32xf32, #tpu.memory_space<vmem>> -> memref<128x32xf32, #tpu.memory_space<vmem>>
      %dma_start3A_246 = arith.constant 0 : i32
      %dma_start3A_247 = tpu.memref_slice %arg8[%add3A_227, %dma_start3A_246] : memref<160x128xi32, #tpu.memory_space<vmem>> -> memref<1x128xi32, #tpu.memory_space<vmem>>
      %dma_start3A_248 = tpu.memref_squeeze %dma_start3A_247 : memref<1x128xi32, #tpu.memory_space<vmem>> -> memref<128xi32, #tpu.memory_space<vmem>>
      %dma_start3A_249 = arith.constant 0 : i32
      %dma_start3A_250 = arith.constant 0 : i32
      %dma_start3A_251 = tpu.memref_slice %arg10[%dma_start3A_249, %dma_start3A_250] : memref<10112x32xf32, #tpu.memory_space<vmem_shared>> -> memref<10112x32xf32, #tpu.memory_space<vmem_shared>>
      tpu.enqueue_indirect_dma source(%dma_start3A_245 : memref<128x32xf32, #tpu.memory_space<vmem>>) target(%dma_start3A_251 : memref<10112x32xf32, #tpu.memory_space<vmem_shared>>) offsets(%dma_start3A_248 : memref<128xi32, #tpu.memory_space<vmem>>) semaphore(%arg22 : memref<!tpu.dma_semaphore, #tpu.memory_space<semaphore_mem>>) {add = true}
      %lt3A_252 = arith.constant 160 : i32
      %lt3A_253 = arith.cmpi slt, %add3A_229, %lt3A_252 : i32
      %convert_element_type3A_254 = arith.extui %lt3A_253 : i1 to i32
      %cond3A_255 = arith.constant 0 : i32
      %cond3A_256 = arith.cmpi ne, %convert_element_type3A_254, %cond3A_255 : i32
      scf.if %cond3A_256 {
        %ge3A = arith.constant 4 : i32
        %ge3A_422 = arith.cmpi sge, %add3A_227, %ge3A : i32
        %convert_element_type3A_423 = arith.extui %ge3A_422 : i1 to i32
        %cond3A_424 = arith.constant 0 : i32
        %cond3A_425 = arith.cmpi ne, %convert_element_type3A_423, %cond3A_424 : i32
        scf.if %cond3A_425 {
          %dma_wait3A_437 = arith.constant 6 : i32
          %dma_wait3A_438 = arith.constant 0 : i32
          %dma_wait3A_439 = arith.constant 0 : i32
          %dma_wait3A_440 = tpu.memref_slice %arg9[%dma_wait3A_437, %dma_wait3A_438, %dma_wait3A_439] : memref<8x128x32xf32, #tpu.memory_space<vmem>> -> memref<1x128x32xf32, #tpu.memory_space<vmem>>
          %dma_wait3A_441 = tpu.memref_squeeze %dma_wait3A_440 : memref<1x128x32xf32, #tpu.memory_space<vmem>> -> memref<128x32xf32, #tpu.memory_space<vmem>>
          %dma_wait3A_442 = arith.constant 0 : i32
          %dma_wait3A_443 = tpu.memref_slice %arg8[%add3A_227, %dma_wait3A_442] : memref<160x128xi32, #tpu.memory_space<vmem>> -> memref<1x128xi32, #tpu.memory_space<vmem>>
          %dma_wait3A_444 = tpu.memref_squeeze %dma_wait3A_443 : memref<1x128xi32, #tpu.memory_space<vmem>> -> memref<128xi32, #tpu.memory_space<vmem>>
          %dma_wait3A_445 = arith.constant 0 : i32
          %dma_wait3A_446 = arith.constant 0 : i32
          %dma_wait3A_447 = tpu.memref_slice %arg10[%dma_wait3A_445, %dma_wait3A_446] : memref<10112x32xf32, #tpu.memory_space<vmem_shared>> -> memref<10112x32xf32, #tpu.memory_space<vmem_shared>>
          tpu.wait_indirect_dma semaphore(%arg26 : memref<!tpu.dma_semaphore, #tpu.memory_space<semaphore_mem>>) src(%dma_wait3A_441 : memref<128x32xf32, #tpu.memory_space<vmem>>) dst(%dma_wait3A_447 : memref<10112x32xf32, #tpu.memory_space<vmem_shared>>)
        } else {
        }
        %dma_start3A_426 = arith.constant 6 : i32
        %dma_start3A_427 = arith.constant 0 : i32
        %dma_start3A_428 = arith.constant 0 : i32
        %dma_start3A_429 = tpu.memref_slice %arg9[%dma_start3A_426, %dma_start3A_427, %dma_start3A_428] : memref<8x128x32xf32, #tpu.memory_space<vmem>> -> memref<1x128x32xf32, #tpu.memory_space<vmem>>
        %dma_start3A_430 = tpu.memref_squeeze %dma_start3A_429 : memref<1x128x32xf32, #tpu.memory_space<vmem>> -> memref<128x32xf32, #tpu.memory_space<vmem>>
        %dma_start3A_431 = arith.constant 0 : i32
        %dma_start3A_432 = tpu.memref_slice %arg7[%add3A_229, %dma_start3A_431] : memref<160x128xi32, #tpu.memory_space<vmem>> -> memref<1x128xi32, #tpu.memory_space<vmem>>
        %dma_start3A_433 = tpu.memref_squeeze %dma_start3A_432 : memref<1x128xi32, #tpu.memory_space<vmem>> -> memref<128xi32, #tpu.memory_space<vmem>>
        %dma_start3A_434 = arith.constant 0 : i32
        %dma_start3A_435 = arith.constant 0 : i32
        %dma_start3A_436 = tpu.memref_slice %arg11[%dma_start3A_434, %dma_start3A_435] : memref<10000x32xf32, #tpu.memory_space<vmem_shared>> -> memref<10000x32xf32, #tpu.memory_space<vmem_shared>>
        tpu.enqueue_indirect_dma source(%dma_start3A_436 : memref<10000x32xf32, #tpu.memory_space<vmem_shared>>) target(%dma_start3A_430 : memref<128x32xf32, #tpu.memory_space<vmem>>) offsets(%dma_start3A_433 : memref<128xi32, #tpu.memory_space<vmem>>) semaphore(%arg18 : memref<!tpu.dma_semaphore, #tpu.memory_space<semaphore_mem>>)
      } else {
      }
      %mul3A_257 = arith.constant 8 : i32
      %mul3A_258 = arith.muli %scan3A_161, %mul3A_257 : i32
      %add3A_259 = arith.constant 3 : i32
      %add3A_260 = arith.addi %mul3A_258, %add3A_259 : i32
      %add3A_261 = arith.constant 4 : i32
      %add3A_262 = arith.addi %add3A_260, %add3A_261 : i32
      %dma_wait3A_263 = arith.constant 3 : i32
      %dma_wait3A_264 = arith.constant 0 : i32
      %dma_wait3A_265 = arith.constant 0 : i32
      %dma_wait3A_266 = tpu.memref_slice %arg9[%dma_wait3A_263, %dma_wait3A_264, %dma_wait3A_265] : memref<8x128x32xf32, #tpu.memory_space<vmem>> -> memref<1x128x32xf32, #tpu.memory_space<vmem>>
      %dma_wait3A_267 = tpu.memref_squeeze %dma_wait3A_266 : memref<1x128x32xf32, #tpu.memory_space<vmem>> -> memref<128x32xf32, #tpu.memory_space<vmem>>
      %dma_wait3A_268 = arith.constant 0 : i32
      %dma_wait3A_269 = tpu.memref_slice %arg7[%add3A_260, %dma_wait3A_268] : memref<160x128xi32, #tpu.memory_space<vmem>> -> memref<1x128xi32, #tpu.memory_space<vmem>>
      %dma_wait3A_270 = tpu.memref_squeeze %dma_wait3A_269 : memref<1x128xi32, #tpu.memory_space<vmem>> -> memref<128xi32, #tpu.memory_space<vmem>>
      %dma_wait3A_271 = arith.constant 0 : i32
      %dma_wait3A_272 = arith.constant 0 : i32
      %dma_wait3A_273 = tpu.memref_slice %arg11[%dma_wait3A_271, %dma_wait3A_272] : memref<10000x32xf32, #tpu.memory_space<vmem_shared>> -> memref<10000x32xf32, #tpu.memory_space<vmem_shared>>
      tpu.wait_indirect_dma semaphore(%arg15 : memref<!tpu.dma_semaphore, #tpu.memory_space<semaphore_mem>>) src(%dma_wait3A_273 : memref<10000x32xf32, #tpu.memory_space<vmem_shared>>) dst(%dma_wait3A_267 : memref<128x32xf32, #tpu.memory_space<vmem>>)
      %dma_start3A_274 = arith.constant 3 : i32
      %dma_start3A_275 = arith.constant 0 : i32
      %dma_start3A_276 = arith.constant 0 : i32
      %dma_start3A_277 = tpu.memref_slice %arg9[%dma_start3A_274, %dma_start3A_275, %dma_start3A_276] : memref<8x128x32xf32, #tpu.memory_space<vmem>> -> memref<1x128x32xf32, #tpu.memory_space<vmem>>
      %dma_start3A_278 = tpu.memref_squeeze %dma_start3A_277 : memref<1x128x32xf32, #tpu.memory_space<vmem>> -> memref<128x32xf32, #tpu.memory_space<vmem>>
      %dma_start3A_279 = arith.constant 0 : i32
      %dma_start3A_280 = tpu.memref_slice %arg8[%add3A_260, %dma_start3A_279] : memref<160x128xi32, #tpu.memory_space<vmem>> -> memref<1x128xi32, #tpu.memory_space<vmem>>
      %dma_start3A_281 = tpu.memref_squeeze %dma_start3A_280 : memref<1x128xi32, #tpu.memory_space<vmem>> -> memref<128xi32, #tpu.memory_space<vmem>>
      %dma_start3A_282 = arith.constant 0 : i32
      %dma_start3A_283 = arith.constant 0 : i32
      %dma_start3A_284 = tpu.memref_slice %arg10[%dma_start3A_282, %dma_start3A_283] : memref<10112x32xf32, #tpu.memory_space<vmem_shared>> -> memref<10112x32xf32, #tpu.memory_space<vmem_shared>>
      tpu.enqueue_indirect_dma source(%dma_start3A_278 : memref<128x32xf32, #tpu.memory_space<vmem>>) target(%dma_start3A_284 : memref<10112x32xf32, #tpu.memory_space<vmem_shared>>) offsets(%dma_start3A_281 : memref<128xi32, #tpu.memory_space<vmem>>) semaphore(%arg23 : memref<!tpu.dma_semaphore, #tpu.memory_space<semaphore_mem>>) {add = true}
      %lt3A_285 = arith.constant 160 : i32
      %lt3A_286 = arith.cmpi slt, %add3A_262, %lt3A_285 : i32
      %convert_element_type3A_287 = arith.extui %lt3A_286 : i1 to i32
      %cond3A_288 = arith.constant 0 : i32
      %cond3A_289 = arith.cmpi ne, %convert_element_type3A_287, %cond3A_288 : i32
      scf.if %cond3A_289 {
        %ge3A = arith.constant 4 : i32
        %ge3A_422 = arith.cmpi sge, %add3A_260, %ge3A : i32
        %convert_element_type3A_423 = arith.extui %ge3A_422 : i1 to i32
        %cond3A_424 = arith.constant 0 : i32
        %cond3A_425 = arith.cmpi ne, %convert_element_type3A_423, %cond3A_424 : i32
        scf.if %cond3A_425 {
          %dma_wait3A_437 = arith.constant 7 : i32
          %dma_wait3A_438 = arith.constant 0 : i32
          %dma_wait3A_439 = arith.constant 0 : i32
          %dma_wait3A_440 = tpu.memref_slice %arg9[%dma_wait3A_437, %dma_wait3A_438, %dma_wait3A_439] : memref<8x128x32xf32, #tpu.memory_space<vmem>> -> memref<1x128x32xf32, #tpu.memory_space<vmem>>
          %dma_wait3A_441 = tpu.memref_squeeze %dma_wait3A_440 : memref<1x128x32xf32, #tpu.memory_space<vmem>> -> memref<128x32xf32, #tpu.memory_space<vmem>>
          %dma_wait3A_442 = arith.constant 0 : i32
          %dma_wait3A_443 = tpu.memref_slice %arg8[%add3A_260, %dma_wait3A_442] : memref<160x128xi32, #tpu.memory_space<vmem>> -> memref<1x128xi32, #tpu.memory_space<vmem>>
          %dma_wait3A_444 = tpu.memref_squeeze %dma_wait3A_443 : memref<1x128xi32, #tpu.memory_space<vmem>> -> memref<128xi32, #tpu.memory_space<vmem>>
          %dma_wait3A_445 = arith.constant 0 : i32
          %dma_wait3A_446 = arith.constant 0 : i32
          %dma_wait3A_447 = tpu.memref_slice %arg10[%dma_wait3A_445, %dma_wait3A_446] : memref<10112x32xf32, #tpu.memory_space<vmem_shared>> -> memref<10112x32xf32, #tpu.memory_space<vmem_shared>>
          tpu.wait_indirect_dma semaphore(%arg27 : memref<!tpu.dma_semaphore, #tpu.memory_space<semaphore_mem>>) src(%dma_wait3A_441 : memref<128x32xf32, #tpu.memory_space<vmem>>) dst(%dma_wait3A_447 : memref<10112x32xf32, #tpu.memory_space<vmem_shared>>)
        } else {
        }
        %dma_start3A_426 = arith.constant 7 : i32
        %dma_start3A_427 = arith.constant 0 : i32
        %dma_start3A_428 = arith.constant 0 : i32
        %dma_start3A_429 = tpu.memref_slice %arg9[%dma_start3A_426, %dma_start3A_427, %dma_start3A_428] : memref<8x128x32xf32, #tpu.memory_space<vmem>> -> memref<1x128x32xf32, #tpu.memory_space<vmem>>
        %dma_start3A_430 = tpu.memref_squeeze %dma_start3A_429 : memref<1x128x32xf32, #tpu.memory_space<vmem>> -> memref<128x32xf32, #tpu.memory_space<vmem>>
        %dma_start3A_431 = arith.constant 0 : i32
        %dma_start3A_432 = tpu.memref_slice %arg7[%add3A_262, %dma_start3A_431] : memref<160x128xi32, #tpu.memory_space<vmem>> -> memref<1x128xi32, #tpu.memory_space<vmem>>
        %dma_start3A_433 = tpu.memref_squeeze %dma_start3A_432 : memref<1x128xi32, #tpu.memory_space<vmem>> -> memref<128xi32, #tpu.memory_space<vmem>>
        %dma_start3A_434 = arith.constant 0 : i32
        %dma_start3A_435 = arith.constant 0 : i32
        %dma_start3A_436 = tpu.memref_slice %arg11[%dma_start3A_434, %dma_start3A_435] : memref<10000x32xf32, #tpu.memory_space<vmem_shared>> -> memref<10000x32xf32, #tpu.memory_space<vmem_shared>>
        tpu.enqueue_indirect_dma source(%dma_start3A_436 : memref<10000x32xf32, #tpu.memory_space<vmem_shared>>) target(%dma_start3A_430 : memref<128x32xf32, #tpu.memory_space<vmem>>) offsets(%dma_start3A_433 : memref<128xi32, #tpu.memory_space<vmem>>) semaphore(%arg19 : memref<!tpu.dma_semaphore, #tpu.memory_space<semaphore_mem>>)
      } else {
      }
      %mul3A_290 = arith.constant 8 : i32
      %mul3A_291 = arith.muli %scan3A_161, %mul3A_290 : i32
      %add3A_292 = arith.constant 4 : i32
      %add3A_293 = arith.addi %mul3A_291, %add3A_292 : i32
      %add3A_294 = arith.constant 4 : i32
      %add3A_295 = arith.addi %add3A_293, %add3A_294 : i32
      %dma_wait3A_296 = arith.constant 4 : i32
      %dma_wait3A_297 = arith.constant 0 : i32
      %dma_wait3A_298 = arith.constant 0 : i32
      %dma_wait3A_299 = tpu.memref_slice %arg9[%dma_wait3A_296, %dma_wait3A_297, %dma_wait3A_298] : memref<8x128x32xf32, #tpu.memory_space<vmem>> -> memref<1x128x32xf32, #tpu.memory_space<vmem>>
      %dma_wait3A_300 = tpu.memref_squeeze %dma_wait3A_299 : memref<1x128x32xf32, #tpu.memory_space<vmem>> -> memref<128x32xf32, #tpu.memory_space<vmem>>
      %dma_wait3A_301 = arith.constant 0 : i32
      %dma_wait3A_302 = tpu.memref_slice %arg7[%add3A_293, %dma_wait3A_301] : memref<160x128xi32, #tpu.memory_space<vmem>> -> memref<1x128xi32, #tpu.memory_space<vmem>>
      %dma_wait3A_303 = tpu.memref_squeeze %dma_wait3A_302 : memref<1x128xi32, #tpu.memory_space<vmem>> -> memref<128xi32, #tpu.memory_space<vmem>>
      %dma_wait3A_304 = arith.constant 0 : i32
      %dma_wait3A_305 = arith.constant 0 : i32
      %dma_wait3A_306 = tpu.memref_slice %arg11[%dma_wait3A_304, %dma_wait3A_305] : memref<10000x32xf32, #tpu.memory_space<vmem_shared>> -> memref<10000x32xf32, #tpu.memory_space<vmem_shared>>
      tpu.wait_indirect_dma semaphore(%arg16 : memref<!tpu.dma_semaphore, #tpu.memory_space<semaphore_mem>>) src(%dma_wait3A_306 : memref<10000x32xf32, #tpu.memory_space<vmem_shared>>) dst(%dma_wait3A_300 : memref<128x32xf32, #tpu.memory_space<vmem>>)
      %dma_start3A_307 = arith.constant 4 : i32
      %dma_start3A_308 = arith.constant 0 : i32
      %dma_start3A_309 = arith.constant 0 : i32
      %dma_start3A_310 = tpu.memref_slice %arg9[%dma_start3A_307, %dma_start3A_308, %dma_start3A_309] : memref<8x128x32xf32, #tpu.memory_space<vmem>> -> memref<1x128x32xf32, #tpu.memory_space<vmem>>
      %dma_start3A_311 = tpu.memref_squeeze %dma_start3A_310 : memref<1x128x32xf32, #tpu.memory_space<vmem>> -> memref<128x32xf32, #tpu.memory_space<vmem>>
      %dma_start3A_312 = arith.constant 0 : i32
      %dma_start3A_313 = tpu.memref_slice %arg8[%add3A_293, %dma_start3A_312] : memref<160x128xi32, #tpu.memory_space<vmem>> -> memref<1x128xi32, #tpu.memory_space<vmem>>
      %dma_start3A_314 = tpu.memref_squeeze %dma_start3A_313 : memref<1x128xi32, #tpu.memory_space<vmem>> -> memref<128xi32, #tpu.memory_space<vmem>>
      %dma_start3A_315 = arith.constant 0 : i32
      %dma_start3A_316 = arith.constant 0 : i32
      %dma_start3A_317 = tpu.memref_slice %arg10[%dma_start3A_315, %dma_start3A_316] : memref<10112x32xf32, #tpu.memory_space<vmem_shared>> -> memref<10112x32xf32, #tpu.memory_space<vmem_shared>>
      tpu.enqueue_indirect_dma source(%dma_start3A_311 : memref<128x32xf32, #tpu.memory_space<vmem>>) target(%dma_start3A_317 : memref<10112x32xf32, #tpu.memory_space<vmem_shared>>) offsets(%dma_start3A_314 : memref<128xi32, #tpu.memory_space<vmem>>) semaphore(%arg24 : memref<!tpu.dma_semaphore, #tpu.memory_space<semaphore_mem>>) {add = true}
      %lt3A_318 = arith.constant 160 : i32
      %lt3A_319 = arith.cmpi slt, %add3A_295, %lt3A_318 : i32
      %convert_element_type3A_320 = arith.extui %lt3A_319 : i1 to i32
      %cond3A_321 = arith.constant 0 : i32
      %cond3A_322 = arith.cmpi ne, %convert_element_type3A_320, %cond3A_321 : i32
      scf.if %cond3A_322 {
        %ge3A = arith.constant 4 : i32
        %ge3A_422 = arith.cmpi sge, %add3A_293, %ge3A : i32
        %convert_element_type3A_423 = arith.extui %ge3A_422 : i1 to i32
        %cond3A_424 = arith.constant 0 : i32
        %cond3A_425 = arith.cmpi ne, %convert_element_type3A_423, %cond3A_424 : i32
        scf.if %cond3A_425 {
          %dma_wait3A_437 = arith.constant 0 : i32
          %dma_wait3A_438 = arith.constant 0 : i32
          %dma_wait3A_439 = arith.constant 0 : i32
          %dma_wait3A_440 = tpu.memref_slice %arg9[%dma_wait3A_437, %dma_wait3A_438, %dma_wait3A_439] : memref<8x128x32xf32, #tpu.memory_space<vmem>> -> memref<1x128x32xf32, #tpu.memory_space<vmem>>
          %dma_wait3A_441 = tpu.memref_squeeze %dma_wait3A_440 : memref<1x128x32xf32, #tpu.memory_space<vmem>> -> memref<128x32xf32, #tpu.memory_space<vmem>>
          %dma_wait3A_442 = arith.constant 0 : i32
          %dma_wait3A_443 = tpu.memref_slice %arg8[%add3A_293, %dma_wait3A_442] : memref<160x128xi32, #tpu.memory_space<vmem>> -> memref<1x128xi32, #tpu.memory_space<vmem>>
          %dma_wait3A_444 = tpu.memref_squeeze %dma_wait3A_443 : memref<1x128xi32, #tpu.memory_space<vmem>> -> memref<128xi32, #tpu.memory_space<vmem>>
          %dma_wait3A_445 = arith.constant 0 : i32
          %dma_wait3A_446 = arith.constant 0 : i32
          %dma_wait3A_447 = tpu.memref_slice %arg10[%dma_wait3A_445, %dma_wait3A_446] : memref<10112x32xf32, #tpu.memory_space<vmem_shared>> -> memref<10112x32xf32, #tpu.memory_space<vmem_shared>>
          tpu.wait_indirect_dma semaphore(%arg20 : memref<!tpu.dma_semaphore, #tpu.memory_space<semaphore_mem>>) src(%dma_wait3A_441 : memref<128x32xf32, #tpu.memory_space<vmem>>) dst(%dma_wait3A_447 : memref<10112x32xf32, #tpu.memory_space<vmem_shared>>)
        } else {
        }
        %dma_start3A_426 = arith.constant 0 : i32
        %dma_start3A_427 = arith.constant 0 : i32
        %dma_start3A_428 = arith.constant 0 : i32
        %dma_start3A_429 = tpu.memref_slice %arg9[%dma_start3A_426, %dma_start3A_427, %dma_start3A_428] : memref<8x128x32xf32, #tpu.memory_space<vmem>> -> memref<1x128x32xf32, #tpu.memory_space<vmem>>
        %dma_start3A_430 = tpu.memref_squeeze %dma_start3A_429 : memref<1x128x32xf32, #tpu.memory_space<vmem>> -> memref<128x32xf32, #tpu.memory_space<vmem>>
        %dma_start3A_431 = arith.constant 0 : i32
        %dma_start3A_432 = tpu.memref_slice %arg7[%add3A_295, %dma_start3A_431] : memref<160x128xi32, #tpu.memory_space<vmem>> -> memref<1x128xi32, #tpu.memory_space<vmem>>
        %dma_start3A_433 = tpu.memref_squeeze %dma_start3A_432 : memref<1x128xi32, #tpu.memory_space<vmem>> -> memref<128xi32, #tpu.memory_space<vmem>>
        %dma_start3A_434 = arith.constant 0 : i32
        %dma_start3A_435 = arith.constant 0 : i32
        %dma_start3A_436 = tpu.memref_slice %arg11[%dma_start3A_434, %dma_start3A_435] : memref<10000x32xf32, #tpu.memory_space<vmem_shared>> -> memref<10000x32xf32, #tpu.memory_space<vmem_shared>>
        tpu.enqueue_indirect_dma source(%dma_start3A_436 : memref<10000x32xf32, #tpu.memory_space<vmem_shared>>) target(%dma_start3A_430 : memref<128x32xf32, #tpu.memory_space<vmem>>) offsets(%dma_start3A_433 : memref<128xi32, #tpu.memory_space<vmem>>) semaphore(%arg12 : memref<!tpu.dma_semaphore, #tpu.memory_space<semaphore_mem>>)
      } else {
      }
      %mul3A_323 = arith.constant 8 : i32
      %mul3A_324 = arith.muli %scan3A_161, %mul3A_323 : i32
      %add3A_325 = arith.constant 5 : i32
      %add3A_326 = arith.addi %mul3A_324, %add3A_325 : i32
      %add3A_327 = arith.constant 4 : i32
      %add3A_328 = arith.addi %add3A_326, %add3A_327 : i32
      %dma_wait3A_329 = arith.constant 5 : i32
      %dma_wait3A_330 = arith.constant 0 : i32
      %dma_wait3A_331 = arith.constant 0 : i32
      %dma_wait3A_332 = tpu.memref_slice %arg9[%dma_wait3A_329, %dma_wait3A_330, %dma_wait3A_331] : memref<8x128x32xf32, #tpu.memory_space<vmem>> -> memref<1x128x32xf32, #tpu.memory_space<vmem>>
      %dma_wait3A_333 = tpu.memref_squeeze %dma_wait3A_332 : memref<1x128x32xf32, #tpu.memory_space<vmem>> -> memref<128x32xf32, #tpu.memory_space<vmem>>
      %dma_wait3A_334 = arith.constant 0 : i32
      %dma_wait3A_335 = tpu.memref_slice %arg7[%add3A_326, %dma_wait3A_334] : memref<160x128xi32, #tpu.memory_space<vmem>> -> memref<1x128xi32, #tpu.memory_space<vmem>>
      %dma_wait3A_336 = tpu.memref_squeeze %dma_wait3A_335 : memref<1x128xi32, #tpu.memory_space<vmem>> -> memref<128xi32, #tpu.memory_space<vmem>>
      %dma_wait3A_337 = arith.constant 0 : i32
      %dma_wait3A_338 = arith.constant 0 : i32
      %dma_wait3A_339 = tpu.memref_slice %arg11[%dma_wait3A_337, %dma_wait3A_338] : memref<10000x32xf32, #tpu.memory_space<vmem_shared>> -> memref<10000x32xf32, #tpu.memory_space<vmem_shared>>
      tpu.wait_indirect_dma semaphore(%arg17 : memref<!tpu.dma_semaphore, #tpu.memory_space<semaphore_mem>>) src(%dma_wait3A_339 : memref<10000x32xf32, #tpu.memory_space<vmem_shared>>) dst(%dma_wait3A_333 : memref<128x32xf32, #tpu.memory_space<vmem>>)
      %dma_start3A_340 = arith.constant 5 : i32
      %dma_start3A_341 = arith.constant 0 : i32
      %dma_start3A_342 = arith.constant 0 : i32
      %dma_start3A_343 = tpu.memref_slice %arg9[%dma_start3A_340, %dma_start3A_341, %dma_start3A_342] : memref<8x128x32xf32, #tpu.memory_space<vmem>> -> memref<1x128x32xf32, #tpu.memory_space<vmem>>
      %dma_start3A_344 = tpu.memref_squeeze %dma_start3A_343 : memref<1x128x32xf32, #tpu.memory_space<vmem>> -> memref<128x32xf32, #tpu.memory_space<vmem>>
      %dma_start3A_345 = arith.constant 0 : i32
      %dma_start3A_346 = tpu.memref_slice %arg8[%add3A_326, %dma_start3A_345] : memref<160x128xi32, #tpu.memory_space<vmem>> -> memref<1x128xi32, #tpu.memory_space<vmem>>
      %dma_start3A_347 = tpu.memref_squeeze %dma_start3A_346 : memref<1x128xi32, #tpu.memory_space<vmem>> -> memref<128xi32, #tpu.memory_space<vmem>>
      %dma_start3A_348 = arith.constant 0 : i32
      %dma_start3A_349 = arith.constant 0 : i32
      %dma_start3A_350 = tpu.memref_slice %arg10[%dma_start3A_348, %dma_start3A_349] : memref<10112x32xf32, #tpu.memory_space<vmem_shared>> -> memref<10112x32xf32, #tpu.memory_space<vmem_shared>>
      tpu.enqueue_indirect_dma source(%dma_start3A_344 : memref<128x32xf32, #tpu.memory_space<vmem>>) target(%dma_start3A_350 : memref<10112x32xf32, #tpu.memory_space<vmem_shared>>) offsets(%dma_start3A_347 : memref<128xi32, #tpu.memory_space<vmem>>) semaphore(%arg25 : memref<!tpu.dma_semaphore, #tpu.memory_space<semaphore_mem>>) {add = true}
      %lt3A_351 = arith.constant 160 : i32
      %lt3A_352 = arith.cmpi slt, %add3A_328, %lt3A_351 : i32
      %convert_element_type3A_353 = arith.extui %lt3A_352 : i1 to i32
      %cond3A_354 = arith.constant 0 : i32
      %cond3A_355 = arith.cmpi ne, %convert_element_type3A_353, %cond3A_354 : i32
      scf.if %cond3A_355 {
        %ge3A = arith.constant 4 : i32
        %ge3A_422 = arith.cmpi sge, %add3A_326, %ge3A : i32
        %convert_element_type3A_423 = arith.extui %ge3A_422 : i1 to i32
        %cond3A_424 = arith.constant 0 : i32
        %cond3A_425 = arith.cmpi ne, %convert_element_type3A_423, %cond3A_424 : i32
        scf.if %cond3A_425 {
          %dma_wait3A_437 = arith.constant 1 : i32
          %dma_wait3A_438 = arith.constant 0 : i32
          %dma_wait3A_439 = arith.constant 0 : i32
          %dma_wait3A_440 = tpu.memref_slice %arg9[%dma_wait3A_437, %dma_wait3A_438, %dma_wait3A_439] : memref<8x128x32xf32, #tpu.memory_space<vmem>> -> memref<1x128x32xf32, #tpu.memory_space<vmem>>
          %dma_wait3A_441 = tpu.memref_squeeze %dma_wait3A_440 : memref<1x128x32xf32, #tpu.memory_space<vmem>> -> memref<128x32xf32, #tpu.memory_space<vmem>>
          %dma_wait3A_442 = arith.constant 0 : i32
          %dma_wait3A_443 = tpu.memref_slice %arg8[%add3A_326, %dma_wait3A_442] : memref<160x128xi32, #tpu.memory_space<vmem>> -> memref<1x128xi32, #tpu.memory_space<vmem>>
          %dma_wait3A_444 = tpu.memref_squeeze %dma_wait3A_443 : memref<1x128xi32, #tpu.memory_space<vmem>> -> memref<128xi32, #tpu.memory_space<vmem>>
          %dma_wait3A_445 = arith.constant 0 : i32
          %dma_wait3A_446 = arith.constant 0 : i32
          %dma_wait3A_447 = tpu.memref_slice %arg10[%dma_wait3A_445, %dma_wait3A_446] : memref<10112x32xf32, #tpu.memory_space<vmem_shared>> -> memref<10112x32xf32, #tpu.memory_space<vmem_shared>>
          tpu.wait_indirect_dma semaphore(%arg21 : memref<!tpu.dma_semaphore, #tpu.memory_space<semaphore_mem>>) src(%dma_wait3A_441 : memref<128x32xf32, #tpu.memory_space<vmem>>) dst(%dma_wait3A_447 : memref<10112x32xf32, #tpu.memory_space<vmem_shared>>)
        } else {
        }
        %dma_start3A_426 = arith.constant 1 : i32
        %dma_start3A_427 = arith.constant 0 : i32
        %dma_start3A_428 = arith.constant 0 : i32
        %dma_start3A_429 = tpu.memref_slice %arg9[%dma_start3A_426, %dma_start3A_427, %dma_start3A_428] : memref<8x128x32xf32, #tpu.memory_space<vmem>> -> memref<1x128x32xf32, #tpu.memory_space<vmem>>
        %dma_start3A_430 = tpu.memref_squeeze %dma_start3A_429 : memref<1x128x32xf32, #tpu.memory_space<vmem>> -> memref<128x32xf32, #tpu.memory_space<vmem>>
        %dma_start3A_431 = arith.constant 0 : i32
        %dma_start3A_432 = tpu.memref_slice %arg7[%add3A_328, %dma_start3A_431] : memref<160x128xi32, #tpu.memory_space<vmem>> -> memref<1x128xi32, #tpu.memory_space<vmem>>
        %dma_start3A_433 = tpu.memref_squeeze %dma_start3A_432 : memref<1x128xi32, #tpu.memory_space<vmem>> -> memref<128xi32, #tpu.memory_space<vmem>>
        %dma_start3A_434 = arith.constant 0 : i32
        %dma_start3A_435 = arith.constant 0 : i32
        %dma_start3A_436 = tpu.memref_slice %arg11[%dma_start3A_434, %dma_start3A_435] : memref<10000x32xf32, #tpu.memory_space<vmem_shared>> -> memref<10000x32xf32, #tpu.memory_space<vmem_shared>>
        tpu.enqueue_indirect_dma source(%dma_start3A_436 : memref<10000x32xf32, #tpu.memory_space<vmem_shared>>) target(%dma_start3A_430 : memref<128x32xf32, #tpu.memory_space<vmem>>) offsets(%dma_start3A_433 : memref<128xi32, #tpu.memory_space<vmem>>) semaphore(%arg13 : memref<!tpu.dma_semaphore, #tpu.memory_space<semaphore_mem>>)
      } else {
      }
      %mul3A_356 = arith.constant 8 : i32
      %mul3A_357 = arith.muli %scan3A_161, %mul3A_356 : i32
      %add3A_358 = arith.constant 6 : i32
      %add3A_359 = arith.addi %mul3A_357, %add3A_358 : i32
      %add3A_360 = arith.constant 4 : i32
      %add3A_361 = arith.addi %add3A_359, %add3A_360 : i32
      %dma_wait3A_362 = arith.constant 6 : i32
      %dma_wait3A_363 = arith.constant 0 : i32
      %dma_wait3A_364 = arith.constant 0 : i32
      %dma_wait3A_365 = tpu.memref_slice %arg9[%dma_wait3A_362, %dma_wait3A_363, %dma_wait3A_364] : memref<8x128x32xf32, #tpu.memory_space<vmem>> -> memref<1x128x32xf32, #tpu.memory_space<vmem>>
      %dma_wait3A_366 = tpu.memref_squeeze %dma_wait3A_365 : memref<1x128x32xf32, #tpu.memory_space<vmem>> -> memref<128x32xf32, #tpu.memory_space<vmem>>
      %dma_wait3A_367 = arith.constant 0 : i32
      %dma_wait3A_368 = tpu.memref_slice %arg7[%add3A_359, %dma_wait3A_367] : memref<160x128xi32, #tpu.memory_space<vmem>> -> memref<1x128xi32, #tpu.memory_space<vmem>>
      %dma_wait3A_369 = tpu.memref_squeeze %dma_wait3A_368 : memref<1x128xi32, #tpu.memory_space<vmem>> -> memref<128xi32, #tpu.memory_space<vmem>>
      %dma_wait3A_370 = arith.constant 0 : i32
      %dma_wait3A_371 = arith.constant 0 : i32
      %dma_wait3A_372 = tpu.memref_slice %arg11[%dma_wait3A_370, %dma_wait3A_371] : memref<10000x32xf32, #tpu.memory_space<vmem_shared>> -> memref<10000x32xf32, #tpu.memory_space<vmem_shared>>
      tpu.wait_indirect_dma semaphore(%arg18 : memref<!tpu.dma_semaphore, #tpu.memory_space<semaphore_mem>>) src(%dma_wait3A_372 : memref<10000x32xf32, #tpu.memory_space<vmem_shared>>) dst(%dma_wait3A_366 : memref<128x32xf32, #tpu.memory_space<vmem>>)
      %dma_start3A_373 = arith.constant 6 : i32
      %dma_start3A_374 = arith.constant 0 : i32
      %dma_start3A_375 = arith.constant 0 : i32
      %dma_start3A_376 = tpu.memref_slice %arg9[%dma_start3A_373, %dma_start3A_374, %dma_start3A_375] : memref<8x128x32xf32, #tpu.memory_space<vmem>> -> memref<1x128x32xf32, #tpu.memory_space<vmem>>
      %dma_start3A_377 = tpu.memref_squeeze %dma_start3A_376 : memref<1x128x32xf32, #tpu.memory_space<vmem>> -> memref<128x32xf32, #tpu.memory_space<vmem>>
      %dma_start3A_378 = arith.constant 0 : i32
      %dma_start3A_379 = tpu.memref_slice %arg8[%add3A_359, %dma_start3A_378] : memref<160x128xi32, #tpu.memory_space<vmem>> -> memref<1x128xi32, #tpu.memory_space<vmem>>
      %dma_start3A_380 = tpu.memref_squeeze %dma_start3A_379 : memref<1x128xi32, #tpu.memory_space<vmem>> -> memref<128xi32, #tpu.memory_space<vmem>>
      %dma_start3A_381 = arith.constant 0 : i32
      %dma_start3A_382 = arith.constant 0 : i32
      %dma_start3A_383 = tpu.memref_slice %arg10[%dma_start3A_381, %dma_start3A_382] : memref<10112x32xf32, #tpu.memory_space<vmem_shared>> -> memref<10112x32xf32, #tpu.memory_space<vmem_shared>>
      tpu.enqueue_indirect_dma source(%dma_start3A_377 : memref<128x32xf32, #tpu.memory_space<vmem>>) target(%dma_start3A_383 : memref<10112x32xf32, #tpu.memory_space<vmem_shared>>) offsets(%dma_start3A_380 : memref<128xi32, #tpu.memory_space<vmem>>) semaphore(%arg26 : memref<!tpu.dma_semaphore, #tpu.memory_space<semaphore_mem>>) {add = true}
      %lt3A_384 = arith.constant 160 : i32
      %lt3A_385 = arith.cmpi slt, %add3A_361, %lt3A_384 : i32
      %convert_element_type3A_386 = arith.extui %lt3A_385 : i1 to i32
      %cond3A_387 = arith.constant 0 : i32
      %cond3A_388 = arith.cmpi ne, %convert_element_type3A_386, %cond3A_387 : i32
      scf.if %cond3A_388 {
        %ge3A = arith.constant 4 : i32
        %ge3A_422 = arith.cmpi sge, %add3A_359, %ge3A : i32
        %convert_element_type3A_423 = arith.extui %ge3A_422 : i1 to i32
        %cond3A_424 = arith.constant 0 : i32
        %cond3A_425 = arith.cmpi ne, %convert_element_type3A_423, %cond3A_424 : i32
        scf.if %cond3A_425 {
          %dma_wait3A_437 = arith.constant 2 : i32
          %dma_wait3A_438 = arith.constant 0 : i32
          %dma_wait3A_439 = arith.constant 0 : i32
          %dma_wait3A_440 = tpu.memref_slice %arg9[%dma_wait3A_437, %dma_wait3A_438, %dma_wait3A_439] : memref<8x128x32xf32, #tpu.memory_space<vmem>> -> memref<1x128x32xf32, #tpu.memory_space<vmem>>
          %dma_wait3A_441 = tpu.memref_squeeze %dma_wait3A_440 : memref<1x128x32xf32, #tpu.memory_space<vmem>> -> memref<128x32xf32, #tpu.memory_space<vmem>>
          %dma_wait3A_442 = arith.constant 0 : i32
          %dma_wait3A_443 = tpu.memref_slice %arg8[%add3A_359, %dma_wait3A_442] : memref<160x128xi32, #tpu.memory_space<vmem>> -> memref<1x128xi32, #tpu.memory_space<vmem>>
          %dma_wait3A_444 = tpu.memref_squeeze %dma_wait3A_443 : memref<1x128xi32, #tpu.memory_space<vmem>> -> memref<128xi32, #tpu.memory_space<vmem>>
          %dma_wait3A_445 = arith.constant 0 : i32
          %dma_wait3A_446 = arith.constant 0 : i32
          %dma_wait3A_447 = tpu.memref_slice %arg10[%dma_wait3A_445, %dma_wait3A_446] : memref<10112x32xf32, #tpu.memory_space<vmem_shared>> -> memref<10112x32xf32, #tpu.memory_space<vmem_shared>>
          tpu.wait_indirect_dma semaphore(%arg22 : memref<!tpu.dma_semaphore, #tpu.memory_space<semaphore_mem>>) src(%dma_wait3A_441 : memref<128x32xf32, #tpu.memory_space<vmem>>) dst(%dma_wait3A_447 : memref<10112x32xf32, #tpu.memory_space<vmem_shared>>)
        } else {
        }
        %dma_start3A_426 = arith.constant 2 : i32
        %dma_start3A_427 = arith.constant 0 : i32
        %dma_start3A_428 = arith.constant 0 : i32
        %dma_start3A_429 = tpu.memref_slice %arg9[%dma_start3A_426, %dma_start3A_427, %dma_start3A_428] : memref<8x128x32xf32, #tpu.memory_space<vmem>> -> memref<1x128x32xf32, #tpu.memory_space<vmem>>
        %dma_start3A_430 = tpu.memref_squeeze %dma_start3A_429 : memref<1x128x32xf32, #tpu.memory_space<vmem>> -> memref<128x32xf32, #tpu.memory_space<vmem>>
        %dma_start3A_431 = arith.constant 0 : i32
        %dma_start3A_432 = tpu.memref_slice %arg7[%add3A_361, %dma_start3A_431] : memref<160x128xi32, #tpu.memory_space<vmem>> -> memref<1x128xi32, #tpu.memory_space<vmem>>
        %dma_start3A_433 = tpu.memref_squeeze %dma_start3A_432 : memref<1x128xi32, #tpu.memory_space<vmem>> -> memref<128xi32, #tpu.memory_space<vmem>>
        %dma_start3A_434 = arith.constant 0 : i32
        %dma_start3A_435 = arith.constant 0 : i32
        %dma_start3A_436 = tpu.memref_slice %arg11[%dma_start3A_434, %dma_start3A_435] : memref<10000x32xf32, #tpu.memory_space<vmem_shared>> -> memref<10000x32xf32, #tpu.memory_space<vmem_shared>>
        tpu.enqueue_indirect_dma source(%dma_start3A_436 : memref<10000x32xf32, #tpu.memory_space<vmem_shared>>) target(%dma_start3A_430 : memref<128x32xf32, #tpu.memory_space<vmem>>) offsets(%dma_start3A_433 : memref<128xi32, #tpu.memory_space<vmem>>) semaphore(%arg14 : memref<!tpu.dma_semaphore, #tpu.memory_space<semaphore_mem>>)
      } else {
      }
      %mul3A_389 = arith.constant 8 : i32
      %mul3A_390 = arith.muli %scan3A_161, %mul3A_389 : i32
      %add3A_391 = arith.constant 7 : i32
      %add3A_392 = arith.addi %mul3A_390, %add3A_391 : i32
      %add3A_393 = arith.constant 4 : i32
      %add3A_394 = arith.addi %add3A_392, %add3A_393 : i32
      %dma_wait3A_395 = arith.constant 7 : i32
      %dma_wait3A_396 = arith.constant 0 : i32
      %dma_wait3A_397 = arith.constant 0 : i32
      %dma_wait3A_398 = tpu.memref_slice %arg9[%dma_wait3A_395, %dma_wait3A_396, %dma_wait3A_397] : memref<8x128x32xf32, #tpu.memory_space<vmem>> -> memref<1x128x32xf32, #tpu.memory_space<vmem>>
      %dma_wait3A_399 = tpu.memref_squeeze %dma_wait3A_398 : memref<1x128x32xf32, #tpu.memory_space<vmem>> -> memref<128x32xf32, #tpu.memory_space<vmem>>
      %dma_wait3A_400 = arith.constant 0 : i32
      %dma_wait3A_401 = tpu.memref_slice %arg7[%add3A_392, %dma_wait3A_400] : memref<160x128xi32, #tpu.memory_space<vmem>> -> memref<1x128xi32, #tpu.memory_space<vmem>>
      %dma_wait3A_402 = tpu.memref_squeeze %dma_wait3A_401 : memref<1x128xi32, #tpu.memory_space<vmem>> -> memref<128xi32, #tpu.memory_space<vmem>>
      %dma_wait3A_403 = arith.constant 0 : i32
      %dma_wait3A_404 = arith.constant 0 : i32
      %dma_wait3A_405 = tpu.memref_slice %arg11[%dma_wait3A_403, %dma_wait3A_404] : memref<10000x32xf32, #tpu.memory_space<vmem_shared>> -> memref<10000x32xf32, #tpu.memory_space<vmem_shared>>
      tpu.wait_indirect_dma semaphore(%arg19 : memref<!tpu.dma_semaphore, #tpu.memory_space<semaphore_mem>>) src(%dma_wait3A_405 : memref<10000x32xf32, #tpu.memory_space<vmem_shared>>) dst(%dma_wait3A_399 : memref<128x32xf32, #tpu.memory_space<vmem>>)
      %dma_start3A_406 = arith.constant 7 : i32
      %dma_start3A_407 = arith.constant 0 : i32
      %dma_start3A_408 = arith.constant 0 : i32
      %dma_start3A_409 = tpu.memref_slice %arg9[%dma_start3A_406, %dma_start3A_407, %dma_start3A_408] : memref<8x128x32xf32, #tpu.memory_space<vmem>> -> memref<1x128x32xf32, #tpu.memory_space<vmem>>
      %dma_start3A_410 = tpu.memref_squeeze %dma_start3A_409 : memref<1x128x32xf32, #tpu.memory_space<vmem>> -> memref<128x32xf32, #tpu.memory_space<vmem>>
      %dma_start3A_411 = arith.constant 0 : i32
      %dma_start3A_412 = tpu.memref_slice %arg8[%add3A_392, %dma_start3A_411] : memref<160x128xi32, #tpu.memory_space<vmem>> -> memref<1x128xi32, #tpu.memory_space<vmem>>
      %dma_start3A_413 = tpu.memref_squeeze %dma_start3A_412 : memref<1x128xi32, #tpu.memory_space<vmem>> -> memref<128xi32, #tpu.memory_space<vmem>>
      %dma_start3A_414 = arith.constant 0 : i32
      %dma_start3A_415 = arith.constant 0 : i32
      %dma_start3A_416 = tpu.memref_slice %arg10[%dma_start3A_414, %dma_start3A_415] : memref<10112x32xf32, #tpu.memory_space<vmem_shared>> -> memref<10112x32xf32, #tpu.memory_space<vmem_shared>>
      tpu.enqueue_indirect_dma source(%dma_start3A_410 : memref<128x32xf32, #tpu.memory_space<vmem>>) target(%dma_start3A_416 : memref<10112x32xf32, #tpu.memory_space<vmem_shared>>) offsets(%dma_start3A_413 : memref<128xi32, #tpu.memory_space<vmem>>) semaphore(%arg27 : memref<!tpu.dma_semaphore, #tpu.memory_space<semaphore_mem>>) {add = true}
      %lt3A_417 = arith.constant 160 : i32
      %lt3A_418 = arith.cmpi slt, %add3A_394, %lt3A_417 : i32
      %convert_element_type3A_419 = arith.extui %lt3A_418 : i1 to i32
      %cond3A_420 = arith.constant 0 : i32
      %cond3A_421 = arith.cmpi ne, %convert_element_type3A_419, %cond3A_420 : i32
      scf.if %cond3A_421 {
        %ge3A = arith.constant 4 : i32
        %ge3A_422 = arith.cmpi sge, %add3A_392, %ge3A : i32
        %convert_element_type3A_423 = arith.extui %ge3A_422 : i1 to i32
        %cond3A_424 = arith.constant 0 : i32
        %cond3A_425 = arith.cmpi ne, %convert_element_type3A_423, %cond3A_424 : i32
        scf.if %cond3A_425 {
          %dma_wait3A_437 = arith.constant 3 : i32
          %dma_wait3A_438 = arith.constant 0 : i32
          %dma_wait3A_439 = arith.constant 0 : i32
          %dma_wait3A_440 = tpu.memref_slice %arg9[%dma_wait3A_437, %dma_wait3A_438, %dma_wait3A_439] : memref<8x128x32xf32, #tpu.memory_space<vmem>> -> memref<1x128x32xf32, #tpu.memory_space<vmem>>
          %dma_wait3A_441 = tpu.memref_squeeze %dma_wait3A_440 : memref<1x128x32xf32, #tpu.memory_space<vmem>> -> memref<128x32xf32, #tpu.memory_space<vmem>>
          %dma_wait3A_442 = arith.constant 0 : i32
          %dma_wait3A_443 = tpu.memref_slice %arg8[%add3A_392, %dma_wait3A_442] : memref<160x128xi32, #tpu.memory_space<vmem>> -> memref<1x128xi32, #tpu.memory_space<vmem>>
          %dma_wait3A_444 = tpu.memref_squeeze %dma_wait3A_443 : memref<1x128xi32, #tpu.memory_space<vmem>> -> memref<128xi32, #tpu.memory_space<vmem>>
          %dma_wait3A_445 = arith.constant 0 : i32
          %dma_wait3A_446 = arith.constant 0 : i32
          %dma_wait3A_447 = tpu.memref_slice %arg10[%dma_wait3A_445, %dma_wait3A_446] : memref<10112x32xf32, #tpu.memory_space<vmem_shared>> -> memref<10112x32xf32, #tpu.memory_space<vmem_shared>>
          tpu.wait_indirect_dma semaphore(%arg23 : memref<!tpu.dma_semaphore, #tpu.memory_space<semaphore_mem>>) src(%dma_wait3A_441 : memref<128x32xf32, #tpu.memory_space<vmem>>) dst(%dma_wait3A_447 : memref<10112x32xf32, #tpu.memory_space<vmem_shared>>)
        } else {
        }
        %dma_start3A_426 = arith.constant 3 : i32
        %dma_start3A_427 = arith.constant 0 : i32
        %dma_start3A_428 = arith.constant 0 : i32
        %dma_start3A_429 = tpu.memref_slice %arg9[%dma_start3A_426, %dma_start3A_427, %dma_start3A_428] : memref<8x128x32xf32, #tpu.memory_space<vmem>> -> memref<1x128x32xf32, #tpu.memory_space<vmem>>
        %dma_start3A_430 = tpu.memref_squeeze %dma_start3A_429 : memref<1x128x32xf32, #tpu.memory_space<vmem>> -> memref<128x32xf32, #tpu.memory_space<vmem>>
        %dma_start3A_431 = arith.constant 0 : i32
        %dma_start3A_432 = tpu.memref_slice %arg7[%add3A_394, %dma_start3A_431] : memref<160x128xi32, #tpu.memory_space<vmem>> -> memref<1x128xi32, #tpu.memory_space<vmem>>
        %dma_start3A_433 = tpu.memref_squeeze %dma_start3A_432 : memref<1x128xi32, #tpu.memory_space<vmem>> -> memref<128xi32, #tpu.memory_space<vmem>>
        %dma_start3A_434 = arith.constant 0 : i32
        %dma_start3A_435 = arith.constant 0 : i32
        %dma_start3A_436 = tpu.memref_slice %arg11[%dma_start3A_434, %dma_start3A_435] : memref<10000x32xf32, #tpu.memory_space<vmem_shared>> -> memref<10000x32xf32, #tpu.memory_space<vmem_shared>>
        tpu.enqueue_indirect_dma source(%dma_start3A_436 : memref<10000x32xf32, #tpu.memory_space<vmem_shared>>) target(%dma_start3A_430 : memref<128x32xf32, #tpu.memory_space<vmem>>) offsets(%dma_start3A_433 : memref<128xi32, #tpu.memory_space<vmem>>) semaphore(%arg15 : memref<!tpu.dma_semaphore, #tpu.memory_space<semaphore_mem>>)
      } else {
      }
    }
    %scan3A_60 = arith.constant 20 : i32
    %dma_wait3A = arith.constant 0 : i32
    %dma_wait3A_61 = arith.constant 0 : i32
    %dma_wait3A_62 = arith.constant 0 : i32
    %dma_wait3A_63 = arith.constant 0 : i32
    %dma_wait3A_64 = tpu.memref_slice %arg9[%dma_wait3A, %dma_wait3A_62, %dma_wait3A_63] : memref<8x128x32xf32, #tpu.memory_space<vmem>> -> memref<1x128x32xf32, #tpu.memory_space<vmem>>
    %dma_wait3A_65 = tpu.memref_squeeze %dma_wait3A_64 : memref<1x128x32xf32, #tpu.memory_space<vmem>> -> memref<128x32xf32, #tpu.memory_space<vmem>>
    %dma_wait3A_66 = arith.constant 0 : i32
    %dma_wait3A_67 = tpu.memref_slice %arg8[%dma_wait3A_61, %dma_wait3A_66] : memref<160x128xi32, #tpu.memory_space<vmem>> -> memref<1x128xi32, #tpu.memory_space<vmem>>
    %dma_wait3A_68 = tpu.memref_squeeze %dma_wait3A_67 : memref<1x128xi32, #tpu.memory_space<vmem>> -> memref<128xi32, #tpu.memory_space<vmem>>
    %dma_wait3A_69 = arith.constant 0 : i32
    %dma_wait3A_70 = arith.constant 0 : i32
    %dma_wait3A_71 = tpu.memref_slice %arg10[%dma_wait3A_69, %dma_wait3A_70] : memref<10112x32xf32, #tpu.memory_space<vmem_shared>> -> memref<10112x32xf32, #tpu.memory_space<vmem_shared>>
    tpu.wait_indirect_dma semaphore(%arg20 : memref<!tpu.dma_semaphore, #tpu.memory_space<semaphore_mem>>) src(%dma_wait3A_65 : memref<128x32xf32, #tpu.memory_space<vmem>>) dst(%dma_wait3A_71 : memref<10112x32xf32, #tpu.memory_space<vmem_shared>>)
    %dma_wait3A_72 = arith.constant 1 : i32
    %dma_wait3A_73 = arith.constant 1 : i32
    %dma_wait3A_74 = arith.constant 0 : i32
    %dma_wait3A_75 = arith.constant 0 : i32
    %dma_wait3A_76 = tpu.memref_slice %arg9[%dma_wait3A_72, %dma_wait3A_74, %dma_wait3A_75] : memref<8x128x32xf32, #tpu.memory_space<vmem>> -> memref<1x128x32xf32, #tpu.memory_space<vmem>>
    %dma_wait3A_77 = tpu.memref_squeeze %dma_wait3A_76 : memref<1x128x32xf32, #tpu.memory_space<vmem>> -> memref<128x32xf32, #tpu.memory_space<vmem>>
    %dma_wait3A_78 = arith.constant 0 : i32
    %dma_wait3A_79 = tpu.memref_slice %arg8[%dma_wait3A_73, %dma_wait3A_78] : memref<160x128xi32, #tpu.memory_space<vmem>> -> memref<1x128xi32, #tpu.memory_space<vmem>>
    %dma_wait3A_80 = tpu.memref_squeeze %dma_wait3A_79 : memref<1x128xi32, #tpu.memory_space<vmem>> -> memref<128xi32, #tpu.memory_space<vmem>>
    %dma_wait3A_81 = arith.constant 0 : i32
    %dma_wait3A_82 = arith.constant 0 : i32
    %dma_wait3A_83 = tpu.memref_slice %arg10[%dma_wait3A_81, %dma_wait3A_82] : memref<10112x32xf32, #tpu.memory_space<vmem_shared>> -> memref<10112x32xf32, #tpu.memory_space<vmem_shared>>
    tpu.wait_indirect_dma semaphore(%arg21 : memref<!tpu.dma_semaphore, #tpu.memory_space<semaphore_mem>>) src(%dma_wait3A_77 : memref<128x32xf32, #tpu.memory_space<vmem>>) dst(%dma_wait3A_83 : memref<10112x32xf32, #tpu.memory_space<vmem_shared>>)
    %dma_wait3A_84 = arith.constant 2 : i32
    %dma_wait3A_85 = arith.constant 2 : i32
    %dma_wait3A_86 = arith.constant 0 : i32
    %dma_wait3A_87 = arith.constant 0 : i32
    %dma_wait3A_88 = tpu.memref_slice %arg9[%dma_wait3A_84, %dma_wait3A_86, %dma_wait3A_87] : memref<8x128x32xf32, #tpu.memory_space<vmem>> -> memref<1x128x32xf32, #tpu.memory_space<vmem>>
    %dma_wait3A_89 = tpu.memref_squeeze %dma_wait3A_88 : memref<1x128x32xf32, #tpu.memory_space<vmem>> -> memref<128x32xf32, #tpu.memory_space<vmem>>
    %dma_wait3A_90 = arith.constant 0 : i32
    %dma_wait3A_91 = tpu.memref_slice %arg8[%dma_wait3A_85, %dma_wait3A_90] : memref<160x128xi32, #tpu.memory_space<vmem>> -> memref<1x128xi32, #tpu.memory_space<vmem>>
    %dma_wait3A_92 = tpu.memref_squeeze %dma_wait3A_91 : memref<1x128xi32, #tpu.memory_space<vmem>> -> memref<128xi32, #tpu.memory_space<vmem>>
    %dma_wait3A_93 = arith.constant 0 : i32
    %dma_wait3A_94 = arith.constant 0 : i32
    %dma_wait3A_95 = tpu.memref_slice %arg10[%dma_wait3A_93, %dma_wait3A_94] : memref<10112x32xf32, #tpu.memory_space<vmem_shared>> -> memref<10112x32xf32, #tpu.memory_space<vmem_shared>>
    tpu.wait_indirect_dma semaphore(%arg22 : memref<!tpu.dma_semaphore, #tpu.memory_space<semaphore_mem>>) src(%dma_wait3A_89 : memref<128x32xf32, #tpu.memory_space<vmem>>) dst(%dma_wait3A_95 : memref<10112x32xf32, #tpu.memory_space<vmem_shared>>)
    %dma_wait3A_96 = arith.constant 3 : i32
    %dma_wait3A_97 = arith.constant 3 : i32
    %dma_wait3A_98 = arith.constant 0 : i32
    %dma_wait3A_99 = arith.constant 0 : i32
    %dma_wait3A_100 = tpu.memref_slice %arg9[%dma_wait3A_96, %dma_wait3A_98, %dma_wait3A_99] : memref<8x128x32xf32, #tpu.memory_space<vmem>> -> memref<1x128x32xf32, #tpu.memory_space<vmem>>
    %dma_wait3A_101 = tpu.memref_squeeze %dma_wait3A_100 : memref<1x128x32xf32, #tpu.memory_space<vmem>> -> memref<128x32xf32, #tpu.memory_space<vmem>>
    %dma_wait3A_102 = arith.constant 0 : i32
    %dma_wait3A_103 = tpu.memref_slice %arg8[%dma_wait3A_97, %dma_wait3A_102] : memref<160x128xi32, #tpu.memory_space<vmem>> -> memref<1x128xi32, #tpu.memory_space<vmem>>
    %dma_wait3A_104 = tpu.memref_squeeze %dma_wait3A_103 : memref<1x128xi32, #tpu.memory_space<vmem>> -> memref<128xi32, #tpu.memory_space<vmem>>
    %dma_wait3A_105 = arith.constant 0 : i32
    %dma_wait3A_106 = arith.constant 0 : i32
    %dma_wait3A_107 = tpu.memref_slice %arg10[%dma_wait3A_105, %dma_wait3A_106] : memref<10112x32xf32, #tpu.memory_space<vmem_shared>> -> memref<10112x32xf32, #tpu.memory_space<vmem_shared>>
    tpu.wait_indirect_dma semaphore(%arg23 : memref<!tpu.dma_semaphore, #tpu.memory_space<semaphore_mem>>) src(%dma_wait3A_101 : memref<128x32xf32, #tpu.memory_space<vmem>>) dst(%dma_wait3A_107 : memref<10112x32xf32, #tpu.memory_space<vmem_shared>>)
    %dma_wait3A_108 = arith.constant 4 : i32
    %dma_wait3A_109 = arith.constant 4 : i32
    %dma_wait3A_110 = arith.constant 0 : i32
    %dma_wait3A_111 = arith.constant 0 : i32
    %dma_wait3A_112 = tpu.memref_slice %arg9[%dma_wait3A_108, %dma_wait3A_110, %dma_wait3A_111] : memref<8x128x32xf32, #tpu.memory_space<vmem>> -> memref<1x128x32xf32, #tpu.memory_space<vmem>>
    %dma_wait3A_113 = tpu.memref_squeeze %dma_wait3A_112 : memref<1x128x32xf32, #tpu.memory_space<vmem>> -> memref<128x32xf32, #tpu.memory_space<vmem>>
    %dma_wait3A_114 = arith.constant 0 : i32
    %dma_wait3A_115 = tpu.memref_slice %arg8[%dma_wait3A_109, %dma_wait3A_114] : memref<160x128xi32, #tpu.memory_space<vmem>> -> memref<1x128xi32, #tpu.memory_space<vmem>>
    %dma_wait3A_116 = tpu.memref_squeeze %dma_wait3A_115 : memref<1x128xi32, #tpu.memory_space<vmem>> -> memref<128xi32, #tpu.memory_space<vmem>>
    %dma_wait3A_117 = arith.constant 0 : i32
    %dma_wait3A_118 = arith.constant 0 : i32
    %dma_wait3A_119 = tpu.memref_slice %arg10[%dma_wait3A_117, %dma_wait3A_118] : memref<10112x32xf32, #tpu.memory_space<vmem_shared>> -> memref<10112x32xf32, #tpu.memory_space<vmem_shared>>
    tpu.wait_indirect_dma semaphore(%arg24 : memref<!tpu.dma_semaphore, #tpu.memory_space<semaphore_mem>>) src(%dma_wait3A_113 : memref<128x32xf32, #tpu.memory_space<vmem>>) dst(%dma_wait3A_119 : memref<10112x32xf32, #tpu.memory_space<vmem_shared>>)
    %dma_wait3A_120 = arith.constant 5 : i32
    %dma_wait3A_121 = arith.constant 5 : i32
    %dma_wait3A_122 = arith.constant 0 : i32
    %dma_wait3A_123 = arith.constant 0 : i32
    %dma_wait3A_124 = tpu.memref_slice %arg9[%dma_wait3A_120, %dma_wait3A_122, %dma_wait3A_123] : memref<8x128x32xf32, #tpu.memory_space<vmem>> -> memref<1x128x32xf32, #tpu.memory_space<vmem>>
    %dma_wait3A_125 = tpu.memref_squeeze %dma_wait3A_124 : memref<1x128x32xf32, #tpu.memory_space<vmem>> -> memref<128x32xf32, #tpu.memory_space<vmem>>
    %dma_wait3A_126 = arith.constant 0 : i32
    %dma_wait3A_127 = tpu.memref_slice %arg8[%dma_wait3A_121, %dma_wait3A_126] : memref<160x128xi32, #tpu.memory_space<vmem>> -> memref<1x128xi32, #tpu.memory_space<vmem>>
    %dma_wait3A_128 = tpu.memref_squeeze %dma_wait3A_127 : memref<1x128xi32, #tpu.memory_space<vmem>> -> memref<128xi32, #tpu.memory_space<vmem>>
    %dma_wait3A_129 = arith.constant 0 : i32
    %dma_wait3A_130 = arith.constant 0 : i32
    %dma_wait3A_131 = tpu.memref_slice %arg10[%dma_wait3A_129, %dma_wait3A_130] : memref<10112x32xf32, #tpu.memory_space<vmem_shared>> -> memref<10112x32xf32, #tpu.memory_space<vmem_shared>>
    tpu.wait_indirect_dma semaphore(%arg25 : memref<!tpu.dma_semaphore, #tpu.memory_space<semaphore_mem>>) src(%dma_wait3A_125 : memref<128x32xf32, #tpu.memory_space<vmem>>) dst(%dma_wait3A_131 : memref<10112x32xf32, #tpu.memory_space<vmem_shared>>)
    %dma_wait3A_132 = arith.constant 6 : i32
    %dma_wait3A_133 = arith.constant 6 : i32
    %dma_wait3A_134 = arith.constant 0 : i32
    %dma_wait3A_135 = arith.constant 0 : i32
    %dma_wait3A_136 = tpu.memref_slice %arg9[%dma_wait3A_132, %dma_wait3A_134, %dma_wait3A_135] : memref<8x128x32xf32, #tpu.memory_space<vmem>> -> memref<1x128x32xf32, #tpu.memory_space<vmem>>
    %dma_wait3A_137 = tpu.memref_squeeze %dma_wait3A_136 : memref<1x128x32xf32, #tpu.memory_space<vmem>> -> memref<128x32xf32, #tpu.memory_space<vmem>>
    %dma_wait3A_138 = arith.constant 0 : i32
    %dma_wait3A_139 = tpu.memref_slice %arg8[%dma_wait3A_133, %dma_wait3A_138] : memref<160x128xi32, #tpu.memory_space<vmem>> -> memref<1x128xi32, #tpu.memory_space<vmem>>
    %dma_wait3A_140 = tpu.memref_squeeze %dma_wait3A_139 : memref<1x128xi32, #tpu.memory_space<vmem>> -> memref<128xi32, #tpu.memory_space<vmem>>
    %dma_wait3A_141 = arith.constant 0 : i32
    %dma_wait3A_142 = arith.constant 0 : i32
    %dma_wait3A_143 = tpu.memref_slice %arg10[%dma_wait3A_141, %dma_wait3A_142] : memref<10112x32xf32, #tpu.memory_space<vmem_shared>> -> memref<10112x32xf32, #tpu.memory_space<vmem_shared>>
    tpu.wait_indirect_dma semaphore(%arg26 : memref<!tpu.dma_semaphore, #tpu.memory_space<semaphore_mem>>) src(%dma_wait3A_137 : memref<128x32xf32, #tpu.memory_space<vmem>>) dst(%dma_wait3A_143 : memref<10112x32xf32, #tpu.memory_space<vmem_shared>>)
    %dma_wait3A_144 = arith.constant 7 : i32
    %dma_wait3A_145 = arith.constant 7 : i32
    %dma_wait3A_146 = arith.constant 0 : i32
    %dma_wait3A_147 = arith.constant 0 : i32
    %dma_wait3A_148 = tpu.memref_slice %arg9[%dma_wait3A_144, %dma_wait3A_146, %dma_wait3A_147] : memref<8x128x32xf32, #tpu.memory_space<vmem>> -> memref<1x128x32xf32, #tpu.memory_space<vmem>>
    %dma_wait3A_149 = tpu.memref_squeeze %dma_wait3A_148 : memref<1x128x32xf32, #tpu.memory_space<vmem>> -> memref<128x32xf32, #tpu.memory_space<vmem>>
    %dma_wait3A_150 = arith.constant 0 : i32
    %dma_wait3A_151 = tpu.memref_slice %arg8[%dma_wait3A_145, %dma_wait3A_150] : memref<160x128xi32, #tpu.memory_space<vmem>> -> memref<1x128xi32, #tpu.memory_space<vmem>>
    %dma_wait3A_152 = tpu.memref_squeeze %dma_wait3A_151 : memref<1x128xi32, #tpu.memory_space<vmem>> -> memref<128xi32, #tpu.memory_space<vmem>>
    %dma_wait3A_153 = arith.constant 0 : i32
    %dma_wait3A_154 = arith.constant 0 : i32
    %dma_wait3A_155 = tpu.memref_slice %arg10[%dma_wait3A_153, %dma_wait3A_154] : memref<10112x32xf32, #tpu.memory_space<vmem_shared>> -> memref<10112x32xf32, #tpu.memory_space<vmem_shared>>
    tpu.wait_indirect_dma semaphore(%arg27 : memref<!tpu.dma_semaphore, #tpu.memory_space<semaphore_mem>>) src(%dma_wait3A_149 : memref<128x32xf32, #tpu.memory_space<vmem>>) dst(%dma_wait3A_155 : memref<10112x32xf32, #tpu.memory_space<vmem_shared>>)
    %barrier3A_156 = arith.constant 0 : index
    tpu.barrier barrier_id(%barrier3A_156)
    %mul3A_157 = arith.constant 632 : i32
    %mul3A_158 = arith.muli %arg1, %mul3A_157 : i32
    %mul3A_159 = arith.constant 632 : i32
    %mul3A_160 = arith.muli %arg1, %mul3A_159 : i32
    "tpu.region"() ({
      %run_scoped3A = tpu.sem_alloc : memref<!tpu.dma_semaphore, #tpu.memory_space<semaphore_mem>>
      %dma_start3A_161 = arith.constant 0 : i32
      %dma_start3A_162 = tpu.memref_slice %arg6[%arg0, %mul3A_160, %dma_start3A_161] : memref<2x10112x32xf32, #tpu.memory_space<hbm>> -> memref<1x632x32xf32, #tpu.memory_space<hbm>>
      %dma_start3A_163 = tpu.memref_squeeze %dma_start3A_162 : memref<1x632x32xf32, #tpu.memory_space<hbm>> -> memref<632x32xf32, #tpu.memory_space<hbm>>
      %dma_start3A_164 = arith.constant 0 : i32
      %dma_start3A_165 = tpu.memref_slice %arg10[%mul3A_158, %dma_start3A_164] : memref<10112x32xf32, #tpu.memory_space<vmem_shared>> -> memref<632x32xf32, #tpu.memory_space<vmem_shared>>
      tpu.enqueue_dma source(%dma_start3A_165 : memref<632x32xf32, #tpu.memory_space<vmem_shared>>) target(%dma_start3A_163 : memref<632x32xf32, #tpu.memory_space<hbm>>) target_semaphore(%run_scoped3A : memref<!tpu.dma_semaphore, #tpu.memory_space<semaphore_mem>>)
      %dma_wait3A_166 = arith.constant 0 : i32
      %dma_wait3A_167 = tpu.memref_slice %arg6[%arg0, %mul3A_160, %dma_wait3A_166] : memref<2x10112x32xf32, #tpu.memory_space<hbm>> -> memref<1x632x32xf32, #tpu.memory_space<hbm>>
      %dma_wait3A_168 = tpu.memref_squeeze %dma_wait3A_167 : memref<1x632x32xf32, #tpu.memory_space<hbm>> -> memref<632x32xf32, #tpu.memory_space<hbm>>
      %dma_wait3A_169 = arith.constant 0 : i32
      %dma_wait3A_170 = tpu.memref_slice %arg10[%mul3A_158, %dma_wait3A_169] : memref<10112x32xf32, #tpu.memory_space<vmem_shared>> -> memref<632x32xf32, #tpu.memory_space<vmem_shared>>
      tpu.wait_dma2 semaphore(%run_scoped3A : memref<!tpu.dma_semaphore, #tpu.memory_space<semaphore_mem>>) src(%dma_wait3A_170 : memref<632x32xf32, #tpu.memory_space<vmem_shared>>) dst(%dma_wait3A_168 : memref<632x32xf32, #tpu.memory_space<hbm>>)
      tpu.yield
    }) : () -> ()
    return
  }
}

module attributes {stable_mosaic.version = 14 : i64} {
  func.func @_compact_body(%arg0: memref<128xf32, #tpu.memory_space<vmem>>, %arg1: memref<10000x128xf32, #tpu.memory_space<vmem>>, %arg2: memref<128x256xf32, #tpu.memory_space<vmem>>, %arg3: memref<10000x64xf32, #tpu.memory_space<vmem>>, %arg4: memref<64x256xf32, #tpu.memory_space<vmem>>) attributes {dimension_semantics = [], scalar_prefetch = 0 : i64, scratch_operands = 0 : i64, tpu.core_type = #tpu.core_type<tc>} {
    %get3A = arith.constant 0 : index
    %get3A_0 = vector.load %arg0[%get3A] : memref<128xf32, #tpu.memory_space<vmem>>, vector<128xf32>
    %logistic3A = arith.negf %get3A_0 : vector<128xf32>
    %logistic3A_1 = math.exp %logistic3A : vector<128xf32>
    %logistic3A_2 = arith.constant 1.000000e+00 : f32
    %logistic3A_3 = vector.broadcast %logistic3A_2 : f32 to vector<128xf32>
    %logistic3A_4 = arith.addf %logistic3A_3, %logistic3A_1 : vector<128xf32>
    %logistic3A_5 = arith.divf %logistic3A_3, %logistic3A_4 : vector<128xf32>
    %broadcast_in_dim3A = vector.shape_cast %logistic3A_5 : vector<128xf32> to vector<128x1xf32>
    %broadcast_in_dim3A_6 = vector.shape_cast %logistic3A_5 : vector<128xf32> to vector<1x128xf32>
    %iota3A = tpu.iota {dimensions = array<i32: 0>} : vector<128x128xi32>
    %iota3A_7 = tpu.iota {dimensions = array<i32: 1>} : vector<128x128xi32>
    %gt3A = vector.broadcast %broadcast_in_dim3A_6 : vector<1x128xf32> to vector<128x128xf32>
    %gt3A_8 = vector.broadcast %broadcast_in_dim3A : vector<128x1xf32> to vector<128x128xf32>
    %gt3A_9 = arith.cmpf ogt, %gt3A, %gt3A_8 : vector<128x128xf32>
    %eq3A = vector.broadcast %broadcast_in_dim3A_6 : vector<1x128xf32> to vector<128x128xf32>
    %eq3A_10 = vector.broadcast %broadcast_in_dim3A : vector<128x1xf32> to vector<128x128xf32>
    %eq3A_11 = arith.cmpf oeq, %eq3A, %eq3A_10 : vector<128x128xf32>
    %lt3A = arith.cmpi slt, %iota3A_7, %iota3A : vector<128x128xi32>
    %and3A = arith.andi %eq3A_11, %lt3A : vector<128x128xi1>
    %or3A = arith.ori %gt3A_9, %and3A : vector<128x128xi1>
    %convert_element_type3A = arith.extui %or3A : vector<128x128xi1> to vector<128x128xi32>
    %reduce_sum3A = arith.constant dense<0> : vector<128xi32>
    %reduce_sum3A_12 = vector.multi_reduction <add>, %convert_element_type3A, %reduce_sum3A [1] : vector<128x128xi32> to vector<128xi32>
    %lt3A_13 = arith.constant 64 : i32
    %lt3A_14 = vector.broadcast %lt3A_13 : i32 to vector<128xi32>
    %lt3A_15 = arith.cmpi slt, %reduce_sum3A_12, %lt3A_14 : vector<128xi32>
    %broadcast_in_dim3A_16 = vector.shape_cast %lt3A_15 : vector<128xi1> to vector<1x128xi1>
    %lt3A_17 = arith.cmpi slt, %iota3A_7, %iota3A : vector<128x128xi32>
    %and3A_18 = vector.broadcast %broadcast_in_dim3A_16 : vector<1x128xi1> to vector<128x128xi1>
    %and3A_19 = arith.andi %and3A_18, %lt3A_17 : vector<128x128xi1>
    %convert_element_type3A_20 = arith.extui %and3A_19 : vector<128x128xi1> to vector<128x128xi32>
    %reduce_sum3A_21 = arith.constant dense<0> : vector<128xi32>
    %reduce_sum3A_22 = vector.multi_reduction <add>, %convert_element_type3A_20, %reduce_sum3A_21 [1] : vector<128x128xi32> to vector<128xi32>
    %iota3A_23 = tpu.iota {dimensions = array<i32: 1>} : vector<128x64xi32>
    %broadcast_in_dim3A_24 = vector.shape_cast %lt3A_15 : vector<128xi1> to vector<128x1xi1>
    %broadcast_in_dim3A_25 = vector.shape_cast %reduce_sum3A_22 : vector<128xi32> to vector<128x1xi32>
    %eq3A_26 = vector.broadcast %broadcast_in_dim3A_25 : vector<128x1xi32> to vector<128x64xi32>
    %eq3A_27 = arith.cmpi eq, %eq3A_26, %iota3A_23 : vector<128x64xi32>
    %and3A_28 = vector.broadcast %broadcast_in_dim3A_24 : vector<128x1xi1> to vector<128x64xi1>
    %and3A_29 = arith.andi %and3A_28, %eq3A_27 : vector<128x64xi1>
    %convert_element_type3A_30 = arith.extui %and3A_29 : vector<128x64xi1> to vector<128x64xi32>
    %convert_element_type3A_31 = arith.sitofp %convert_element_type3A_30 : vector<128x64xi32> to vector<128x64xf32>
    %get3A_32 = arith.constant 0 : index
    %get3A_33 = arith.constant 0 : index
    %get3A_34 = vector.load %arg1[%get3A_32, %get3A_33] : memref<10000x128xf32, #tpu.memory_space<vmem>>, vector<10000x128xf32>
    %dot_general3A = arith.constant dense<0.000000e+00> : vector<10000x64xf32>
    %dot_general3A_35 = tpu.matmul %get3A_34, %convert_element_type3A_31, %dot_general3A {dimension_numbers = #tpu.dot_dimension_numbers<[1], [0], [0], [1], [0, 0, 1, 1], [], []>, transpose_lhs_hint = false} : vector<10000x128xf32>, vector<128x64xf32>, vector<10000x64xf32> -> vector<10000x64xf32>
    %swap3A = arith.constant 0 : index
    %swap3A_36 = arith.constant 0 : index
    %swap3A_37 = vector.load %arg3[%swap3A, %swap3A_36] : memref<10000x64xf32, #tpu.memory_space<vmem>>, vector<10000x64xf32>
    tpu.vector_store %arg3[%swap3A, %swap3A_36], %dot_general3A_35 {strides = array<i32>} : memref<10000x64xf32, #tpu.memory_space<vmem>>, vector<10000x64xf32>,
    %get3A_38 = arith.constant 0 : index
    %get3A_39 = arith.constant 0 : index
    %get3A_40 = vector.load %arg2[%get3A_38, %get3A_39] : memref<128x256xf32, #tpu.memory_space<vmem>>, vector<128x256xf32>
    %dot_general3A_41 = arith.constant dense<0.000000e+00> : vector<64x256xf32>
    %dot_general3A_42 = tpu.matmul %convert_element_type3A_31, %get3A_40, %dot_general3A_41 {dimension_numbers = #tpu.dot_dimension_numbers<[0], [0], [1], [1], [0, 1, 1, 1], [], []>, transpose_lhs_hint = false} : vector<128x64xf32>, vector<128x256xf32>, vector<64x256xf32> -> vector<64x256xf32>
    %swap3A_43 = arith.constant 0 : index
    %swap3A_44 = arith.constant 0 : index
    %swap3A_45 = vector.load %arg4[%swap3A_43, %swap3A_44] : memref<64x256xf32, #tpu.memory_space<vmem>>, vector<64x256xf32>
    tpu.vector_store %arg4[%swap3A_43, %swap3A_44], %dot_general3A_42 {strides = array<i32>} : memref<64x256xf32, #tpu.memory_space<vmem>>, vector<64x256xf32>,
    return
  }
}

module attributes {stable_mosaic.version = 14 : i64} {
  func.func @_prep_body(%arg0: memref<2x320000xi32, #tpu.memory_space<vmem>>, %arg1: memref<327680xi32, #tpu.memory_space<vmem>>, %arg2: memref<327680xi32, #tpu.memory_space<vmem>>) attributes {dimension_semantics = [], scalar_prefetch = 0 : i64, scratch_operands = 0 : i64, tpu.core_type = #tpu.core_type<tc>} {
    %get3A = arith.constant 0 : index
    %get3A_0 = arith.constant 0 : index
    %get3A_1 = vector.load %arg0[%get3A, %get3A_0] : memref<2x320000xi32, #tpu.memory_space<vmem>>, vector<1x320000xi32>
    %get3A_2 = vector.shape_cast %get3A_1 : vector<1x320000xi32> to vector<320000xi32>
    %swap3A = arith.constant 0 : index
    %swap3A_3 = vector.load %arg1[%swap3A] : memref<327680xi32, #tpu.memory_space<vmem>>, vector<320000xi32>
    tpu.vector_store %arg1[%swap3A], %get3A_2 {strides = array<i32>} : memref<327680xi32, #tpu.memory_space<vmem>>, vector<320000xi32>,
    %get3A_4 = arith.constant 1 : index
    %get3A_5 = arith.constant 0 : index
    %get3A_6 = vector.load %arg0[%get3A_4, %get3A_5] : memref<2x320000xi32, #tpu.memory_space<vmem>>, vector<1x320000xi32>
    %get3A_7 = vector.shape_cast %get3A_6 : vector<1x320000xi32> to vector<320000xi32>
    %swap3A_8 = arith.constant 0 : index
    %swap3A_9 = vector.load %arg2[%swap3A_8] : memref<327680xi32, #tpu.memory_space<vmem>>, vector<320000xi32>
    tpu.vector_store %arg2[%swap3A_8], %get3A_7 {strides = array<i32>} : memref<327680xi32, #tpu.memory_space<vmem>>, vector<320000xi32>,
    %broadcast_in_dim3A = arith.constant 0 : i32
    %broadcast_in_dim3A_10 = vector.broadcast %broadcast_in_dim3A : i32 to vector<7680xi32>
    %swap3A_11 = arith.constant 320000 : index
    %swap3A_12 = vector.load %arg1[%swap3A_11] : memref<327680xi32, #tpu.memory_space<vmem>>, vector<7680xi32>
    tpu.vector_store %arg1[%swap3A_11], %broadcast_in_dim3A_10 {strides = array<i32>} : memref<327680xi32, #tpu.memory_space<vmem>>, vector<7680xi32>,
    %broadcast_in_dim3A_13 = arith.constant 10000 : i32
    %broadcast_in_dim3A_14 = vector.broadcast %broadcast_in_dim3A_13 : i32 to vector<7680xi32>
    %swap3A_15 = arith.constant 320000 : index
    %swap3A_16 = vector.load %arg2[%swap3A_15] : memref<327680xi32, #tpu.memory_space<vmem>>, vector<7680xi32>
    tpu.vector_store %arg2[%swap3A_15], %broadcast_in_dim3A_14 {strides = array<i32>} : memref<327680xi32, #tpu.memory_space<vmem>>, vector<7680xi32>,
    return
  }
}

module attributes {stable_mosaic.version = 14 : i64} {
  func.func @_scale_body(%arg0: memref<2x10112x8xf32, #tpu.memory_space<vmem>>, %arg1: memref<10000x64xf32, #tpu.memory_space<vmem>>, %arg2: memref<10000x64xf32, #tpu.memory_space<vmem>>, %arg3: memref<10000x1xf32, #tpu.memory_space<vmem>>) attributes {dimension_semantics = [], scalar_prefetch = 0 : i64, scratch_operands = 0 : i64, tpu.core_type = #tpu.core_type<tc>} {
    %get3A = arith.constant 0 : index
    %get3A_0 = arith.constant 0 : index
    %get3A_1 = arith.constant 0 : index
    %get3A_2 = vector.load %arg0[%get3A, %get3A_0, %get3A_1] : memref<2x10112x8xf32, #tpu.memory_space<vmem>>, vector<1x10000x1xf32>
    %get3A_3 = vector.shape_cast %get3A_2 : vector<1x10000x1xf32> to vector<10000x1xf32>
    %get3A_4 = arith.constant 1 : index
    %get3A_5 = arith.constant 0 : index
    %get3A_6 = arith.constant 0 : index
    %get3A_7 = vector.load %arg0[%get3A_4, %get3A_5, %get3A_6] : memref<2x10112x8xf32, #tpu.memory_space<vmem>>, vector<1x10000x1xf32>
    %get3A_8 = vector.shape_cast %get3A_7 : vector<1x10000x1xf32> to vector<10000x1xf32>
    %add3A = arith.addf %get3A_3, %get3A_8 : vector<10000x1xf32>
    %add3A_9 = arith.constant 1.000000e+00 : f32
    %add3A_10 = vector.broadcast %add3A_9 : f32 to vector<10000x1xf32>
    %add3A_11 = arith.addf %add3A, %add3A_10 : vector<10000x1xf32>
    %max3A = arith.constant 9.99999996E-13 : f32
    %max3A_12 = vector.broadcast %max3A : f32 to vector<10000x1xf32>
    %max3A_13 = arith.maximumf %add3A_11, %max3A_12 : vector<10000x1xf32>
    %rsqrt3A = math.rsqrt %max3A_13 : vector<10000x1xf32>
    %swap3A = arith.constant 0 : index
    %swap3A_14 = arith.constant 0 : index
    %swap3A_15 = vector.load %arg3[%swap3A, %swap3A_14] : memref<10000x1xf32, #tpu.memory_space<vmem>>, vector<10000x1xf32>
    tpu.vector_store %arg3[%swap3A, %swap3A_14], %rsqrt3A {strides = array<i32>} : memref<10000x1xf32, #tpu.memory_space<vmem>>, vector<10000x1xf32>,
    %get3A_16 = arith.constant 0 : index
    %get3A_17 = arith.constant 0 : index
    %get3A_18 = vector.load %arg1[%get3A_16, %get3A_17] : memref<10000x64xf32, #tpu.memory_space<vmem>>, vector<10000x64xf32>
    %mul3A = vector.broadcast %rsqrt3A : vector<10000x1xf32> to vector<10000x64xf32>
    %mul3A_19 = arith.mulf %get3A_18, %mul3A : vector<10000x64xf32>
    %swap3A_20 = arith.constant 0 : index
    %swap3A_21 = arith.constant 0 : index
    %swap3A_22 = vector.load %arg2[%swap3A_20, %swap3A_21] : memref<10000x64xf32, #tpu.memory_space<vmem>>, vector<10000x64xf32>
    tpu.vector_store %arg2[%swap3A_20, %swap3A_21], %mul3A_19 {strides = array<i32>} : memref<10000x64xf32, #tpu.memory_space<vmem>>, vector<10000x64xf32>,
    return
  }
}

module attributes {stable_mosaic.version = 14 : i64} {
  func.func @_mid_body(%arg0: i32, %arg1: memref<1x2000x32xf32, #tpu.memory_space<vmem>>, %arg2: memref<1x2000x32xf32, #tpu.memory_space<vmem>>, %arg3: memref<2000x64xf32, #tpu.memory_space<vmem>>, %arg4: memref<2000x1xf32, #tpu.memory_space<vmem>>, %arg5: memref<64x256xf32, #tpu.memory_space<vmem>>, %arg6: memref<1x256xf32, #tpu.memory_space<vmem>>, %arg7: memref<256x64xf32, #tpu.memory_space<vmem>>, %arg8: memref<2000x64xf32, #tpu.memory_space<vmem>>) attributes {dimension_semantics = [#tpu.dimension_semantics<arbitrary>], iteration_bounds = array<i64: 5>, scalar_prefetch = 0 : i64, scratch_operands = 0 : i64, tpu.core_type = #tpu.core_type<tc>, window_params = [{transform_indices = @transform_0, window_bounds = array<i64: 1, 2000, 32>}, {transform_indices = @transform_1, window_bounds = array<i64: 1, 2000, 32>}, {transform_indices = @transform_2, window_bounds = array<i64: 2000, 64>}, {transform_indices = @transform_3, window_bounds = array<i64: 2000, 1>}, {pipeline_mode = #tpu.pipeline_mode<synchronous>, transform_indices = @transform_4, window_bounds = array<i64: 64, 256>}, {pipeline_mode = #tpu.pipeline_mode<synchronous>, transform_indices = @transform_5, window_bounds = array<i64: 1, 256>}, {pipeline_mode = #tpu.pipeline_mode<synchronous>, transform_indices = @transform_6, window_bounds = array<i64: 256, 64>}, {transform_indices = @transform_7, window_bounds = array<i64: 2000, 64>}]} {
    %get3A = arith.constant 0 : index
    %get3A_0 = arith.constant 0 : index
    %get3A_1 = vector.load %arg4[%get3A, %get3A_0] : memref<2000x1xf32, #tpu.memory_space<vmem>>, vector<2000x1xf32>
    %get3A_2 = arith.constant 0 : index
    %get3A_3 = arith.constant 0 : index
    %get3A_4 = arith.constant 0 : index
    %get3A_5 = vector.load %arg1[%get3A_2, %get3A_3, %get3A_4] : memref<1x2000x32xf32, #tpu.memory_space<vmem>>, vector<1x2000x32xf32>
    %get3A_6 = vector.shape_cast %get3A_5 : vector<1x2000x32xf32> to vector<2000x32xf32>
    %get3A_7 = arith.constant 0 : index
    %get3A_8 = arith.constant 0 : index
    %get3A_9 = arith.constant 0 : index
    %get3A_10 = vector.load %arg2[%get3A_7, %get3A_8, %get3A_9] : memref<1x2000x32xf32, #tpu.memory_space<vmem>>, vector<1x2000x32xf32>
    %get3A_11 = vector.shape_cast %get3A_10 : vector<1x2000x32xf32> to vector<2000x32xf32>
    %concatenate3A = tpu.concatenate %get3A_6, %get3A_11 in 1 : vector<2000x32xf32>, vector<2000x32xf32> -> vector<2000x64xf32>
    %get3A_12 = arith.constant 0 : index
    %get3A_13 = arith.constant 0 : index
    %get3A_14 = vector.load %arg3[%get3A_12, %get3A_13] : memref<2000x64xf32, #tpu.memory_space<vmem>>, vector<2000x64xf32>
    %add3A = arith.addf %concatenate3A, %get3A_14 : vector<2000x64xf32>
    %mul3A = vector.broadcast %get3A_1 : vector<2000x1xf32> to vector<2000x64xf32>
    %mul3A_15 = arith.mulf %add3A, %mul3A : vector<2000x64xf32>
    %get3A_16 = arith.constant 0 : index
    %get3A_17 = arith.constant 0 : index
    %get3A_18 = vector.load %arg5[%get3A_16, %get3A_17] : memref<64x256xf32, #tpu.memory_space<vmem>>, vector<64x256xf32>
    %dot_general3A = arith.constant dense<0.000000e+00> : vector<2000x256xf32>
    %dot_general3A_19 = tpu.matmul %mul3A_15, %get3A_18, %dot_general3A {dimension_numbers = #tpu.dot_dimension_numbers<[1], [0], [0], [1], [0, 0, 1, 1], [], []>, transpose_lhs_hint = false} : vector<2000x64xf32>, vector<64x256xf32>, vector<2000x256xf32> -> vector<2000x256xf32>
    %get3A_20 = arith.constant 0 : index
    %get3A_21 = arith.constant 0 : index
    %get3A_22 = vector.load %arg6[%get3A_20, %get3A_21] : memref<1x256xf32, #tpu.memory_space<vmem>>, vector<1x256xf32>
    %add3A_23 = vector.broadcast %get3A_22 : vector<1x256xf32> to vector<2000x256xf32>
    %add3A_24 = arith.addf %dot_general3A_19, %add3A_23 : vector<2000x256xf32>
    %max3A = arith.constant 0.000000e+00 : f32
    %max3A_25 = vector.broadcast %max3A : f32 to vector<2000x256xf32>
    %max3A_26 = arith.maximumf %add3A_24, %max3A_25 : vector<2000x256xf32>
    %get3A_27 = arith.constant 0 : index
    %get3A_28 = arith.constant 0 : index
    %get3A_29 = vector.load %arg7[%get3A_27, %get3A_28] : memref<256x64xf32, #tpu.memory_space<vmem>>, vector<256x64xf32>
    %dot_general3A_30 = arith.constant dense<0.000000e+00> : vector<2000x64xf32>
    %dot_general3A_31 = tpu.matmul %max3A_26, %get3A_29, %dot_general3A_30 {dimension_numbers = #tpu.dot_dimension_numbers<[1], [0], [0], [1], [0, 0, 1, 1], [], []>, transpose_lhs_hint = false} : vector<2000x256xf32>, vector<256x64xf32>, vector<2000x64xf32> -> vector<2000x64xf32>
    %mul3A_32 = vector.broadcast %get3A_1 : vector<2000x1xf32> to vector<2000x64xf32>
    %mul3A_33 = arith.mulf %dot_general3A_31, %mul3A_32 : vector<2000x64xf32>
    %swap3A = arith.constant 0 : index
    %swap3A_34 = arith.constant 0 : index
    %swap3A_35 = vector.load %arg8[%swap3A, %swap3A_34] : memref<2000x64xf32, #tpu.memory_space<vmem>>, vector<2000x64xf32>
    tpu.vector_store %arg8[%swap3A, %swap3A_34], %mul3A_33 {strides = array<i32>} : memref<2000x64xf32, #tpu.memory_space<vmem>>, vector<2000x64xf32>,
    return
  }
  func.func @transform_0(%arg0: i32) -> (i32, i32, i32) {
    %c0_i32 = arith.constant 0 : i32
    %c0_i32_0 = arith.constant 0 : i32
    %c0_i32_1 = arith.constant 0 : i32
    return %c0_i32, %arg0, %c0_i32_0 : i32, i32, i32
  }
  func.func @transform_1(%arg0: i32) -> (i32, i32, i32) {
    %c1_i32 = arith.constant 1 : i32
    %c0_i32 = arith.constant 0 : i32
    %c0_i32_0 = arith.constant 0 : i32
    return %c1_i32, %arg0, %c0_i32 : i32, i32, i32
  }
  func.func @transform_2(%arg0: i32) -> (i32, i32) {
    %c0_i32 = arith.constant 0 : i32
    %c0_i32_0 = arith.constant 0 : i32
    return %arg0, %c0_i32 : i32, i32
  }
  func.func @transform_3(%arg0: i32) -> (i32, i32) {
    %c0_i32 = arith.constant 0 : i32
    %c0_i32_0 = arith.constant 0 : i32
    return %arg0, %c0_i32 : i32, i32
  }
  func.func @transform_4(%arg0: i32) -> (i32, i32) {
    %c0_i32 = arith.constant 0 : i32
    %c0_i32_0 = arith.constant 0 : i32
    %c0_i32_1 = arith.constant 0 : i32
    return %c0_i32, %c0_i32_0 : i32, i32
  }
  func.func @transform_5(%arg0: i32) -> (i32, i32) {
    %c0_i32 = arith.constant 0 : i32
    %c0_i32_0 = arith.constant 0 : i32
    %c0_i32_1 = arith.constant 0 : i32
    return %c0_i32, %c0_i32_0 : i32, i32
  }
  func.func @transform_6(%arg0: i32) -> (i32, i32) {
    %c0_i32 = arith.constant 0 : i32
    %c0_i32_0 = arith.constant 0 : i32
    %c0_i32_1 = arith.constant 0 : i32
    return %c0_i32, %c0_i32_0 : i32, i32
  }
  func.func @transform_7(%arg0: i32) -> (i32, i32) {
    %c0_i32 = arith.constant 0 : i32
    %c0_i32_0 = arith.constant 0 : i32
    return %arg0, %c0_i32 : i32, i32
  }
}

module attributes {stable_mosaic.version = 14 : i64} {
  func.func @_out_body(%arg0: memref<2x10112x32xf32, #tpu.memory_space<vmem>>, %arg1: memref<10000x64xf32, #tpu.memory_space<vmem>>, %arg2: memref<10000x1xf32, #tpu.memory_space<vmem>>, %arg3: memref<1x64xf32, #tpu.memory_space<vmem>>, %arg4: memref<10000x64xf32, #tpu.memory_space<vmem>>) attributes {dimension_semantics = [], scalar_prefetch = 0 : i64, scratch_operands = 0 : i64, tpu.core_type = #tpu.core_type<tc>} {
    %get3A = arith.constant 0 : index
    %get3A_0 = arith.constant 0 : index
    %get3A_1 = arith.constant 0 : index
    %get3A_2 = vector.load %arg0[%get3A, %get3A_0, %get3A_1] : memref<2x10112x32xf32, #tpu.memory_space<vmem>>, vector<1x10000x32xf32>
    %get3A_3 = vector.shape_cast %get3A_2 : vector<1x10000x32xf32> to vector<10000x32xf32>
    %get3A_4 = arith.constant 1 : index
    %get3A_5 = arith.constant 0 : index
    %get3A_6 = arith.constant 0 : index
    %get3A_7 = vector.load %arg0[%get3A_4, %get3A_5, %get3A_6] : memref<2x10112x32xf32, #tpu.memory_space<vmem>>, vector<1x10000x32xf32>
    %get3A_8 = vector.shape_cast %get3A_7 : vector<1x10000x32xf32> to vector<10000x32xf32>
    %concatenate3A = tpu.concatenate %get3A_3, %get3A_8 in 1 : vector<10000x32xf32>, vector<10000x32xf32> -> vector<10000x64xf32>
    %get3A_9 = arith.constant 0 : index
    %get3A_10 = arith.constant 0 : index
    %get3A_11 = vector.load %arg1[%get3A_9, %get3A_10] : memref<10000x64xf32, #tpu.memory_space<vmem>>, vector<10000x64xf32>
    %add3A = arith.addf %concatenate3A, %get3A_11 : vector<10000x64xf32>
    %get3A_12 = arith.constant 0 : index
    %get3A_13 = arith.constant 0 : index
    %get3A_14 = vector.load %arg2[%get3A_12, %get3A_13] : memref<10000x1xf32, #tpu.memory_space<vmem>>, vector<10000x1xf32>
    %mul3A = vector.broadcast %get3A_14 : vector<10000x1xf32> to vector<10000x64xf32>
    %mul3A_15 = arith.mulf %add3A, %mul3A : vector<10000x64xf32>
    %get3A_16 = arith.constant 0 : index
    %get3A_17 = arith.constant 0 : index
    %get3A_18 = vector.load %arg3[%get3A_16, %get3A_17] : memref<1x64xf32, #tpu.memory_space<vmem>>, vector<1x64xf32>
    %add3A_19 = vector.broadcast %get3A_18 : vector<1x64xf32> to vector<10000x64xf32>
    %add3A_20 = arith.addf %mul3A_15, %add3A_19 : vector<10000x64xf32>
    %swap3A = arith.constant 0 : index
    %swap3A_21 = arith.constant 0 : index
    %swap3A_22 = vector.load %arg4[%swap3A, %swap3A_21] : memref<10000x64xf32, #tpu.memory_space<vmem>>, vector<10000x64xf32>
    tpu.vector_store %arg4[%swap3A, %swap3A_21], %add3A_20 {strides = array<i32>} : memref<10000x64xf32, #tpu.memory_space<vmem>>, vector<10000x64xf32>,
    return
  }
}

</mosaic_0001>

<sc_bundles>
// kernel: kernel.10.cloned.1.call-start
scs
__scs_entry_jumppad:
0x0: {  	(pc) =	sbr.rel $0x88, $3  }
0x1: {  	(tag) =	ssettag $0x0;
	lr =	simm.s32 $0x1  }
0x2: {  	[smem:$0x3F9A] =	sst lr;
	_ =	strace $0xD0000000  }
0x3: {  	_ = 	snop  }
0x4: {  	_ = 	snop  }
0x5: {  	_ = 	snop  }
0x6: {  	_ = 	snop  }
0x7: {  	_ = 	snop  }
__scs_overlays_trampoline_lowered:
0x8: {  	[smem:$0x3FA9] =	sst s0  }
0x9: {  	[smem:$0x3FAA] =	sst s1  }
0xa: {  	[smem:$0x3FAB] =	sst s2  }
0xb: {  	[smem:$0x3FAC] =	sst s3  }
0xc: {  	[smem:$0x3FAD] =	sst s4  }
0xd: {  	[smem:$0x3FAE] =	sst s5  }
0xe: {  	[smem:$0x3FAF] =	sst s6  }
0xf: {  	[smem:$0x3FB0] =	sst s7  }
0x10: {  	[smem:$0x3FB1] =	sst s8  }
0x11: {  	[smem:$0x3FB2] =	sst s9;
	s0 =	simm.s32 @!p0 $0x0  }
0x12: {  	s1 =	sld [smem:$0x3F98];
	s0 =	simm.s32 @p0 $0x1  }
0x13: {  	[smem:$0x3FB3] =	sst s0;
	s0 =	simm.s32 @!p1 $0x0  }
0x14: {  	s2 =	sld [smem:$0x3F97];
	s0 =	simm.s32 @p1 $0x1  }
0x15: {  	[smem:$0x3FB4] =	sst s0;
	s0 =	simm.s32 @!p2 $0x0  }
0x16: {  	s3 =	sld [smem:$0x3FDB];
	s0 =	simm.s32 @p2 $0x1  }
0x17: {  	s4 =	simm.s32 $0x1BF5;
	[smem:$0x3FB6] =	sst s0  }
0x18: {  	s0 =	sld [smem:$0x3F99];
	_ =	swait.ge [sflag:s4], $0x0  }
0x19: {  	s7 =	sld [smem:$0x3F9A]  }
0x1a: {  	s8 =	sadd.s32 $0xFFFFE003, lr  }
0x1b: {  	s9 =	sadd.s32 $0xFFFFFEF7, lr;
	s5 =	simm.s32 $0xFFFFFFFF;
	p2 =	slt.u32 s8, $0xFFFFF086  }
0x1c: {  	p1 =	slt.u32 s9, $0xF7A;
	s5 =	simm.s32 @!p2 $0x0  }
0x1d: {  	s5 =	simm.s32 @p1 $0x1;
	p0 =	seq.s32 s7, s2  }
0x1e: {  	s7 =	smul.u32 @!p0 $0xF7A, s2;
	p2 =	seq.s32 @!p0 s5, $0x0  }
0x1f: {  	s9 =	smul.u32 $0xF7A, s1;
	s8 =	simm.s32 @!p0 $0x1BF5;
	p2 =	por !p2, p0  }
0x20: {  	[sflag:s8] =	ssyncset.s32 @!p0 $0xFFFFF086;
	s6 =	sadd.s32 @!p0 s3, s7;
	s7 =	simm.s32 @!p0 $0x108  }
0x21: {  	s3 =	sadd.s32 s3, s9;
	s6 =	sadd.s32 @!p0 $0x88, s6;
	s7 =	simm.s32 @p2 $0x1082  }
0x22: {  	[simem:s7], [sflag:s8] =	dma.local @!p0 [hbm:s6], $0xF7A  }
0x23: {  	s9 =	sor.u32 $0xD0000000, s2;
	s6 =	simm.s32 $0x108;
	_ =	swait.ge @!p0 [sflag:s8], $0x0  }
0x24: {  	s3 =	sadd.s32 $0x88, s3;
	s6 =	simm.s32 @!p1 $0x1082;
	[sflag:s4] =	ssyncset.s32 $0xFFFFF086  }
0x25: {  	[simem:s6], [sflag:s4] =	dma.local [hbm:s3], $0xF7A  }
0x26: {  	[smem:$0x3F9A] =	sst s1;
	(tag) =	ssettag s2;
	_ =	strace s9  }
0x27: {  	s1 =	sld [smem:$0x3FAA]  }
0x28: {  	s2 =	sld [smem:$0x3FAB]  }
0x29: {  	s4 =	sld [smem:$0x3FAD]  }
0x2a: {  	p0 =	seq.s32 s5, $0x0;
	s5 =	sld [smem:$0x3FAE]  }
0x2b: {  	s6 =	sld [smem:$0x3FAF]  }
0x2c: {  	s7 =	sld [smem:$0x3FB0]  }
0x2d: {  	s3 =	simm.s32 $0x108;
	s8 =	sld [smem:$0x3FB1]  }
0x2e: {  	s3 =	simm.s32 @!p0 $0x1082;
	s9 =	sld [smem:$0x3FB2]  }
0x2f: {  	lr =	sadd.s32 s0, s3;
	s0 =	sld [smem:$0x3FA9]  }
0x30: {  	s3 =	sld [smem:$0x3FAC]  }
0x31: {  	[smem:$0x3FB5] =	sst s10  }
0x32: {  	s10 =	sld [smem:$0x3FB3];
	_ =	sdelay $0x3  }
0x33: {  	p0 =	seq.s32 s10, $0x1;
	s10 =	sld [smem:$0x3FB5];
	_ =	sdelay $0x3  }
0x34: {  	[smem:$0x3FB5] =	sst s10  }
0x35: {  	s10 =	sld [smem:$0x3FB4];
	_ =	sdelay $0x3  }
0x36: {  	p1 =	seq.s32 s10, $0x1;
	s10 =	sld [smem:$0x3FB5];
	_ =	sdelay $0x3  }
0x37: {  	[smem:$0x3FB5] =	sst s10  }
0x38: {  	s10 =	sld [smem:$0x3FB6]  }
0x39: {  	_ = 	snop;
	(pc) =	sbr.ind lr, $3  }
0x3a: {  	_ = 	snop  }
0x3b: {  	_ = 	snop  }
0x3c: {  	p2 =	seq.s32 s10, $0x1;
	s10 =	sld [smem:$0x3FB5]  }
0x3d: {  	_ =	shalt  }
0x3e: {  	_ =	shalt  }
0x3f: {  	_ =	shalt  }
0x40: {  	_ =	shalt  }
0x41: {  	_ =	shalt  }
0x42: {  	_ =	shalt  }
0x43: {  	_ =	shalt  }
0x44: {  	_ =	shalt  }
0x45: {  	_ =	shalt  }
0x46: {  	_ =	shalt  }
0x47: {  	_ =	shalt  }
0x48: {  	_ =	shalt  }
0x49: {  	_ =	shalt  }
0x4a: {  	_ =	shalt  }
0x4b: {  	_ =	shalt  }
0x4c: {  	_ =	shalt  }
0x4d: {  	_ =	shalt  }
0x4e: {  	_ =	shalt  }
0x4f: {  	_ =	shalt  }
0x50: {  	_ =	shalt  }
0x51: {  	_ =	shalt  }
0x52: {  	_ =	shalt  }
0x53: {  	_ =	shalt  }
0x54: {  	_ =	shalt  }
0x55: {  	_ =	shalt  }
0x56: {  	_ =	shalt  }
0x57: {  	_ =	shalt  }
0x58: {  	_ =	shalt  }
0x59: {  	_ =	shalt  }
0x5a: {  	_ =	shalt  }
0x5b: {  	_ =	shalt  }
0x5c: {  	_ =	shalt  }
0x5d: {  	_ =	shalt  }
0x5e: {  	_ =	shalt  }
0x5f: {  	_ =	shalt  }
0x60: {  	_ =	shalt  }
0x61: {  	_ =	shalt  }
0x62: {  	_ =	shalt  }
0x63: {  	_ =	shalt  }
0x64: {  	_ =	shalt  }
0x65: {  	_ =	shalt  }
0x66: {  	_ =	shalt  }
0x67: {  	_ =	shalt  }
0x68: {  	_ =	shalt  }
0x69: {  	_ =	shalt  }
0x6a: {  	_ =	shalt  }
0x6b: {  	_ =	shalt  }
0x6c: {  	_ =	shalt  }
0x6d: {  	_ =	shalt  }
0x6e: {  	_ =	shalt  }
0x6f: {  	_ =	shalt  }
0x70: {  	_ =	shalt  }
0x71: {  	_ =	shalt  }
0x72: {  	_ =	shalt  }
0x73: {  	_ =	shalt  }
0x74: {  	_ =	shalt  }
0x75: {  	_ =	shalt  }
0x76: {  	_ =	shalt  }
0x77: {  	_ =	shalt  }
0x78: {  	_ =	shalt  }
0x79: {  	_ =	shalt  }
0x7a: {  	_ =	shalt  }
0x7b: {  	_ =	shalt  }
0x7c: {  	_ =	shalt  }
0x7d: {  	_ =	shalt  }
0x7e: {  	_ =	shalt  }
0x7f: {  	_ =	shalt  }
0x80: {  	_ =	shalt  }
0x81: {  	_ =	shalt  }
0x82: {  	_ =	shalt  }
0x83: {  	_ =	shalt  }
0x84: {  	_ =	shalt  }
0x85: {  	_ =	shalt  }
0x86: {  	_ =	shalt  }
0x87: {  	_ =	shalt  }
.Lfunc_end0:
.L_simem_size_0:
called_computation_lowered:
.L_overlay_start_0:
0x88: {  	s2 =	sld [smem:$0x3FD9]  }
0x89: {  	s3 =	sld [smem:$0x3FFE];
	_ =	sdelay $0x1  }
0x8a: {  	s1 =	srdreg.scid  }
0x8b: {  	s0 =	sand.u32 $0x1, s1  }
0x8c: {  	s17 =	sshll.u32 s0, $0xA;
	s2 =	sadd.s32 s3, s2  }
0x8d: {  	s2 =	sadd.s32 s2, s17  }
0x8e: {  	[smem:$0x3FC1] =	sst s2  }
0x8f: {  	_ = 	snop  }
0x90: {  	s2 =	sld [smem:$0x3FD0];
	(tm) =	ssettm $0x1  }
0x91: {  	s18 =	sld [smem:$0x3FFB];
	_ =	sdelay $0x3  }
0x92: {  	_ =	strace s18  }
0x93: {  	s3 =	sld [smem:$0x3FFC];
	_ =	sdelay $0x3  }
0x94: {  	_ =	strace s3  }
0x95: {  	s3 =	sld [smem:$0x3FFD];
	_ =	sdelay $0x3  }
0x96: {  	_ =	strace s3  }
0x97: {  	_ =	strace $0x8FFFFFFF  }
0x98: {  	s19 =	sld [smem:$0x3FDB];
	_ =	sdelay $0x1  }
0x99: {  	s4 =	simm.s32 $_scs_section_size  }
0x9a: {  	s5 =	simm.s32 $_size__tile_overlayer_lowered;
	s6 =	simm.s32 $_tile_overlayer_lowered  }
0x9b: {  	s22 =	simm.s32 $0x1BFF;
	s21 =	sshll.u32 s6, $0x1;
	s3 =	sadd.s32 s4, s19  }
0x9c: {  	s7 =	simm.s32 $0x0;
	s20 =	sshll.u32 s5, $0x1;
	s5 =	sadd.s32 s21, s3  }
0x9d: {  	[timem:s7], [sflag:s22] =	dma.local [hbm:s5], s20  }
0x9e: {  	_ =	swait.ge [sflag:s22], s20  }
0x9f: {  	s4 =	ssub.s32 $0x0, s20;
	[sflag:s22] =	ssyncset.done $0x0  }
0xa0: {  	[sflag:s22] =	ssyncadd.s32 s4;
	_ =	sdelay $0x1  }
0xa1: {  	s23 =	simm.s32 $0x1B8B  }
0xa2: {  	_ =	swait.ge [sflag:s23], $0x1  }
0xa3: {  	[sflag:s23] =	ssyncset.done $0x0  }
0xa4: {  	s25 =	simm.s32 $0x1B8E;
	s24 =	sld [smem:$0x3FFE];
	[sflag:s23] =	ssyncadd.s32 $0xFFFFFFFF  }
0xa5: {  	s26 =	simm.s32 $execute0_lowered;
	[smem:$0x3FD2] =	sst s25  }
0xa6: {  	s5 =	sshll.u32 s26, $0x1;
	_ =	strace $0x80000046;
	[dreg:$0x1] =	wrdreg $0xFFFFFFFF  }
0xa7: {  	s28 =	simm.s32 $_size_execute0_lowered;
	s3 =	sadd.s32 s3, s5;
	[dreg:$0x0] =	wrdreg $0x0  }
0xa8: {  	s5 =	sshll.u32 s28, $0x1;
	[dreg:$0x2] =	wrdreg s3  }
0xa9: {  	[dreg:$0x3] =	wrdreg s5  }
0xaa: {  	[dreg:$0x4] =	wrdreg $0xC0  }
0xab: {  	_ =	task [dreg:s7], $0x5FFFF  }
0xac: {  	[dreg:$0x1] =	wrdreg $0xFFFFFFFF  }
0xad: {  	[dreg:$0x0] =	wrdreg $0x60  }
0xae: {  	[dreg:$0x2] =	wrdreg s24  }
0xaf: {  	[dreg:$0x3] =	wrdreg s2  }
0xb0: {  	[dreg:$0x4] =	wrdreg $0x2C000  }
0xb1: {  	[dreg:$0x5] =	wrdreg $0x9  }
0xb2: {  	_ =	task.clear_ibuf [dreg:s7], $0x6FFFF;
	_ =	strace $0x90000046  }
0xb3: {  	s29 =	simm.s32 $0x9;
	_ =	strace $0x80000048  }
0xb4: {  	_ =	swait.ge [sflag:s29], $0x1  }
0xb5: {  	[sflag:s29] =	ssyncadd.s32 $0xFFFFFFFF  }
0xb6: {  	_ =	strace $0x90000048  }
0xb7: {  	_ =	sfence  }
0xb8: {  	s30 =	sld [smem:$0x0];
	_ =	sdelay $0x2  }
0xb9: {  	s31 =	sshll.u32 s1, $0xD;
	s1 =	sshrl.u32 s1, $0x2  }
0xba: {  	s3 =	sand.u32 $0x4000, s31;
	s1 =	sadd.s32 s1, s30  }
0xbb: {  	s0 =	sor.u32 s3, s0;
	s1 =	sshll.u32 s1, $0x11  }
0xbc: {  	s0 =	sor.u32 s1, s0  }
0xbd: {  	s0 =	sadd.s32 $0x8F2B, s0  }
0xbe: {  	[sflag:s0] =	ssyncadd.remote.s32 $0x1  }
0xbf: {  	_ =	sfence.sel $0xFFFF  }
0xc0: {  	[dreg:$0x0] =	wrdreg $0xFFFFFFFF;
	(pc) =	sbr.abs _section_cstart, $3  }
0xc1: {  	[dreg:$0x1] =	wrdreg $0xFFFFFFFF  }
0xc2: {  	_ =	task.clear_ibuf [dreg:s7], $0x2FFFF;
	_ =	strace $0x9FFFFFFF  }
0xc3: {  	(tm) =	ssettm $0x7FFFFFFF  }
tec
execute0_lowered:
.L_overlay_start_1:
0x0: {  	(tag) =	ssettag $0x1  }
0x1: {  	s5 =	rddreg [dreg:$0x0]  }
0x2: {  	s8 =	rddreg [dreg:$0x1]  }
0x3: {  	s1 =	srdreg.scid;
	s0 =	stileid.u32  }
0x4: {  	s2 =	rddreg [dreg:$0x2];
	s3 =	simm.s32 $0x0;
	s14 =	simm.s32 $0x100  }
0x5: {  	s15 =	simm.s32 $0x180;
	s16 =	simm.s32 $0x200;
	s17 =	simm.s32 $0x280  }
0x6: {  	s18 =	simm.s32 $0x300;
	s19 =	simm.s32 $0x380;
	s20 =	simm.s32 $0x1  }
0x7: {  	s21 =	simm.s32 $0x2;
	s22 =	simm.s32 $0x3;
	s23 =	simm.s32 $0x4  }
0x8: {  	s24 =	simm.s32 $0x5;
	s25 =	simm.s32 $0x6;
	s28 =	simm.s32 $0x8  }
0x9: {  	s29 =	simm.s32 $0x0;
	s6 =	sand.u32 $0x1, s1;
	s4 =	sshll.u32 s0, $0x1  }
0xa: {  	[smem:$0x7FF] =	sst s3;
	s7 =	smul.u32 $0x13C0, s0;
	s30 =	sshll.u32 s0, $0x6  }
0xb: {  	s4 =	sor.u32 s6, s4;
	s10 =	ssub.s32 $0x2, s6;
	s6 =	smul.u32 $0x13C00, s6  }
0xc: {  	_ =	strace $0x80000047;
	s4 =	smul.u32 $0x500, s4;
	s12 =	sshrl.u32 s10, $0x1  }
0xd: {  	s11 =	sshrl.u32 s7, $0x3;
	s26 =	sadd.s32 s7, s2;
	s10 =	ssub.s32 s10, s12  }
0xe: {  	s13 =	sadd.s32 s7, s6;
	s6 =	sor.u32 $0x1C09, s30;
	s12 =	simm.s32 $0x2800  }
0xf: {  	s9 =	sadd.s32 s4, s5;
	s4 =	sadd.s32 $0x18C00, s5;
	s5 =	sadd.s32 s11, s5  }
0x10: {  	s31 =	sshrl.u32 s13, $0x3;
	s11 =	simm.s32 $0x9;
	s13 =	simm.s32 $0x80  }
0x11: {  	s5 =	sadd.s32 $0x16400, s5;
	s7 =	sadd.s32 $0x2400, s9;
	s8 =	sadd.s32 s8, s31  }
0x12: {  	s9 =	smax.u32 s10, $0x1;
	s10 =	sshrl.u32 s26, $0x3;
	s26 =	simm.s32 $0x7  }
.LBB2_1:
0x13: {  	[spmem:s10], [sflag:s6] =	dma.local [hbm:s5], $0x278  }
0x14: {  	_ =	swait.ge [sflag:s11], $0x278  }
0x15: {  	[sflag:s11] =	ssyncset.done $0x0  }
0x16: {  	[sflag:s11] =	ssyncadd.s32 $0xFFFFFD88  }
0x17: {  	[tilespmem:s12], [sflag:$0x9] =	stream.linear.gather [hbm4b:s4+s3], $0x400, $0x38;
	[tilespmem:$0x3FC0] =	vst v63  }
0x18: {  	_ =	swait.ge [sflag:s11], $0x400  }
0x19: {  	[sflag:s11] =	ssyncset.done $0x0  }
0x1a: {  	[sflag:s11] =	ssyncadd.s32 $0xFFFFFC00  }
0x1b: {  	[tilespmem:s3], [sflag:$0x9] =	stream.linear.gather [hbm4b:s7+s3], $0x2800, $0x38;
	[tilespmem:$0x3FC0] =	vst v63  }
0x1c: {  	_ =	swait.ge [sflag:s11], $0x2800  }
0x1d: {  	[sflag:s11] =	ssyncset.done $0x0  }
0x1e: {  	[sflag:s11] =	ssyncadd.s32 $0xFFFFD800  }
0x1f: {  	[bflag:$0x0] =	sbarrier.arrive $0xFFFF  }
0x20: {  	[spmem:s2] =	stream.indirect.scatter.add.f32 [tilespmem:s12], [sflag:$0x1], $0x8, s3, s13, $0xb8;
	[tilespmem:$0x3FC0] =	vst v63  }
0x21: {  	_ = 	snop  }
0x22: {  	[spmem:s2] =	stream.indirect.scatter.add.f32 [tilespmem:s12], [sflag:$0x2], $0x8, s13, s13, $0xb8;
	[tilespmem:$0x3FC0] =	vst v63  }
0x23: {  	_ = 	snop  }
0x24: {  	[spmem:s2] =	stream.indirect.scatter.add.f32 [tilespmem:s12], [sflag:$0x3], $0x8, s14, s13, $0xb8;
	[tilespmem:$0x3FC0] =	vst v63  }
0x25: {  	_ = 	snop  }
0x26: {  	[spmem:s2] =	stream.indirect.scatter.add.f32 [tilespmem:s12], [sflag:$0x4], $0x8, s15, s13, $0xb8;
	[tilespmem:$0x3FC0] =	vst v63  }
0x27: {  	_ = 	snop  }
0x28: {  	[spmem:s2] =	stream.indirect.scatter.add.f32 [tilespmem:s12], [sflag:$0x5], $0x8, s16, s13, $0xb8;
	[tilespmem:$0x3FC0] =	vst v63  }
0x29: {  	_ = 	snop  }
0x2a: {  	[spmem:s2] =	stream.indirect.scatter.add.f32 [tilespmem:s12], [sflag:$0x6], $0x8, s17, s13, $0xb8;
	[tilespmem:$0x3FC0] =	vst v63  }
0x2b: {  	_ = 	snop  }
0x2c: {  	[spmem:s2] =	stream.indirect.scatter.add.f32 [tilespmem:s12], [sflag:$0x7], $0x8, s18, s13, $0xb8;
	[tilespmem:$0x3FC0] =	vst v63  }
0x2d: {  	_ = 	snop  }
0x2e: {  	[spmem:s2] =	stream.indirect.scatter.add.f32 [tilespmem:s12], [sflag:$0x8], $0x8, s19, s13, $0xb8;
	[tilespmem:$0x3FC0] =	vst v63  }
0x2f: {  	_ =	swait.ge [sflag:s20], $0x400  }
0x30: {  	[sflag:s20] =	ssyncset.done $0x0  }
0x31: {  	s30 =	simm.s32 $0x400;
	[sflag:s20] =	ssyncadd.s32 $0xFFFFFC00  }
0x32: {  	[spmem:s2] =	stream.indirect.scatter.add.f32 [tilespmem:s12], [sflag:$0x1], $0x8, s30, s13, $0xb8;
	[tilespmem:$0x3FC0] =	vst v63  }
0x33: {  	_ =	swait.ge [sflag:s21], $0x400  }
0x34: {  	[sflag:s21] =	ssyncset.done $0x0  }
0x35: {  	s30 =	simm.s32 $0x480;
	[sflag:s21] =	ssyncadd.s32 $0xFFFFFC00  }
0x36: {  	[spmem:s2] =	stream.indirect.scatter.add.f32 [tilespmem:s12], [sflag:$0x2], $0x8, s30, s13, $0xb8;
	[tilespmem:$0x3FC0] =	vst v63  }
0x37: {  	_ =	swait.ge [sflag:s22], $0x400  }
0x38: {  	[sflag:s22] =	ssyncset.done $0x0  }
0x39: {  	s30 =	simm.s32 $0x500;
	[sflag:s22] =	ssyncadd.s32 $0xFFFFFC00  }
0x3a: {  	[spmem:s2] =	stream.indirect.scatter.add.f32 [tilespmem:s12], [sflag:$0x3], $0x8, s30, s13, $0xb8;
	[tilespmem:$0x3FC0] =	vst v63  }
0x3b: {  	_ =	swait.ge [sflag:s23], $0x400  }
0x3c: {  	[sflag:s23] =	ssyncset.done $0x0  }
0x3d: {  	s30 =	simm.s32 $0x580;
	[sflag:s23] =	ssyncadd.s32 $0xFFFFFC00  }
0x3e: {  	[spmem:s2] =	stream.indirect.scatter.add.f32 [tilespmem:s12], [sflag:$0x4], $0x8, s30, s13, $0xb8;
	[tilespmem:$0x3FC0] =	vst v63  }
0x3f: {  	_ =	swait.ge [sflag:s24], $0x400  }
0x40: {  	[sflag:s24] =	ssyncset.done $0x0  }
0x41: {  	s30 =	simm.s32 $0x600;
	[sflag:s24] =	ssyncadd.s32 $0xFFFFFC00  }
0x42: {  	[spmem:s2] =	stream.indirect.scatter.add.f32 [tilespmem:s12], [sflag:$0x5], $0x8, s30, s13, $0xb8;
	[tilespmem:$0x3FC0] =	vst v63  }
0x43: {  	_ =	swait.ge [sflag:s25], $0x400  }
0x44: {  	[sflag:s25] =	ssyncset.done $0x0  }
0x45: {  	s30 =	simm.s32 $0x680;
	[sflag:s25] =	ssyncadd.s32 $0xFFFFFC00  }
0x46: {  	[spmem:s2] =	stream.indirect.scatter.add.f32 [tilespmem:s12], [sflag:$0x6], $0x8, s30, s13, $0xb8;
	[tilespmem:$0x3FC0] =	vst v63  }
0x47: {  	_ =	swait.ge [sflag:s26], $0x400  }
0x48: {  	[sflag:s26] =	ssyncset.done $0x0  }
0x49: {  	s30 =	simm.s32 $0x700;
	[sflag:s26] =	ssyncadd.s32 $0xFFFFFC00  }
0x4a: {  	[spmem:s2] =	stream.indirect.scatter.add.f32 [tilespmem:s12], [sflag:$0x7], $0x8, s30, s13, $0xb8;
	[tilespmem:$0x3FC0] =	vst v63  }
0x4b: {  	_ =	swait.ge [sflag:s28], $0x400  }
0x4c: {  	[sflag:s28] =	ssyncset.done $0x0  }
0x4d: {  	s31 =	simm.s32 $0x780;
	s30 =	simm.s32 $0x1000;
	[sflag:s28] =	ssyncadd.s32 $0xFFFFFC00  }
.LBB2_2:
0x4e: {  	[spmem:s2] =	stream.indirect.scatter.add.f32 [tilespmem:s12], [sflag:$0x8], $0x8, s31, s13, $0xb8;
	[tilespmem:$0x3FC0] =	vst v63  }
0x4f: {  	s31 =	smov.u32 s30  }
0x50: {  	p0 =	sne.s32 s30, $0x8000;
	s30 =	sadd.s32 $0x1000, s30;
	_ =	swait.ge [sflag:s20], $0x400  }
0x51: {  	s31 =	sshra.s32 s31, $0x2;
	[sflag:s20] =	ssyncset.done $0x0  }
0x52: {  	s1 =	sadd.s32 $0x400, s31;
	[sflag:s20] =	ssyncadd.s32 $0xFFFFFC00  }
0x53: {  	[spmem:s2] =	stream.indirect.scatter.add.f32 [tilespmem:s12], [sflag:$0x1], $0x8, s1, s13, $0xb8;
	[tilespmem:$0x3FC0] =	vst v63  }
0x54: {  	_ =	swait.ge [sflag:s21], $0x400  }
0x55: {  	[sflag:s21] =	ssyncset.done $0x0  }
0x56: {  	s1 =	sadd.s32 $0x480, s31;
	[sflag:s21] =	ssyncadd.s32 $0xFFFFFC00  }
0x57: {  	[spmem:s2] =	stream.indirect.scatter.add.f32 [tilespmem:s12], [sflag:$0x2], $0x8, s1, s13, $0xb8;
	[tilespmem:$0x3FC0] =	vst v63  }
0x58: {  	_ =	swait.ge [sflag:s22], $0x400  }
0x59: {  	[sflag:s22] =	ssyncset.done $0x0  }
0x5a: {  	s1 =	sadd.s32 $0x500, s31;
	[sflag:s22] =	ssyncadd.s32 $0xFFFFFC00  }
0x5b: {  	[spmem:s2] =	stream.indirect.scatter.add.f32 [tilespmem:s12], [sflag:$0x3], $0x8, s1, s13, $0xb8;
	[tilespmem:$0x3FC0] =	vst v63  }
0x5c: {  	_ =	swait.ge [sflag:s23], $0x400  }
0x5d: {  	[sflag:s23] =	ssyncset.done $0x0  }
0x5e: {  	s1 =	sadd.s32 $0x580, s31;
	[sflag:s23] =	ssyncadd.s32 $0xFFFFFC00  }
0x5f: {  	[spmem:s2] =	stream.indirect.scatter.add.f32 [tilespmem:s12], [sflag:$0x4], $0x8, s1, s13, $0xb8;
	[tilespmem:$0x3FC0] =	vst v63  }
0x60: {  	_ =	swait.ge [sflag:s24], $0x400  }
0x61: {  	[sflag:s24] =	ssyncset.done $0x0  }
0x62: {  	s1 =	sadd.s32 $0x600, s31;
	[sflag:s24] =	ssyncadd.s32 $0xFFFFFC00  }
0x63: {  	[spmem:s2] =	stream.indirect.scatter.add.f32 [tilespmem:s12], [sflag:$0x5], $0x8, s1, s13, $0xb8;
	[tilespmem:$0x3FC0] =	vst v63  }
0x64: {  	_ =	swait.ge [sflag:s25], $0x400  }
0x65: {  	[sflag:s25] =	ssyncset.done $0x0  }
0x66: {  	s1 =	sadd.s32 $0x680, s31;
	[sflag:s25] =	ssyncadd.s32 $0xFFFFFC00  }
0x67: {  	[spmem:s2] =	stream.indirect.scatter.add.f32 [tilespmem:s12], [sflag:$0x6], $0x8, s1, s13, $0xb8;
	[tilespmem:$0x3FC0] =	vst v63  }
0x68: {  	_ =	swait.ge [sflag:s26], $0x400  }
0x69: {  	[sflag:s26] =	ssyncset.done $0x0  }
.Ltmp0:
0x6a: {  	s1 =	sadd.s32 $0x700, s31;
	[sflag:s26] =	ssyncadd.s32 $0xFFFFFC00;
	(pc) =	sbr.rel @p0 .LBB2_2-.Ltmp0, $4  }
0x6b: {  	[spmem:s2] =	stream.indirect.scatter.add.f32 [tilespmem:s12], [sflag:$0x7], $0x8, s1, s13, $0xb8;
	[tilespmem:$0x3FC0] =	vst v63  }
0x6c: {  	_ =	swait.ge [sflag:s28], $0x400  }
0x6d: {  	[sflag:s28] =	ssyncset.done $0x0  }
0x6e: {  	s31 =	sadd.s32 $0x780, s31;
	[sflag:s28] =	ssyncadd.s32 $0xFFFFFC00  }
0x6f: {  	[spmem:s2] =	stream.indirect.scatter.add.f32 [tilespmem:s12], [sflag:$0x8], $0x8, s31, s13, $0xb8;
	[tilespmem:$0x3FC0] =	vst v63  }
0x70: {  	_ =	swait.ge [sflag:s20], $0x400  }
0x71: {  	[sflag:s20] =	ssyncset.done $0x0  }
0x72: {  	[sflag:s20] =	ssyncadd.s32 $0xFFFFFC00  }
0x73: {  	_ =	swait.ge [sflag:s21], $0x400  }
0x74: {  	[sflag:s21] =	ssyncset.done $0x0  }
0x75: {  	[sflag:s21] =	ssyncadd.s32 $0xFFFFFC00  }
0x76: {  	_ =	swait.ge [sflag:s22], $0x400  }
0x77: {  	[sflag:s22] =	ssyncset.done $0x0  }
0x78: {  	[sflag:s22] =	ssyncadd.s32 $0xFFFFFC00  }
0x79: {  	_ =	swait.ge [sflag:s23], $0x400  }
0x7a: {  	[sflag:s23] =	ssyncset.done $0x0  }
0x7b: {  	[sflag:s23] =	ssyncadd.s32 $0xFFFFFC00  }
0x7c: {  	_ =	swait.ge [sflag:s24], $0x400  }
0x7d: {  	[sflag:s24] =	ssyncset.done $0x0  }
0x7e: {  	[sflag:s24] =	ssyncadd.s32 $0xFFFFFC00  }
0x7f: {  	_ =	swait.ge [sflag:s25], $0x400  }
0x80: {  	[sflag:s25] =	ssyncset.done $0x0  }
0x81: {  	[sflag:s25] =	ssyncadd.s32 $0xFFFFFC00  }
0x82: {  	_ =	swait.ge [sflag:s26], $0x400  }
0x83: {  	[sflag:s26] =	ssyncset.done $0x0  }
0x84: {  	[sflag:s26] =	ssyncadd.s32 $0xFFFFFC00  }
0x85: {  	_ =	swait.ge [sflag:s28], $0x400  }
0x86: {  	s29 =	sadd.s32 $0x1, s29;
	[sflag:s28] =	ssyncset.done $0x0  }
0x87: {  	p0 =	sne.s32 s29, s9;
	[sflag:s28] =	ssyncadd.s32 $0xFFFFFC00  }
.Ltmp1:
0x88: {  	[bflag:$0x0] =	sbarrier.arrive $0xFFFF;
	(pc) =	sbr.rel @p0 .LBB2_1-.Ltmp1, $4  }
0x89: {  	[hbm:s8], [sflag:s6] =	dma.local [spmem:s10], $0x278  }
0x8a: {  	_ =	swait.ge [sflag:s11], $0x278  }
0x8b: {  	[sflag:s11] =	ssyncset.done $0x0  }
0x8c: {  	[sflag:s11] =	ssyncadd.s32 $0xFFFFFD88  }
0x8d: {  	_ =	sfence.sel $0x180000  }
0x8e: {  	[bflag:$0x0] =	sbarrier.arrive $0xFFFF  }
0x8f: {  	_ =	strace $0x90000047  }
0x90: {  	[bflag:$0x2] =	sbarrier.arrive $0xFFFF  }
0x91: {  	p0 =	sne.s32 s0, $0x0;
	s0 =	rddreg [dreg:$0x3]  }
0x92: {  	s0 =	sadd.s32 @!p0 $0x100000, s0  }
0x93: {  	[sflag:s0] =	ssyncadd.tile.s32 @!p0 $0x1;
	_ =	shalt  }
.Lfunc_end2:
_tile_overlayer_lowered:
.L_overlay_start_2:
0x94: {  	(tag) =	ssettag $0x2  }
0x95: {  	s0 =	rddreg [dreg:$0x0];
	s2 =	stileid.u32  }
0x96: {  	s1 =	rddreg [dreg:$0x1];
	p0 =	sne.s32 s2, $0x0  }
0x97: {  	s3 =	rddreg [dreg:$0x2];
	[bflag:$0x3] =	sbarrier.arrive $0xFFFF;
	s2 =	simm.s32 @!p0 $0x1C09  }
0x98: {  	[timem:s3], [sflag:s2] =	dma.local @!p0 [hbm:s0], s1  }
0x99: {  	s0 =	simm.s32 @!p0 $0x9  }
0x9a: {  	_ =	swait.ge @!p0 [sflag:s0], s1  }
0x9b: {  	s1 =	ssub.s32 @!p0 $0x0, s1;
	[sflag:s0] =	ssyncset.done @!p0 $0x0  }
0x9c: {  	[sflag:s0] =	ssyncadd.s32 @!p0 s1  }
0x9d: {  	[bflag:$0x3] =	sbarrier.arrive $0xFFFF  }
0x9e: {  	_ =	shalt  }

// kernel: kernel.13.cloned.1.call-start
scs
__scs_entry_jumppad:
0x0: {  	(pc) =	sbr.rel $0x88, $3  }
0x1: {  	(tag) =	ssettag $0x0;
	lr =	simm.s32 $0x1  }
0x2: {  	[smem:$0x3F9A] =	sst lr;
	_ =	strace $0xD0000000  }
0x3: {  	_ = 	snop  }
0x4: {  	_ = 	snop  }
0x5: {  	_ = 	snop  }
0x6: {  	_ = 	snop  }
0x7: {  	_ = 	snop  }
__scs_overlays_trampoline_lowered:
0x8: {  	[smem:$0x3FA9] =	sst s0  }
0x9: {  	[smem:$0x3FAA] =	sst s1  }
0xa: {  	[smem:$0x3FAB] =	sst s2  }
0xb: {  	[smem:$0x3FAC] =	sst s3  }
0xc: {  	[smem:$0x3FAD] =	sst s4  }
0xd: {  	[smem:$0x3FAE] =	sst s5  }
0xe: {  	[smem:$0x3FAF] =	sst s6  }
0xf: {  	[smem:$0x3FB0] =	sst s7  }
0x10: {  	[smem:$0x3FB1] =	sst s8  }
0x11: {  	[smem:$0x3FB2] =	sst s9;
	s0 =	simm.s32 @!p0 $0x0  }
0x12: {  	s1 =	sld [smem:$0x3F98];
	s0 =	simm.s32 @p0 $0x1  }
0x13: {  	[smem:$0x3FB3] =	sst s0;
	s0 =	simm.s32 @!p1 $0x0  }
0x14: {  	s2 =	sld [smem:$0x3F97];
	s0 =	simm.s32 @p1 $0x1  }
0x15: {  	[smem:$0x3FB4] =	sst s0;
	s0 =	simm.s32 @!p2 $0x0  }
0x16: {  	s3 =	sld [smem:$0x3FDB];
	s0 =	simm.s32 @p2 $0x1  }
0x17: {  	s4 =	simm.s32 $0x1BF5;
	[smem:$0x3FB6] =	sst s0  }
0x18: {  	s0 =	sld [smem:$0x3F99];
	_ =	swait.ge [sflag:s4], $0x0  }
0x19: {  	s7 =	sld [smem:$0x3F9A]  }
0x1a: {  	s8 =	sadd.s32 $0xFFFFE003, lr  }
0x1b: {  	s9 =	sadd.s32 $0xFFFFFEF7, lr;
	s5 =	simm.s32 $0xFFFFFFFF;
	p2 =	slt.u32 s8, $0xFFFFF086  }
0x1c: {  	p1 =	slt.u32 s9, $0xF7A;
	s5 =	simm.s32 @!p2 $0x0  }
0x1d: {  	s5 =	simm.s32 @p1 $0x1;
	p0 =	seq.s32 s7, s2  }
0x1e: {  	s7 =	smul.u32 @!p0 $0xF7A, s2;
	p2 =	seq.s32 @!p0 s5, $0x0  }
0x1f: {  	s9 =	smul.u32 $0xF7A, s1;
	s8 =	simm.s32 @!p0 $0x1BF5;
	p2 =	por !p2, p0  }
0x20: {  	[sflag:s8] =	ssyncset.s32 @!p0 $0xFFFFF086;
	s6 =	sadd.s32 @!p0 s3, s7;
	s7 =	simm.s32 @!p0 $0x108  }
0x21: {  	s3 =	sadd.s32 s3, s9;
	s6 =	sadd.s32 @!p0 $0x88, s6;
	s7 =	simm.s32 @p2 $0x1082  }
0x22: {  	[simem:s7], [sflag:s8] =	dma.local @!p0 [hbm:s6], $0xF7A  }
0x23: {  	s9 =	sor.u32 $0xD0000000, s2;
	s6 =	simm.s32 $0x108;
	_ =	swait.ge @!p0 [sflag:s8], $0x0  }
0x24: {  	s3 =	sadd.s32 $0x88, s3;
	s6 =	simm.s32 @!p1 $0x1082;
	[sflag:s4] =	ssyncset.s32 $0xFFFFF086  }
0x25: {  	[simem:s6], [sflag:s4] =	dma.local [hbm:s3], $0xF7A  }
0x26: {  	[smem:$0x3F9A] =	sst s1;
	(tag) =	ssettag s2;
	_ =	strace s9  }
0x27: {  	s1 =	sld [smem:$0x3FAA]  }
0x28: {  	s2 =	sld [smem:$0x3FAB]  }
0x29: {  	s4 =	sld [smem:$0x3FAD]  }
0x2a: {  	p0 =	seq.s32 s5, $0x0;
	s5 =	sld [smem:$0x3FAE]  }
0x2b: {  	s6 =	sld [smem:$0x3FAF]  }
0x2c: {  	s7 =	sld [smem:$0x3FB0]  }
0x2d: {  	s3 =	simm.s32 $0x108;
	s8 =	sld [smem:$0x3FB1]  }
0x2e: {  	s3 =	simm.s32 @!p0 $0x1082;
	s9 =	sld [smem:$0x3FB2]  }
0x2f: {  	lr =	sadd.s32 s0, s3;
	s0 =	sld [smem:$0x3FA9]  }
0x30: {  	s3 =	sld [smem:$0x3FAC]  }
0x31: {  	[smem:$0x3FB5] =	sst s10  }
0x32: {  	s10 =	sld [smem:$0x3FB3];
	_ =	sdelay $0x3  }
0x33: {  	p0 =	seq.s32 s10, $0x1;
	s10 =	sld [smem:$0x3FB5];
	_ =	sdelay $0x3  }
0x34: {  	[smem:$0x3FB5] =	sst s10  }
0x35: {  	s10 =	sld [smem:$0x3FB4];
	_ =	sdelay $0x3  }
0x36: {  	p1 =	seq.s32 s10, $0x1;
	s10 =	sld [smem:$0x3FB5];
	_ =	sdelay $0x3  }
0x37: {  	[smem:$0x3FB5] =	sst s10  }
0x38: {  	s10 =	sld [smem:$0x3FB6]  }
0x39: {  	_ = 	snop;
	(pc) =	sbr.ind lr, $3  }
0x3a: {  	_ = 	snop  }
0x3b: {  	_ = 	snop  }
0x3c: {  	p2 =	seq.s32 s10, $0x1;
	s10 =	sld [smem:$0x3FB5]  }
0x3d: {  	_ =	shalt  }
0x3e: {  	_ =	shalt  }
0x3f: {  	_ =	shalt  }
0x40: {  	_ =	shalt  }
0x41: {  	_ =	shalt  }
0x42: {  	_ =	shalt  }
0x43: {  	_ =	shalt  }
0x44: {  	_ =	shalt  }
0x45: {  	_ =	shalt  }
0x46: {  	_ =	shalt  }
0x47: {  	_ =	shalt  }
0x48: {  	_ =	shalt  }
0x49: {  	_ =	shalt  }
0x4a: {  	_ =	shalt  }
0x4b: {  	_ =	shalt  }
0x4c: {  	_ =	shalt  }
0x4d: {  	_ =	shalt  }
0x4e: {  	_ =	shalt  }
0x4f: {  	_ =	shalt  }
0x50: {  	_ =	shalt  }
0x51: {  	_ =	shalt  }
0x52: {  	_ =	shalt  }
0x53: {  	_ =	shalt  }
0x54: {  	_ =	shalt  }
0x55: {  	_ =	shalt  }
0x56: {  	_ =	shalt  }
0x57: {  	_ =	shalt  }
0x58: {  	_ =	shalt  }
0x59: {  	_ =	shalt  }
0x5a: {  	_ =	shalt  }
0x5b: {  	_ =	shalt  }
0x5c: {  	_ =	shalt  }
0x5d: {  	_ =	shalt  }
0x5e: {  	_ =	shalt  }
0x5f: {  	_ =	shalt  }
0x60: {  	_ =	shalt  }
0x61: {  	_ =	shalt  }
0x62: {  	_ =	shalt  }
0x63: {  	_ =	shalt  }
0x64: {  	_ =	shalt  }
0x65: {  	_ =	shalt  }
0x66: {  	_ =	shalt  }
0x67: {  	_ =	shalt  }
0x68: {  	_ =	shalt  }
0x69: {  	_ =	shalt  }
0x6a: {  	_ =	shalt  }
0x6b: {  	_ =	shalt  }
0x6c: {  	_ =	shalt  }
0x6d: {  	_ =	shalt  }
0x6e: {  	_ =	shalt  }
0x6f: {  	_ =	shalt  }
0x70: {  	_ =	shalt  }
0x71: {  	_ =	shalt  }
0x72: {  	_ =	shalt  }
0x73: {  	_ =	shalt  }
0x74: {  	_ =	shalt  }
0x75: {  	_ =	shalt  }
0x76: {  	_ =	shalt  }
0x77: {  	_ =	shalt  }
0x78: {  	_ =	shalt  }
0x79: {  	_ =	shalt  }
0x7a: {  	_ =	shalt  }
0x7b: {  	_ =	shalt  }
0x7c: {  	_ =	shalt  }
0x7d: {  	_ =	shalt  }
0x7e: {  	_ =	shalt  }
0x7f: {  	_ =	shalt  }
0x80: {  	_ =	shalt  }
0x81: {  	_ =	shalt  }
0x82: {  	_ =	shalt  }
0x83: {  	_ =	shalt  }
0x84: {  	_ =	shalt  }
0x85: {  	_ =	shalt  }
0x86: {  	_ =	shalt  }
0x87: {  	_ =	shalt  }
.Lfunc_end0:
.L_simem_size_0:
called_computation.1_lowered:
.L_overlay_start_0:
0x88: {  	s2 =	sld [smem:$0x3FD9]  }
0x89: {  	s3 =	sld [smem:$0x3FFE];
	_ =	sdelay $0x1  }
0x8a: {  	s1 =	srdreg.scid  }
0x8b: {  	s0 =	sand.u32 $0x1, s1  }
0x8c: {  	s17 =	sshll.u32 s0, $0xA;
	s2 =	sadd.s32 s3, s2  }
0x8d: {  	s2 =	sadd.s32 s2, s17  }
0x8e: {  	[smem:$0x3FC1] =	sst s2  }
0x8f: {  	_ = 	snop  }
0x90: {  	s2 =	sld [smem:$0x3FD0];
	(tm) =	ssettm $0x1  }
0x91: {  	s18 =	sld [smem:$0x3FFB];
	_ =	sdelay $0x3  }
0x92: {  	_ =	strace s18  }
0x93: {  	s3 =	sld [smem:$0x3FFC];
	_ =	sdelay $0x3  }
0x94: {  	_ =	strace s3  }
0x95: {  	s3 =	sld [smem:$0x3FFD];
	_ =	sdelay $0x3  }
0x96: {  	_ =	strace s3  }
0x97: {  	_ =	strace $0x8FFFFFFF  }
0x98: {  	s19 =	sld [smem:$0x3FDB];
	_ =	sdelay $0x1  }
0x99: {  	s4 =	simm.s32 $_scs_section_size  }
0x9a: {  	s5 =	simm.s32 $_size__tile_overlayer_lowered;
	s6 =	simm.s32 $_tile_overlayer_lowered  }
0x9b: {  	s22 =	simm.s32 $0x1BFF;
	s21 =	sshll.u32 s6, $0x1;
	s3 =	sadd.s32 s4, s19  }
0x9c: {  	s7 =	simm.s32 $0x0;
	s20 =	sshll.u32 s5, $0x1;
	s5 =	sadd.s32 s21, s3  }
0x9d: {  	[timem:s7], [sflag:s22] =	dma.local [hbm:s5], s20  }
0x9e: {  	_ =	swait.ge [sflag:s22], s20  }
0x9f: {  	s4 =	ssub.s32 $0x0, s20;
	[sflag:s22] =	ssyncset.done $0x0  }
0xa0: {  	[sflag:s22] =	ssyncadd.s32 s4;
	_ =	sdelay $0x1  }
0xa1: {  	s23 =	simm.s32 $0x1B8B  }
0xa2: {  	_ =	swait.ge [sflag:s23], $0x1  }
0xa3: {  	[sflag:s23] =	ssyncset.done $0x0  }
0xa4: {  	s25 =	simm.s32 $0x1B8E;
	s24 =	sld [smem:$0x3FFE];
	[sflag:s23] =	ssyncadd.s32 $0xFFFFFFFF  }
0xa5: {  	s26 =	simm.s32 $execute0_lowered;
	[smem:$0x3FD2] =	sst s25  }
0xa6: {  	s5 =	sshll.u32 s26, $0x1;
	_ =	strace $0x80000049;
	[dreg:$0x1] =	wrdreg $0xFFFFFFFF  }
0xa7: {  	s28 =	simm.s32 $_size_execute0_lowered;
	s3 =	sadd.s32 s3, s5;
	[dreg:$0x0] =	wrdreg $0x0  }
0xa8: {  	s5 =	sshll.u32 s28, $0x1;
	[dreg:$0x2] =	wrdreg s3  }
0xa9: {  	[dreg:$0x3] =	wrdreg s5  }
0xaa: {  	[dreg:$0x4] =	wrdreg $0xC0  }
0xab: {  	_ =	task [dreg:s7], $0x5FFFF  }
0xac: {  	[dreg:$0x1] =	wrdreg $0xFFFFFFFF  }
0xad: {  	[dreg:$0x0] =	wrdreg $0x60  }
0xae: {  	[dreg:$0x2] =	wrdreg s24  }
0xaf: {  	[dreg:$0x3] =	wrdreg s2  }
0xb0: {  	[dreg:$0x4] =	wrdreg $0x120000  }
0xb1: {  	[dreg:$0x5] =	wrdreg $0x16F000  }
0xb2: {  	[dreg:$0x6] =	wrdreg $0x9  }
0xb3: {  	_ =	task.clear_ibuf [dreg:s7], $0x7FFFF;
	_ =	strace $0x90000049  }
0xb4: {  	s29 =	simm.s32 $0x9;
	_ =	strace $0x8000004B  }
0xb5: {  	_ =	swait.ge [sflag:s29], $0x1  }
0xb6: {  	[sflag:s29] =	ssyncadd.s32 $0xFFFFFFFF  }
0xb7: {  	_ =	strace $0x9000004B  }
0xb8: {  	_ =	sfence  }
0xb9: {  	s30 =	sld [smem:$0x0];
	_ =	sdelay $0x2  }
0xba: {  	s31 =	sshll.u32 s1, $0xD;
	s1 =	sshrl.u32 s1, $0x2  }
0xbb: {  	s3 =	sand.u32 $0x4000, s31;
	s1 =	sadd.s32 s1, s30  }
0xbc: {  	s0 =	sor.u32 s3, s0;
	s1 =	sshll.u32 s1, $0x11  }
0xbd: {  	s0 =	sor.u32 s1, s0  }
0xbe: {  	s0 =	sadd.s32 $0x8F2B, s0  }
0xbf: {  	[sflag:s0] =	ssyncadd.remote.s32 $0x1  }
0xc0: {  	_ =	sfence.sel $0xFFFF  }
0xc1: {  	[dreg:$0x0] =	wrdreg $0xFFFFFFFF;
	(pc) =	sbr.abs _section_cstart, $3  }
0xc2: {  	[dreg:$0x1] =	wrdreg $0xFFFFFFFF  }
0xc3: {  	_ =	task.clear_ibuf [dreg:s7], $0x2FFFF;
	_ =	strace $0x9FFFFFFF  }
0xc4: {  	(tm) =	ssettm $0x7FFFFFFF  }
0xc5: {  	_ =	shalt  }
tec
execute0_lowered:
.L_overlay_start_1:
0x0: {  	(tag) =	ssettag $0x1  }
0x1: {  	s0 =	rddreg [dreg:$0x0]  }
0x2: {  	s1 =	rddreg [dreg:$0x1]  }
0x3: {  	s2 =	rddreg [dreg:$0x2];
	s4 =	srdreg.scid  }
0x4: {  	s12 =	stileid.u32;
	s3 =	rddreg [dreg:$0x3]  }
0x5: {  	s7 =	simm.s32 $0x0;
	s13 =	simm.s32 $0x11;
	s15 =	simm.s32 $0x1  }
0x6: {  	s16 =	simm.s32 $0x4;
	s17 =	simm.s32 $0x8;
	s28 =	simm.s32 $0x2  }
0x7: {  	s29 =	simm.s32 $0xF000;
	s30 =	simm.s32 $0x3;
	s5 =	smul.u32 $0x9C40, s12  }
0x8: {  	s31 =	simm.s32 $0x10000;
	s14 =	simm.s32 $0x0;
	s18 =	smul.u32 $0xA00, s12  }
0x9: {  	s4 =	sand.u32 $0x1, s4;
	[smem:$0x7FF] =	sst s7;
	s19 =	smul.u32 $0x4F00, s12  }
0xa: {  	s21 =	smul.u32 $0x13880, s12;
	s22 =	sshll.u32 s12, $0x6;
	s7 =	simm.s32 $0xC  }
0xb: {  	s6 =	sshll.u32 s4, $0x5;
	_ =	strace $0x8000004A;
	s8 =	ssub.s32 $0x2, s4  }
0xc: {  	s4 =	smul.u32 $0x4F000, s4;
	s5 =	sor.u32 s6, s5;
	s9 =	sadd.s32 s18, s0  }
0xd: {  	s20 =	sshrl.u32 s19, $0x3;
	s10 =	sshrl.u32 s8, $0x1;
	s11 =	sadd.s32 s19, s2  }
0xe: {  	s6 =	sor.u32 $0x1C11, s22;
	s23 =	sshrl.u32 s21, $0x2;
	s21 =	simm.s32 $0xB000  }
0xf: {  	s18 =	simm.s32 $0x7;
	s5 =	sshrl.u32 s5, $0x3;
	s8 =	ssub.s32 s8, s10  }
0x10: {  	s4 =	sadd.s32 s19, s4;
	s24 =	sadd.s32 $0xC400, s9;
	s25 =	sadd.s32 $0x2400, s9  }
0x11: {  	s12 =	sshrl.u32 s11, $0x3;
	s19 =	simm.s32 $0x80;
	s11 =	simm.s32 $0x10  }
0x12: {  	s5 =	sadd.s32 s5, s0;
	s0 =	sadd.s32 s20, s0;
	[dreg:$0x7] =	wrdreg s24  }
0x13: {  	[dreg:$0x8] =	wrdreg s25;
	s4 =	sshrl.u32 s4, $0x3;
	s26 =	smax.u32 s8, $0x1  }
0x14: {  	s20 =	simm.s32 $0xA000;
	s0 =	sadd.s32 $0x29E00, s0;
	[dreg:$0xa] =	wrdreg s26  }
.Ltmp0:
0x15: {  	s5 =	sadd.s32 $0x16400, s5;
	[dreg:$0x5] =	wrdreg s0;
	(pc) =	sbr.rel .LBB2_1-.Ltmp0, $4  }
0x16: {  	s25 =	simm.s32 $0xD000;
	s1 =	sadd.s32 s1, s4;
	[dreg:$0x6] =	wrdreg s5  }
0x17: {  	s26 =	simm.s32 $0xE000;
	s0 =	sadd.s32 s23, s3;
	[dreg:$0x9] =	wrdreg s1  }
0x18: {  	s23 =	simm.s32 $0xC000;
	s1 =	simm.s32 $0x11000;
	s0 =	sshrl.u32 s0, $0x3  }
0x19: {  	s5 =	simm.s32 $0xB;
	[dreg:$0xb] =	wrdreg s0;
	s0 =	simm.s32 $0x5  }
.LBB2_4:
0x1a: {  	_ =	swait.ge [sflag:s17], $0x1000  }
0x1b: {  	[sflag:s17] =	ssyncset.done $0x0  }
0x1c: {  	s4 =	simm.s32 $0x9;
	[sflag:s17] =	ssyncadd.s32 $0xFFFFF000  }
0x1d: {  	[spmem:s2] =	stream.indirect.scatter.add.f32 [tilespmem:s1], [sflag:$0x10], $0x20, s24, s19, $0xb8;
	[tilespmem:$0x1BD20] =	vst v63  }
0x1e: {  	_ =	swait.ge [sflag:s4], $0x1000  }
0x1f: {  	[sflag:s4] =	ssyncset.done $0x0  }
0x20: {  	s24 =	simm.s32 $0xA;
	[sflag:s4] =	ssyncadd.s32 $0xFFFFF000  }
0x21: {  	_ =	swait.ge [sflag:s24], $0x1000  }
0x22: {  	[sflag:s24] =	ssyncset.done $0x0  }
0x23: {  	[sflag:s24] =	ssyncadd.s32 $0xFFFFF000  }
0x24: {  	_ =	swait.ge [sflag:s5], $0x1000  }
0x25: {  	[sflag:s5] =	ssyncset.done $0x0  }
0x26: {  	[sflag:s5] =	ssyncadd.s32 $0xFFFFF000  }
0x27: {  	_ =	swait.ge [sflag:s7], $0x1000  }
0x28: {  	[sflag:s7] =	ssyncset.done $0x0  }
0x29: {  	s8 =	simm.s32 $0xD;
	[sflag:s7] =	ssyncadd.s32 $0xFFFFF000  }
0x2a: {  	_ =	swait.ge [sflag:s8], $0x1000  }
0x2b: {  	[sflag:s8] =	ssyncset.done $0x0  }
0x2c: {  	s9 =	simm.s32 $0xE;
	[sflag:s8] =	ssyncadd.s32 $0xFFFFF000  }
0x2d: {  	_ =	swait.ge [sflag:s9], $0x1000  }
0x2e: {  	[sflag:s9] =	ssyncset.done $0x0  }
0x2f: {  	s10 =	simm.s32 $0xF;
	[sflag:s9] =	ssyncadd.s32 $0xFFFFF000  }
0x30: {  	_ =	swait.ge [sflag:s10], $0x1000  }
0x31: {  	[sflag:s10] =	ssyncset.done $0x0  }
0x32: {  	[sflag:s10] =	ssyncadd.s32 $0xFFFFF000  }
0x33: {  	_ =	swait.ge [sflag:s11], $0x1000  }
0x34: {  	[sflag:s11] =	ssyncset.done $0x0  }
0x35: {  	[sflag:s11] =	ssyncadd.s32 $0xFFFFF000  }
0x36: {  	[bflag:$0x0] =	sbarrier.arrive $0xFFFF  }
0x37: {  	s22 =	rddreg [dreg:$0x9]  }
0x38: {  	[hbm:s22], [sflag:s6] =	dma.local [spmem:s12], $0x9E0  }
0x39: {  	_ =	swait.ge [sflag:s13], $0x9E0  }
0x3a: {  	s14 =	sadd.s32 $0x1, s14;
	s24 =	rddreg [dreg:$0xa]  }
0x3b: {  	p0 =	sne.s32 s14, s24  }
.Ltmp1:
0x3c: {  	_ = 	snop;
	(pc) =	sbr.rel @!p0 .LBB2_5-.Ltmp1, $3  }
0x3d: {  	_ =	sdelay $0x1  }
0x3e: {  	[sflag:s13] =	ssyncset.done $0x0  }
0x3f: {  	[sflag:s13] =	ssyncadd.s32 $0xFFFFF620  }
.LBB2_1:
0x40: {  	s4 =	rddreg [dreg:$0x5]  }
0x41: {  	[spmem:s12], [sflag:s6] =	dma.local [hbm:s4], $0x9E0  }
0x42: {  	_ =	swait.ge [sflag:s13], $0x9E0  }
0x43: {  	[sflag:s13] =	ssyncset.done $0x0;
	s22 =	rddreg [dreg:$0x6]  }
0x44: {  	s8 =	rddreg [dreg:$0xb];
	[sflag:s13] =	ssyncadd.s32 $0xFFFFF620  }
0x45: {  	[spmem:s8@s16], [sflag:s6] =	dma.strided [hbm:s22@s17], $0x9C4, s15, $0x4   }
0x46: {  	_ =	swait.ge [sflag:s13], $0x9C4  }
0x47: {  	[sflag:s13] =	ssyncset.done $0x0  }
0x48: {  	s24 =	simm.s32 $0x0;
	s9 =	rddreg [dreg:$0x7];
	[sflag:s13] =	ssyncadd.s32 $0xFFFFF63C  }
0x49: {  	[tilespmem:s24], [sflag:$0x11] =	stream.linear.gather [hbm4b:s9+s24], $0x5000, $0x38;
	[tilespmem:$0x1BD20] =	vst v63  }
0x4a: {  	_ =	swait.ge [sflag:s13], $0x5000  }
0x4b: {  	[sflag:s13] =	ssyncset.done $0x0  }
0x4c: {  	s9 =	simm.s32 $0x5000;
	s10 =	rddreg [dreg:$0x8];
	[sflag:s13] =	ssyncadd.s32 $0xFFFFB000  }
0x4d: {  	[tilespmem:s9], [sflag:$0x11] =	stream.linear.gather [hbm4b:s10+s24], $0x5000, $0x38;
	[tilespmem:$0x1BD20] =	vst v63  }
0x4e: {  	_ =	swait.ge [sflag:s13], $0x5000  }
0x4f: {  	[sflag:s13] =	ssyncset.done $0x0  }
0x50: {  	[sflag:s13] =	ssyncadd.s32 $0xFFFFB000  }
0x51: {  	[bflag:$0x0] =	sbarrier.arrive $0xFFFF  }
0x52: {  	[tilespmem:s20], [sflag:$0x1] =	stream.indirect.gather [spmem:s3], $0x20, s24, s19, $0xb8;
	[tilespmem:$0x1BD20] =	vst v63  }
0x53: {  	_ = 	snop  }
0x54: {  	[tilespmem:s21], [sflag:$0x2] =	stream.indirect.gather [spmem:s3], $0x20, s19, s19, $0xb8;
	[tilespmem:$0x1BD20] =	vst v63  }
0x55: {  	s22 =	simm.s32 $0x100  }
0x56: {  	[tilespmem:s23], [sflag:$0x3] =	stream.indirect.gather [spmem:s3], $0x20, s22, s19, $0xb8;
	[tilespmem:$0x1BD20] =	vst v63  }
0x57: {  	s4 =	simm.s32 $0x0;
	s24 =	simm.s32 $0x180  }
0x58: {  	[tilespmem:s25], [sflag:$0x4] =	stream.indirect.gather [spmem:s3], $0x20, s24, s19, $0xb8;
	[tilespmem:$0x1BD20] =	vst v63  }
.LBB2_2:
0x59: {  	_ =	swait.ge [sflag:s15], $0x1000  }
0x5a: {  	s22 =	sshra.s32 s4, $0x2;
	[sflag:s15] =	ssyncset.done $0x0  }
0x5b: {  	p0 =	seq.s32 s4, $0x0;
	s24 =	sadd.s32 $0x5000, s22;
	[sflag:s15] =	ssyncadd.s32 $0xFFFFF000  }
0x5c: {  	[spmem:s2] =	stream.indirect.scatter.add.f32 [tilespmem:s20], [sflag:$0x9], $0x20, s24, s19, $0xb8;
	[tilespmem:$0x1BD20] =	vst v63  }
0x5d: {  	s24 =	simm.s32 @!p0 $0xD  }
0x5e: {  	_ =	swait.ge @!p0 [sflag:s24], $0x1000  }
0x5f: {  	[sflag:s24] =	ssyncset.done @!p0 $0x0  }
0x60: {  	s9 =	sadd.s32 $0x200, s22;
	[sflag:s24] =	ssyncadd.s32 @!p0 $0xFFFFF000  }
0x61: {  	[tilespmem:s26], [sflag:$0x5] =	stream.indirect.gather [spmem:s3], $0x20, s9, s19, $0xb8;
	[tilespmem:$0x1BD20] =	vst v63  }
0x62: {  	_ =	swait.ge [sflag:s28], $0x1000  }
0x63: {  	[sflag:s28] =	ssyncset.done $0x0  }
0x64: {  	s10 =	sadd.s32 $0x5080, s22;
	s24 =	simm.s32 @!p0 $0xE;
	[sflag:s28] =	ssyncadd.s32 $0xFFFFF000  }
0x65: {  	[spmem:s2] =	stream.indirect.scatter.add.f32 [tilespmem:s21], [sflag:$0xA], $0x20, s10, s19, $0xb8;
	[tilespmem:$0x1BD20] =	vst v63  }
0x66: {  	_ =	swait.ge @!p0 [sflag:s24], $0x1000  }
0x67: {  	[sflag:s24] =	ssyncset.done @!p0 $0x0  }
0x68: {  	s8 =	sadd.s32 $0x280, s22;
	[sflag:s24] =	ssyncadd.s32 @!p0 $0xFFFFF000  }
0x69: {  	[tilespmem:s29], [sflag:$0x6] =	stream.indirect.gather [spmem:s3], $0x20, s8, s19, $0xb8;
	[tilespmem:$0x1BD20] =	vst v63  }
0x6a: {  	_ =	swait.ge [sflag:s30], $0x1000  }
0x6b: {  	[sflag:s30] =	ssyncset.done $0x0  }
0x6c: {  	s9 =	sadd.s32 $0x5100, s22;
	s24 =	simm.s32 @!p0 $0xF;
	[sflag:s30] =	ssyncadd.s32 $0xFFFFF000  }
0x6d: {  	[spmem:s2] =	stream.indirect.scatter.add.f32 [tilespmem:s23], [sflag:$0xB], $0x20, s9, s19, $0xb8;
	[tilespmem:$0x1BD20] =	vst v63  }
0x6e: {  	_ =	swait.ge @!p0 [sflag:s24], $0x1000  }
0x6f: {  	[sflag:s24] =	ssyncset.done @!p0 $0x0  }
0x70: {  	s10 =	sadd.s32 $0x300, s22;
	[sflag:s24] =	ssyncadd.s32 @!p0 $0xFFFFF000  }
0x71: {  	[tilespmem:s31], [sflag:$0x7] =	stream.indirect.gather [spmem:s3], $0x20, s10, s19, $0xb8;
	[tilespmem:$0x1BD20] =	vst v63  }
0x72: {  	_ =	swait.ge [sflag:s16], $0x1000  }
0x73: {  	[sflag:s16] =	ssyncset.done $0x0  }
0x74: {  	s8 =	sadd.s32 $0x5180, s22;
	s24 =	simm.s32 @!p0 $0x10;
	[sflag:s16] =	ssyncadd.s32 $0xFFFFF000  }
0x75: {  	[spmem:s2] =	stream.indirect.scatter.add.f32 [tilespmem:s25], [sflag:$0xC], $0x20, s8, s19, $0xb8;
	[tilespmem:$0x1BD20] =	vst v63  }
0x76: {  	_ =	swait.ge @!p0 [sflag:s24], $0x1000  }
0x77: {  	[sflag:s24] =	ssyncset.done @!p0 $0x0  }
0x78: {  	s9 =	sadd.s32 $0x380, s22;
	[sflag:s24] =	ssyncadd.s32 @!p0 $0xFFFFF000  }
0x79: {  	[tilespmem:s1], [sflag:$0x8] =	stream.indirect.gather [spmem:s3], $0x20, s9, s19, $0xb8;
	[tilespmem:$0x1BD20] =	vst v63  }
0x7a: {  	_ =	swait.ge [sflag:s0], $0x1000  }
0x7b: {  	p0 =	seq.s32 s4, $0x13000;
	[sflag:s0] =	ssyncset.done $0x0  }
0x7c: {  	s10 =	sadd.s32 $0x5200, s22;
	s24 =	simm.s32 @p0 $0x6;
	[sflag:s0] =	ssyncadd.s32 $0xFFFFF000  }
0x7d: {  	[spmem:s2] =	stream.indirect.scatter.add.f32 [tilespmem:s26], [sflag:$0xD], $0x20, s10, s19, $0xb8;
	[tilespmem:$0x1BD20] =	vst v63  }
0x7e: {  	_ =	swait.ge @p0 [sflag:s24], $0x1000  }
0x7f: {  	[sflag:s24] =	ssyncset.done @p0 $0x0  }
0x80: {  	[sflag:s24] =	ssyncadd.s32 @p0 $0xFFFFF000;
	s24 =	sshra.s32 @p0 s4, $0x2  }
0x81: {  	s8 =	simm.s32 @p0 $0x80;
	s9 =	simm.s32 @p0 $0xF000;
	s24 =	sadd.s32 @p0 $0x5280, s24  }
0x82: {  	[spmem:s2] =	stream.indirect.scatter.add.f32 @p0 [tilespmem:s9], [sflag:$0xE], $0x20, s24, s8, $0xb8;
	[tilespmem:$0x1BD20] =	vst v63  }
0x83: {  	s8 =	simm.s32 @!p0 $0x9  }
0x84: {  	_ =	swait.ge @!p0 [sflag:s8], $0x1000  }
0x85: {  	[sflag:s8] =	ssyncset.done @!p0 $0x0  }
0x86: {  	[sflag:s8] =	ssyncadd.s32 @!p0 $0xFFFFF000;
	s8 =	sshra.s32 @!p0 s4, $0x2  }
0x87: {  	s10 =	simm.s32 @!p0 $0xA000;
	s24 =	simm.s32 @!p0 $0x80;
	s9 =	sadd.s32 @!p0 $0x400, s8  }
0x88: {  	[tilespmem:s10], [sflag:$0x1] =	stream.indirect.gather @!p0 [spmem:s3], $0x20, s9, s24, $0xb8;
	[tilespmem:$0x1BD20] =	vst v63  }
0x89: {  	s9 =	simm.s32 @!p0 $0x6  }
0x8a: {  	_ =	swait.ge @!p0 [sflag:s9], $0x1000  }
0x8b: {  	[sflag:s9] =	ssyncset.done @!p0 $0x0  }
0x8c: {  	s10 =	simm.s32 @!p0 $0xF000;
	[sflag:s9] =	ssyncadd.s32 @!p0 $0xFFFFF000;
	s9 =	sadd.s32 @!p0 $0x5280, s8  }
0x8d: {  	[spmem:s2] =	stream.indirect.scatter.add.f32 @!p0 [tilespmem:s10], [sflag:$0xE], $0x20, s9, s24, $0xb8;
	[tilespmem:$0x1BD20] =	vst v63  }
0x8e: {  	s9 =	simm.s32 @!p0 $0xA  }
0x8f: {  	_ =	swait.ge @!p0 [sflag:s9], $0x1000  }
0x90: {  	[sflag:s9] =	ssyncset.done @!p0 $0x0  }
0x91: {  	s8 =	sadd.s32 @!p0 $0x480, s8;
	[sflag:s9] =	ssyncadd.s32 @!p0 $0xFFFFF000;
	s9 =	simm.s32 @!p0 $0xB000  }
0x92: {  	[tilespmem:s9], [sflag:$0x2] =	stream.indirect.gather @!p0 [spmem:s3], $0x20, s8, s24, $0xb8;
	[tilespmem:$0x1BD20] =	vst v63  }
.Ltmp2:
0x93: {  	_ =	swait.ge [sflag:s18], $0x1000;
	(pc) =	sbr.rel @p0 .LBB2_4-.Ltmp2, $4  }
0x94: {  	[sflag:s18] =	ssyncset.done $0x0  }
0x95: {  	s24 =	sadd.s32 $0x5300, s22;
	[sflag:s18] =	ssyncadd.s32 $0xFFFFF000  }
0x96: {  	[spmem:s2] =	stream.indirect.scatter.add.f32 [tilespmem:s31], [sflag:$0xF], $0x20, s24, s19, $0xb8;
	[tilespmem:$0x1BD20] =	vst v63  }
0x97: {  	s24 =	sadd.s32 $0x5380, s22  }
0x98: {  	_ =	swait.ge [sflag:s5], $0x1000  }
0x99: {  	[sflag:s5] =	ssyncset.done $0x0  }
0x9a: {  	s8 =	sadd.s32 $0x500, s22;
	[sflag:s5] =	ssyncadd.s32 $0xFFFFF000  }
0x9b: {  	[tilespmem:s23], [sflag:$0x3] =	stream.indirect.gather [spmem:s3], $0x20, s8, s19, $0xb8;
	[tilespmem:$0x1BD20] =	vst v63  }
0x9c: {  	_ =	swait.ge [sflag:s17], $0x1000  }
0x9d: {  	[sflag:s17] =	ssyncset.done $0x0  }
0x9e: {  	[sflag:s17] =	ssyncadd.s32 $0xFFFFF000  }
0x9f: {  	[spmem:s2] =	stream.indirect.scatter.add.f32 [tilespmem:s1], [sflag:$0x10], $0x20, s24, s19, $0xb8;
	[tilespmem:$0x1BD20] =	vst v63  }
.Ltmp3:
0xa0: {  	_ = 	snop;
	(pc) =	sbr.rel .LBB2_2-.Ltmp3, $4  }
0xa1: {  	_ =	swait.ge [sflag:s7], $0x1000  }
0xa2: {  	[sflag:s7] =	ssyncset.done $0x0  }
0xa3: {  	s4 =	sadd.s32 $0x1000, s4;
	s24 =	sadd.s32 $0x580, s22;
	[sflag:s7] =	ssyncadd.s32 $0xFFFFF000  }
0xa4: {  	[tilespmem:s25], [sflag:$0x4] =	stream.indirect.gather [spmem:s3], $0x20, s24, s19, $0xb8;
	[tilespmem:$0x1BD20] =	vst v63  }
.LBB2_5:
0xa5: {  	_ =	sfence.sel $0x180000  }
0xa6: {  	[bflag:$0x0] =	sbarrier.arrive $0xFFFF  }
0xa7: {  	_ =	strace $0x9000004A  }
0xa8: {  	s0 =	stileid.u32;
	[bflag:$0x2] =	sbarrier.arrive $0xFFFF  }
0xa9: {  	p0 =	sne.s32 s0, $0x0;
	s0 =	rddreg [dreg:$0x4]  }
0xaa: {  	s0 =	sadd.s32 @!p0 $0x100000, s0  }
0xab: {  	[sflag:s0] =	ssyncadd.tile.s32 @!p0 $0x1;
	_ =	shalt  }
.Lfunc_end2:
_tile_overlayer_lowered:
.L_overlay_start_2:
0xac: {  	(tag) =	ssettag $0x2  }
0xad: {  	s0 =	rddreg [dreg:$0x0];
	s2 =	stileid.u32  }
0xae: {  	s1 =	rddreg [dreg:$0x1];
	p0 =	sne.s32 s2, $0x0  }
0xaf: {  	s3 =	rddreg [dreg:$0x2];
	[bflag:$0x3] =	sbarrier.arrive $0xFFFF;
	s2 =	simm.s32 @!p0 $0x1C11  }
0xb0: {  	[timem:s3], [sflag:s2] =	dma.local @!p0 [hbm:s0], s1  }
0xb1: {  	s0 =	simm.s32 @!p0 $0x11  }
0xb2: {  	_ =	swait.ge @!p0 [sflag:s0], s1  }
0xb3: {  	s1 =	ssub.s32 @!p0 $0x0, s1;
	[sflag:s0] =	ssyncset.done @!p0 $0x0  }
0xb4: {  	[sflag:s0] =	ssyncadd.s32 @!p0 s1  }
0xb5: {  	[bflag:$0x3] =	sbarrier.arrive $0xFFFF  }
0xb6: {  	_ =	shalt  }

// kernel: kernel.16.cloned.1.call-start
scs
__scs_entry_jumppad:
0x0: {  	(pc) =	sbr.rel $0x88, $3  }
0x1: {  	(tag) =	ssettag $0x0;
	lr =	simm.s32 $0x1  }
0x2: {  	[smem:$0x3F9A] =	sst lr;
	_ =	strace $0xD0000000  }
0x3: {  	_ = 	snop  }
0x4: {  	_ = 	snop  }
0x5: {  	_ = 	snop  }
0x6: {  	_ = 	snop  }
0x7: {  	_ = 	snop  }
__scs_overlays_trampoline_lowered:
0x8: {  	[smem:$0x3FA9] =	sst s0  }
0x9: {  	[smem:$0x3FAA] =	sst s1  }
0xa: {  	[smem:$0x3FAB] =	sst s2  }
0xb: {  	[smem:$0x3FAC] =	sst s3  }
0xc: {  	[smem:$0x3FAD] =	sst s4  }
0xd: {  	[smem:$0x3FAE] =	sst s5  }
0xe: {  	[smem:$0x3FAF] =	sst s6  }
0xf: {  	[smem:$0x3FB0] =	sst s7  }
0x10: {  	[smem:$0x3FB1] =	sst s8  }
0x11: {  	[smem:$0x3FB2] =	sst s9;
	s0 =	simm.s32 @!p0 $0x0  }
0x12: {  	s1 =	sld [smem:$0x3F98];
	s0 =	simm.s32 @p0 $0x1  }
0x13: {  	[smem:$0x3FB3] =	sst s0;
	s0 =	simm.s32 @!p1 $0x0  }
0x14: {  	s2 =	sld [smem:$0x3F97];
	s0 =	simm.s32 @p1 $0x1  }
0x15: {  	[smem:$0x3FB4] =	sst s0;
	s0 =	simm.s32 @!p2 $0x0  }
0x16: {  	s3 =	sld [smem:$0x3FDB];
	s0 =	simm.s32 @p2 $0x1  }
0x17: {  	s4 =	simm.s32 $0x1BF5;
	[smem:$0x3FB6] =	sst s0  }
0x18: {  	s0 =	sld [smem:$0x3F99];
	_ =	swait.ge [sflag:s4], $0x0  }
0x19: {  	s7 =	sld [smem:$0x3F9A]  }
0x1a: {  	s8 =	sadd.s32 $0xFFFFE003, lr  }
0x1b: {  	s9 =	sadd.s32 $0xFFFFFEF7, lr;
	s5 =	simm.s32 $0xFFFFFFFF;
	p2 =	slt.u32 s8, $0xFFFFF086  }
0x1c: {  	p1 =	slt.u32 s9, $0xF7A;
	s5 =	simm.s32 @!p2 $0x0  }
0x1d: {  	s5 =	simm.s32 @p1 $0x1;
	p0 =	seq.s32 s7, s2  }
0x1e: {  	s7 =	smul.u32 @!p0 $0xF7A, s2;
	p2 =	seq.s32 @!p0 s5, $0x0  }
0x1f: {  	s9 =	smul.u32 $0xF7A, s1;
	s8 =	simm.s32 @!p0 $0x1BF5;
	p2 =	por !p2, p0  }
0x20: {  	[sflag:s8] =	ssyncset.s32 @!p0 $0xFFFFF086;
	s6 =	sadd.s32 @!p0 s3, s7;
	s7 =	simm.s32 @!p0 $0x108  }
0x21: {  	s3 =	sadd.s32 s3, s9;
	s6 =	sadd.s32 @!p0 $0x88, s6;
	s7 =	simm.s32 @p2 $0x1082  }
0x22: {  	[simem:s7], [sflag:s8] =	dma.local @!p0 [hbm:s6], $0xF7A  }
0x23: {  	s9 =	sor.u32 $0xD0000000, s2;
	s6 =	simm.s32 $0x108;
	_ =	swait.ge @!p0 [sflag:s8], $0x0  }
0x24: {  	s3 =	sadd.s32 $0x88, s3;
	s6 =	simm.s32 @!p1 $0x1082;
	[sflag:s4] =	ssyncset.s32 $0xFFFFF086  }
0x25: {  	[simem:s6], [sflag:s4] =	dma.local [hbm:s3], $0xF7A  }
0x26: {  	[smem:$0x3F9A] =	sst s1;
	(tag) =	ssettag s2;
	_ =	strace s9  }
0x27: {  	s1 =	sld [smem:$0x3FAA]  }
0x28: {  	s2 =	sld [smem:$0x3FAB]  }
0x29: {  	s4 =	sld [smem:$0x3FAD]  }
0x2a: {  	p0 =	seq.s32 s5, $0x0;
	s5 =	sld [smem:$0x3FAE]  }
0x2b: {  	s6 =	sld [smem:$0x3FAF]  }
0x2c: {  	s7 =	sld [smem:$0x3FB0]  }
0x2d: {  	s3 =	simm.s32 $0x108;
	s8 =	sld [smem:$0x3FB1]  }
0x2e: {  	s3 =	simm.s32 @!p0 $0x1082;
	s9 =	sld [smem:$0x3FB2]  }
0x2f: {  	lr =	sadd.s32 s0, s3;
	s0 =	sld [smem:$0x3FA9]  }
0x30: {  	s3 =	sld [smem:$0x3FAC]  }
0x31: {  	[smem:$0x3FB5] =	sst s10  }
0x32: {  	s10 =	sld [smem:$0x3FB3];
	_ =	sdelay $0x3  }
0x33: {  	p0 =	seq.s32 s10, $0x1;
	s10 =	sld [smem:$0x3FB5];
	_ =	sdelay $0x3  }
0x34: {  	[smem:$0x3FB5] =	sst s10  }
0x35: {  	s10 =	sld [smem:$0x3FB4];
	_ =	sdelay $0x3  }
0x36: {  	p1 =	seq.s32 s10, $0x1;
	s10 =	sld [smem:$0x3FB5];
	_ =	sdelay $0x3  }
0x37: {  	[smem:$0x3FB5] =	sst s10  }
0x38: {  	s10 =	sld [smem:$0x3FB6]  }
0x39: {  	_ = 	snop;
	(pc) =	sbr.ind lr, $3  }
0x3a: {  	_ = 	snop  }
0x3b: {  	_ = 	snop  }
0x3c: {  	p2 =	seq.s32 s10, $0x1;
	s10 =	sld [smem:$0x3FB5]  }
0x3d: {  	_ =	shalt  }
0x3e: {  	_ =	shalt  }
0x3f: {  	_ =	shalt  }
0x40: {  	_ =	shalt  }
0x41: {  	_ =	shalt  }
0x42: {  	_ =	shalt  }
0x43: {  	_ =	shalt  }
0x44: {  	_ =	shalt  }
0x45: {  	_ =	shalt  }
0x46: {  	_ =	shalt  }
0x47: {  	_ =	shalt  }
0x48: {  	_ =	shalt  }
0x49: {  	_ =	shalt  }
0x4a: {  	_ =	shalt  }
0x4b: {  	_ =	shalt  }
0x4c: {  	_ =	shalt  }
0x4d: {  	_ =	shalt  }
0x4e: {  	_ =	shalt  }
0x4f: {  	_ =	shalt  }
0x50: {  	_ =	shalt  }
0x51: {  	_ =	shalt  }
0x52: {  	_ =	shalt  }
0x53: {  	_ =	shalt  }
0x54: {  	_ =	shalt  }
0x55: {  	_ =	shalt  }
0x56: {  	_ =	shalt  }
0x57: {  	_ =	shalt  }
0x58: {  	_ =	shalt  }
0x59: {  	_ =	shalt  }
0x5a: {  	_ =	shalt  }
0x5b: {  	_ =	shalt  }
0x5c: {  	_ =	shalt  }
0x5d: {  	_ =	shalt  }
0x5e: {  	_ =	shalt  }
0x5f: {  	_ =	shalt  }
0x60: {  	_ =	shalt  }
0x61: {  	_ =	shalt  }
0x62: {  	_ =	shalt  }
0x63: {  	_ =	shalt  }
0x64: {  	_ =	shalt  }
0x65: {  	_ =	shalt  }
0x66: {  	_ =	shalt  }
0x67: {  	_ =	shalt  }
0x68: {  	_ =	shalt  }
0x69: {  	_ =	shalt  }
0x6a: {  	_ =	shalt  }
0x6b: {  	_ =	shalt  }
0x6c: {  	_ =	shalt  }
0x6d: {  	_ =	shalt  }
0x6e: {  	_ =	shalt  }
0x6f: {  	_ =	shalt  }
0x70: {  	_ =	shalt  }
0x71: {  	_ =	shalt  }
0x72: {  	_ =	shalt  }
0x73: {  	_ =	shalt  }
0x74: {  	_ =	shalt  }
0x75: {  	_ =	shalt  }
0x76: {  	_ =	shalt  }
0x77: {  	_ =	shalt  }
0x78: {  	_ =	shalt  }
0x79: {  	_ =	shalt  }
0x7a: {  	_ =	shalt  }
0x7b: {  	_ =	shalt  }
0x7c: {  	_ =	shalt  }
0x7d: {  	_ =	shalt  }
0x7e: {  	_ =	shalt  }
0x7f: {  	_ =	shalt  }
0x80: {  	_ =	shalt  }
0x81: {  	_ =	shalt  }
0x82: {  	_ =	shalt  }
0x83: {  	_ =	shalt  }
0x84: {  	_ =	shalt  }
0x85: {  	_ =	shalt  }
0x86: {  	_ =	shalt  }
0x87: {  	_ =	shalt  }
.Lfunc_end0:
.L_simem_size_0:
called_computation.2_lowered:
.L_overlay_start_0:
0x88: {  	s2 =	sld [smem:$0x3FD9]  }
0x89: {  	s3 =	sld [smem:$0x3FFE];
	_ =	sdelay $0x1  }
0x8a: {  	s1 =	srdreg.scid  }
0x8b: {  	s0 =	sand.u32 $0x1, s1  }
0x8c: {  	s17 =	sshll.u32 s0, $0xA;
	s2 =	sadd.s32 s3, s2  }
0x8d: {  	s2 =	sadd.s32 s2, s17  }
0x8e: {  	[smem:$0x3FC1] =	sst s2  }
0x8f: {  	_ = 	snop  }
0x90: {  	s2 =	sld [smem:$0x3FD0];
	(tm) =	ssettm $0x1  }
0x91: {  	s18 =	sld [smem:$0x3FFB];
	_ =	sdelay $0x3  }
0x92: {  	_ =	strace s18  }
0x93: {  	s3 =	sld [smem:$0x3FFC];
	_ =	sdelay $0x3  }
0x94: {  	_ =	strace s3  }
0x95: {  	s3 =	sld [smem:$0x3FFD];
	_ =	sdelay $0x3  }
0x96: {  	_ =	strace s3  }
0x97: {  	_ =	strace $0x8FFFFFFF  }
0x98: {  	s19 =	sld [smem:$0x3FDB];
	_ =	sdelay $0x1  }
0x99: {  	s4 =	simm.s32 $_scs_section_size  }
0x9a: {  	s5 =	simm.s32 $_size__tile_overlayer_lowered;
	s6 =	simm.s32 $_tile_overlayer_lowered  }
0x9b: {  	s22 =	simm.s32 $0x1BFF;
	s21 =	sshll.u32 s6, $0x1;
	s3 =	sadd.s32 s4, s19  }
0x9c: {  	s7 =	simm.s32 $0x0;
	s20 =	sshll.u32 s5, $0x1;
	s5 =	sadd.s32 s21, s3  }
0x9d: {  	[timem:s7], [sflag:s22] =	dma.local [hbm:s5], s20  }
0x9e: {  	_ =	swait.ge [sflag:s22], s20  }
0x9f: {  	s4 =	ssub.s32 $0x0, s20;
	[sflag:s22] =	ssyncset.done $0x0  }
0xa0: {  	[sflag:s22] =	ssyncadd.s32 s4;
	_ =	sdelay $0x1  }
0xa1: {  	s23 =	simm.s32 $0x1B8B  }
0xa2: {  	_ =	swait.ge [sflag:s23], $0x1  }
0xa3: {  	[sflag:s23] =	ssyncset.done $0x0  }
0xa4: {  	s25 =	simm.s32 $0x1B8E;
	s24 =	sld [smem:$0x3FFE];
	[sflag:s23] =	ssyncadd.s32 $0xFFFFFFFF  }
0xa5: {  	s26 =	simm.s32 $execute0_lowered;
	[smem:$0x3FD2] =	sst s25  }
0xa6: {  	s5 =	sshll.u32 s26, $0x1;
	_ =	strace $0x8000004C;
	[dreg:$0x1] =	wrdreg $0xFFFFFFFF  }
0xa7: {  	s28 =	simm.s32 $_size_execute0_lowered;
	s3 =	sadd.s32 s3, s5;
	[dreg:$0x0] =	wrdreg $0x0  }
0xa8: {  	s5 =	sshll.u32 s28, $0x1;
	[dreg:$0x2] =	wrdreg s3  }
0xa9: {  	[dreg:$0x3] =	wrdreg s5  }
0xaa: {  	[dreg:$0x4] =	wrdreg $0xC0  }
0xab: {  	_ =	task [dreg:s7], $0x5FFFF  }
0xac: {  	[dreg:$0x1] =	wrdreg $0xFFFFFFFF  }
0xad: {  	[dreg:$0x0] =	wrdreg $0x60  }
0xae: {  	[dreg:$0x2] =	wrdreg s24  }
0xaf: {  	[dreg:$0x3] =	wrdreg s2  }
0xb0: {  	[dreg:$0x4] =	wrdreg $0x120000  }
0xb1: {  	[dreg:$0x5] =	wrdreg $0x16F000  }
0xb2: {  	[dreg:$0x6] =	wrdreg $0x9  }
0xb3: {  	_ =	task.clear_ibuf [dreg:s7], $0x7FFFF;
	_ =	strace $0x9000004C  }
0xb4: {  	s29 =	simm.s32 $0x9;
	_ =	strace $0x8000004E  }
0xb5: {  	_ =	swait.ge [sflag:s29], $0x1  }
0xb6: {  	[sflag:s29] =	ssyncadd.s32 $0xFFFFFFFF  }
0xb7: {  	_ =	strace $0x9000004E  }
0xb8: {  	_ =	sfence  }
0xb9: {  	s30 =	sld [smem:$0x0];
	_ =	sdelay $0x2  }
0xba: {  	s31 =	sshll.u32 s1, $0xD;
	s1 =	sshrl.u32 s1, $0x2  }
0xbb: {  	s3 =	sand.u32 $0x4000, s31;
	s1 =	sadd.s32 s1, s30  }
0xbc: {  	s0 =	sor.u32 s3, s0;
	s1 =	sshll.u32 s1, $0x11  }
0xbd: {  	s0 =	sor.u32 s1, s0  }
0xbe: {  	s0 =	sadd.s32 $0x8F2B, s0  }
0xbf: {  	[sflag:s0] =	ssyncadd.remote.s32 $0x1  }
0xc0: {  	_ =	sfence.sel $0xFFFF  }
0xc1: {  	[dreg:$0x0] =	wrdreg $0xFFFFFFFF;
	(pc) =	sbr.abs _section_cstart, $3  }
0xc2: {  	[dreg:$0x1] =	wrdreg $0xFFFFFFFF  }
0xc3: {  	_ =	task.clear_ibuf [dreg:s7], $0x2FFFF;
	_ =	strace $0x9FFFFFFF  }
0xc4: {  	(tm) =	ssettm $0x7FFFFFFF  }
0xc5: {  	_ =	shalt  }
tec
execute0_lowered:
.L_overlay_start_1:
0x0: {  	(tag) =	ssettag $0x1  }
0x1: {  	s0 =	rddreg [dreg:$0x0]  }
0x2: {  	s1 =	rddreg [dreg:$0x1]  }
0x3: {  	s2 =	rddreg [dreg:$0x2];
	s4 =	srdreg.scid  }
0x4: {  	s12 =	stileid.u32;
	s3 =	rddreg [dreg:$0x3]  }
0x5: {  	s7 =	simm.s32 $0x0;
	s13 =	simm.s32 $0x11;
	s15 =	simm.s32 $0x1  }
0x6: {  	s16 =	simm.s32 $0x4;
	s17 =	simm.s32 $0x8;
	s28 =	simm.s32 $0x2  }
0x7: {  	s29 =	simm.s32 $0xF000;
	s30 =	simm.s32 $0x3;
	s5 =	smul.u32 $0x9C40, s12  }
0x8: {  	s31 =	simm.s32 $0x10000;
	s14 =	simm.s32 $0x0;
	s18 =	smul.u32 $0xA00, s12  }
0x9: {  	s4 =	sand.u32 $0x1, s4;
	[smem:$0x7FF] =	sst s7;
	s19 =	smul.u32 $0x4F00, s12  }
0xa: {  	s21 =	smul.u32 $0x13880, s12;
	s22 =	sshll.u32 s12, $0x6;
	s7 =	simm.s32 $0xC  }
0xb: {  	s6 =	sshll.u32 s4, $0x5;
	_ =	strace $0x8000004D;
	s8 =	ssub.s32 $0x2, s4  }
0xc: {  	s4 =	smul.u32 $0x4F000, s4;
	s5 =	sor.u32 s6, s5;
	s9 =	sadd.s32 s18, s0  }
0xd: {  	s20 =	sshrl.u32 s19, $0x3;
	s10 =	sshrl.u32 s8, $0x1;
	s11 =	sadd.s32 s19, s2  }
0xe: {  	s6 =	sor.u32 $0x1C11, s22;
	s23 =	sshrl.u32 s21, $0x2;
	s21 =	simm.s32 $0xB000  }
0xf: {  	s18 =	simm.s32 $0x7;
	s5 =	sshrl.u32 s5, $0x3;
	s8 =	ssub.s32 s8, s10  }
0x10: {  	s4 =	sadd.s32 s19, s4;
	s24 =	sadd.s32 $0xC400, s9;
	s25 =	sadd.s32 $0x2400, s9  }
0x11: {  	s12 =	sshrl.u32 s11, $0x3;
	s19 =	simm.s32 $0x80;
	s11 =	simm.s32 $0x10  }
0x12: {  	s5 =	sadd.s32 s5, s0;
	s0 =	sadd.s32 s20, s0;
	[dreg:$0x7] =	wrdreg s24  }
0x13: {  	[dreg:$0x8] =	wrdreg s25;
	s4 =	sshrl.u32 s4, $0x3;
	s26 =	smax.u32 s8, $0x1  }
0x14: {  	s20 =	simm.s32 $0xA000;
	s0 =	sadd.s32 $0x29E00, s0;
	[dreg:$0xa] =	wrdreg s26  }
.Ltmp0:
0x15: {  	s5 =	sadd.s32 $0x16400, s5;
	[dreg:$0x5] =	wrdreg s0;
	(pc) =	sbr.rel .LBB2_1-.Ltmp0, $4  }
0x16: {  	s25 =	simm.s32 $0xD000;
	s1 =	sadd.s32 s1, s4;
	[dreg:$0x6] =	wrdreg s5  }
0x17: {  	s26 =	simm.s32 $0xE000;
	s0 =	sadd.s32 s23, s3;
	[dreg:$0x9] =	wrdreg s1  }
0x18: {  	s23 =	simm.s32 $0xC000;
	s1 =	simm.s32 $0x11000;
	s0 =	sshrl.u32 s0, $0x3  }
0x19: {  	s5 =	simm.s32 $0xB;
	[dreg:$0xb] =	wrdreg s0;
	s0 =	simm.s32 $0x5  }
.LBB2_4:
0x1a: {  	_ =	swait.ge [sflag:s17], $0x1000  }
0x1b: {  	[sflag:s17] =	ssyncset.done $0x0  }
0x1c: {  	s4 =	simm.s32 $0x9;
	[sflag:s17] =	ssyncadd.s32 $0xFFFFF000  }
0x1d: {  	[spmem:s2] =	stream.indirect.scatter.add.f32 [tilespmem:s1], [sflag:$0x10], $0x20, s24, s19, $0xb8;
	[tilespmem:$0x1BD20] =	vst v63  }
0x1e: {  	_ =	swait.ge [sflag:s4], $0x1000  }
0x1f: {  	[sflag:s4] =	ssyncset.done $0x0  }
0x20: {  	s24 =	simm.s32 $0xA;
	[sflag:s4] =	ssyncadd.s32 $0xFFFFF000  }
0x21: {  	_ =	swait.ge [sflag:s24], $0x1000  }
0x22: {  	[sflag:s24] =	ssyncset.done $0x0  }
0x23: {  	[sflag:s24] =	ssyncadd.s32 $0xFFFFF000  }
0x24: {  	_ =	swait.ge [sflag:s5], $0x1000  }
0x25: {  	[sflag:s5] =	ssyncset.done $0x0  }
0x26: {  	[sflag:s5] =	ssyncadd.s32 $0xFFFFF000  }
0x27: {  	_ =	swait.ge [sflag:s7], $0x1000  }
0x28: {  	[sflag:s7] =	ssyncset.done $0x0  }
0x29: {  	s8 =	simm.s32 $0xD;
	[sflag:s7] =	ssyncadd.s32 $0xFFFFF000  }
0x2a: {  	_ =	swait.ge [sflag:s8], $0x1000  }
0x2b: {  	[sflag:s8] =	ssyncset.done $0x0  }
0x2c: {  	s9 =	simm.s32 $0xE;
	[sflag:s8] =	ssyncadd.s32 $0xFFFFF000  }
0x2d: {  	_ =	swait.ge [sflag:s9], $0x1000  }
0x2e: {  	[sflag:s9] =	ssyncset.done $0x0  }
0x2f: {  	s10 =	simm.s32 $0xF;
	[sflag:s9] =	ssyncadd.s32 $0xFFFFF000  }
0x30: {  	_ =	swait.ge [sflag:s10], $0x1000  }
0x31: {  	[sflag:s10] =	ssyncset.done $0x0  }
0x32: {  	[sflag:s10] =	ssyncadd.s32 $0xFFFFF000  }
0x33: {  	_ =	swait.ge [sflag:s11], $0x1000  }
0x34: {  	[sflag:s11] =	ssyncset.done $0x0  }
0x35: {  	[sflag:s11] =	ssyncadd.s32 $0xFFFFF000  }
0x36: {  	[bflag:$0x0] =	sbarrier.arrive $0xFFFF  }
0x37: {  	s22 =	rddreg [dreg:$0x9]  }
0x38: {  	[hbm:s22], [sflag:s6] =	dma.local [spmem:s12], $0x9E0  }
0x39: {  	_ =	swait.ge [sflag:s13], $0x9E0  }
0x3a: {  	s14 =	sadd.s32 $0x1, s14;
	s24 =	rddreg [dreg:$0xa]  }
0x3b: {  	p0 =	sne.s32 s14, s24  }
.Ltmp1:
0x3c: {  	_ = 	snop;
	(pc) =	sbr.rel @!p0 .LBB2_5-.Ltmp1, $3  }
0x3d: {  	_ =	sdelay $0x1  }
0x3e: {  	[sflag:s13] =	ssyncset.done $0x0  }
0x3f: {  	[sflag:s13] =	ssyncadd.s32 $0xFFFFF620  }
.LBB2_1:
0x40: {  	s4 =	rddreg [dreg:$0x5]  }
0x41: {  	[spmem:s12], [sflag:s6] =	dma.local [hbm:s4], $0x9E0  }
0x42: {  	_ =	swait.ge [sflag:s13], $0x9E0  }
0x43: {  	[sflag:s13] =	ssyncset.done $0x0;
	s22 =	rddreg [dreg:$0x6]  }
0x44: {  	s8 =	rddreg [dreg:$0xb];
	[sflag:s13] =	ssyncadd.s32 $0xFFFFF620  }
0x45: {  	[spmem:s8@s16], [sflag:s6] =	dma.strided [hbm:s22@s17], $0x9C4, s15, $0x4   }
0x46: {  	_ =	swait.ge [sflag:s13], $0x9C4  }
0x47: {  	[sflag:s13] =	ssyncset.done $0x0  }
0x48: {  	s24 =	simm.s32 $0x0;
	s9 =	rddreg [dreg:$0x7];
	[sflag:s13] =	ssyncadd.s32 $0xFFFFF63C  }
0x49: {  	[tilespmem:s24], [sflag:$0x11] =	stream.linear.gather [hbm4b:s9+s24], $0x5000, $0x38;
	[tilespmem:$0x1BD20] =	vst v63  }
0x4a: {  	_ =	swait.ge [sflag:s13], $0x5000  }
0x4b: {  	[sflag:s13] =	ssyncset.done $0x0  }
0x4c: {  	s9 =	simm.s32 $0x5000;
	s10 =	rddreg [dreg:$0x8];
	[sflag:s13] =	ssyncadd.s32 $0xFFFFB000  }
0x4d: {  	[tilespmem:s9], [sflag:$0x11] =	stream.linear.gather [hbm4b:s10+s24], $0x5000, $0x38;
	[tilespmem:$0x1BD20] =	vst v63  }
0x4e: {  	_ =	swait.ge [sflag:s13], $0x5000  }
0x4f: {  	[sflag:s13] =	ssyncset.done $0x0  }
0x50: {  	[sflag:s13] =	ssyncadd.s32 $0xFFFFB000  }
0x51: {  	[bflag:$0x0] =	sbarrier.arrive $0xFFFF  }
0x52: {  	[tilespmem:s20], [sflag:$0x1] =	stream.indirect.gather [spmem:s3], $0x20, s24, s19, $0xb8;
	[tilespmem:$0x1BD20] =	vst v63  }
0x53: {  	_ = 	snop  }
0x54: {  	[tilespmem:s21], [sflag:$0x2] =	stream.indirect.gather [spmem:s3], $0x20, s19, s19, $0xb8;
	[tilespmem:$0x1BD20] =	vst v63  }
0x55: {  	s22 =	simm.s32 $0x100  }
0x56: {  	[tilespmem:s23], [sflag:$0x3] =	stream.indirect.gather [spmem:s3], $0x20, s22, s19, $0xb8;
	[tilespmem:$0x1BD20] =	vst v63  }
0x57: {  	s4 =	simm.s32 $0x0;
	s24 =	simm.s32 $0x180  }
0x58: {  	[tilespmem:s25], [sflag:$0x4] =	stream.indirect.gather [spmem:s3], $0x20, s24, s19, $0xb8;
	[tilespmem:$0x1BD20] =	vst v63  }
.LBB2_2:
0x59: {  	_ =	swait.ge [sflag:s15], $0x1000  }
0x5a: {  	s22 =	sshra.s32 s4, $0x2;
	[sflag:s15] =	ssyncset.done $0x0  }
0x5b: {  	p0 =	seq.s32 s4, $0x0;
	s24 =	sadd.s32 $0x5000, s22;
	[sflag:s15] =	ssyncadd.s32 $0xFFFFF000  }
0x5c: {  	[spmem:s2] =	stream.indirect.scatter.add.f32 [tilespmem:s20], [sflag:$0x9], $0x20, s24, s19, $0xb8;
	[tilespmem:$0x1BD20] =	vst v63  }
0x5d: {  	s24 =	simm.s32 @!p0 $0xD  }
0x5e: {  	_ =	swait.ge @!p0 [sflag:s24], $0x1000  }
0x5f: {  	[sflag:s24] =	ssyncset.done @!p0 $0x0  }
0x60: {  	s9 =	sadd.s32 $0x200, s22;
	[sflag:s24] =	ssyncadd.s32 @!p0 $0xFFFFF000  }
0x61: {  	[tilespmem:s26], [sflag:$0x5] =	stream.indirect.gather [spmem:s3], $0x20, s9, s19, $0xb8;
	[tilespmem:$0x1BD20] =	vst v63  }
0x62: {  	_ =	swait.ge [sflag:s28], $0x1000  }
0x63: {  	[sflag:s28] =	ssyncset.done $0x0  }
0x64: {  	s10 =	sadd.s32 $0x5080, s22;
	s24 =	simm.s32 @!p0 $0xE;
	[sflag:s28] =	ssyncadd.s32 $0xFFFFF000  }
0x65: {  	[spmem:s2] =	stream.indirect.scatter.add.f32 [tilespmem:s21], [sflag:$0xA], $0x20, s10, s19, $0xb8;
	[tilespmem:$0x1BD20] =	vst v63  }
0x66: {  	_ =	swait.ge @!p0 [sflag:s24], $0x1000  }
0x67: {  	[sflag:s24] =	ssyncset.done @!p0 $0x0  }
0x68: {  	s8 =	sadd.s32 $0x280, s22;
	[sflag:s24] =	ssyncadd.s32 @!p0 $0xFFFFF000  }
0x69: {  	[tilespmem:s29], [sflag:$0x6] =	stream.indirect.gather [spmem:s3], $0x20, s8, s19, $0xb8;
	[tilespmem:$0x1BD20] =	vst v63  }
0x6a: {  	_ =	swait.ge [sflag:s30], $0x1000  }
0x6b: {  	[sflag:s30] =	ssyncset.done $0x0  }
0x6c: {  	s9 =	sadd.s32 $0x5100, s22;
	s24 =	simm.s32 @!p0 $0xF;
	[sflag:s30] =	ssyncadd.s32 $0xFFFFF000  }
0x6d: {  	[spmem:s2] =	stream.indirect.scatter.add.f32 [tilespmem:s23], [sflag:$0xB], $0x20, s9, s19, $0xb8;
	[tilespmem:$0x1BD20] =	vst v63  }
0x6e: {  	_ =	swait.ge @!p0 [sflag:s24], $0x1000  }
0x6f: {  	[sflag:s24] =	ssyncset.done @!p0 $0x0  }
0x70: {  	s10 =	sadd.s32 $0x300, s22;
	[sflag:s24] =	ssyncadd.s32 @!p0 $0xFFFFF000  }
0x71: {  	[tilespmem:s31], [sflag:$0x7] =	stream.indirect.gather [spmem:s3], $0x20, s10, s19, $0xb8;
	[tilespmem:$0x1BD20] =	vst v63  }
0x72: {  	_ =	swait.ge [sflag:s16], $0x1000  }
0x73: {  	[sflag:s16] =	ssyncset.done $0x0  }
0x74: {  	s8 =	sadd.s32 $0x5180, s22;
	s24 =	simm.s32 @!p0 $0x10;
	[sflag:s16] =	ssyncadd.s32 $0xFFFFF000  }
0x75: {  	[spmem:s2] =	stream.indirect.scatter.add.f32 [tilespmem:s25], [sflag:$0xC], $0x20, s8, s19, $0xb8;
	[tilespmem:$0x1BD20] =	vst v63  }
0x76: {  	_ =	swait.ge @!p0 [sflag:s24], $0x1000  }
0x77: {  	[sflag:s24] =	ssyncset.done @!p0 $0x0  }
0x78: {  	s9 =	sadd.s32 $0x380, s22;
	[sflag:s24] =	ssyncadd.s32 @!p0 $0xFFFFF000  }
0x79: {  	[tilespmem:s1], [sflag:$0x8] =	stream.indirect.gather [spmem:s3], $0x20, s9, s19, $0xb8;
	[tilespmem:$0x1BD20] =	vst v63  }
0x7a: {  	_ =	swait.ge [sflag:s0], $0x1000  }
0x7b: {  	p0 =	seq.s32 s4, $0x13000;
	[sflag:s0] =	ssyncset.done $0x0  }
0x7c: {  	s10 =	sadd.s32 $0x5200, s22;
	s24 =	simm.s32 @p0 $0x6;
	[sflag:s0] =	ssyncadd.s32 $0xFFFFF000  }
0x7d: {  	[spmem:s2] =	stream.indirect.scatter.add.f32 [tilespmem:s26], [sflag:$0xD], $0x20, s10, s19, $0xb8;
	[tilespmem:$0x1BD20] =	vst v63  }
0x7e: {  	_ =	swait.ge @p0 [sflag:s24], $0x1000  }
0x7f: {  	[sflag:s24] =	ssyncset.done @p0 $0x0  }
0x80: {  	[sflag:s24] =	ssyncadd.s32 @p0 $0xFFFFF000;
	s24 =	sshra.s32 @p0 s4, $0x2  }
0x81: {  	s8 =	simm.s32 @p0 $0x80;
	s9 =	simm.s32 @p0 $0xF000;
	s24 =	sadd.s32 @p0 $0x5280, s24  }
0x82: {  	[spmem:s2] =	stream.indirect.scatter.add.f32 @p0 [tilespmem:s9], [sflag:$0xE], $0x20, s24, s8, $0xb8;
	[tilespmem:$0x1BD20] =	vst v63  }
0x83: {  	s8 =	simm.s32 @!p0 $0x9  }
0x84: {  	_ =	swait.ge @!p0 [sflag:s8], $0x1000  }
0x85: {  	[sflag:s8] =	ssyncset.done @!p0 $0x0  }
0x86: {  	[sflag:s8] =	ssyncadd.s32 @!p0 $0xFFFFF000;
	s8 =	sshra.s32 @!p0 s4, $0x2  }
0x87: {  	s10 =	simm.s32 @!p0 $0xA000;
	s24 =	simm.s32 @!p0 $0x80;
	s9 =	sadd.s32 @!p0 $0x400, s8  }
0x88: {  	[tilespmem:s10], [sflag:$0x1] =	stream.indirect.gather @!p0 [spmem:s3], $0x20, s9, s24, $0xb8;
	[tilespmem:$0x1BD20] =	vst v63  }
0x89: {  	s9 =	simm.s32 @!p0 $0x6  }
0x8a: {  	_ =	swait.ge @!p0 [sflag:s9], $0x1000  }
0x8b: {  	[sflag:s9] =	ssyncset.done @!p0 $0x0  }
0x8c: {  	s10 =	simm.s32 @!p0 $0xF000;
	[sflag:s9] =	ssyncadd.s32 @!p0 $0xFFFFF000;
	s9 =	sadd.s32 @!p0 $0x5280, s8  }
0x8d: {  	[spmem:s2] =	stream.indirect.scatter.add.f32 @!p0 [tilespmem:s10], [sflag:$0xE], $0x20, s9, s24, $0xb8;
	[tilespmem:$0x1BD20] =	vst v63  }
0x8e: {  	s9 =	simm.s32 @!p0 $0xA  }
0x8f: {  	_ =	swait.ge @!p0 [sflag:s9], $0x1000  }
0x90: {  	[sflag:s9] =	ssyncset.done @!p0 $0x0  }
0x91: {  	s8 =	sadd.s32 @!p0 $0x480, s8;
	[sflag:s9] =	ssyncadd.s32 @!p0 $0xFFFFF000;
	s9 =	simm.s32 @!p0 $0xB000  }
0x92: {  	[tilespmem:s9], [sflag:$0x2] =	stream.indirect.gather @!p0 [spmem:s3], $0x20, s8, s24, $0xb8;
	[tilespmem:$0x1BD20] =	vst v63  }
.Ltmp2:
0x93: {  	_ =	swait.ge [sflag:s18], $0x1000;
	(pc) =	sbr.rel @p0 .LBB2_4-.Ltmp2, $4  }
0x94: {  	[sflag:s18] =	ssyncset.done $0x0  }
0x95: {  	s24 =	sadd.s32 $0x5300, s22;
	[sflag:s18] =	ssyncadd.s32 $0xFFFFF000  }
0x96: {  	[spmem:s2] =	stream.indirect.scatter.add.f32 [tilespmem:s31], [sflag:$0xF], $0x20, s24, s19, $0xb8;
	[tilespmem:$0x1BD20] =	vst v63  }
0x97: {  	s24 =	sadd.s32 $0x5380, s22  }
0x98: {  	_ =	swait.ge [sflag:s5], $0x1000  }
0x99: {  	[sflag:s5] =	ssyncset.done $0x0  }
0x9a: {  	s8 =	sadd.s32 $0x500, s22;
	[sflag:s5] =	ssyncadd.s32 $0xFFFFF000  }
0x9b: {  	[tilespmem:s23], [sflag:$0x3] =	stream.indirect.gather [spmem:s3], $0x20, s8, s19, $0xb8;
	[tilespmem:$0x1BD20] =	vst v63  }
0x9c: {  	_ =	swait.ge [sflag:s17], $0x1000  }
0x9d: {  	[sflag:s17] =	ssyncset.done $0x0  }
0x9e: {  	[sflag:s17] =	ssyncadd.s32 $0xFFFFF000  }
0x9f: {  	[spmem:s2] =	stream.indirect.scatter.add.f32 [tilespmem:s1], [sflag:$0x10], $0x20, s24, s19, $0xb8;
	[tilespmem:$0x1BD20] =	vst v63  }
.Ltmp3:
0xa0: {  	_ = 	snop;
	(pc) =	sbr.rel .LBB2_2-.Ltmp3, $4  }
0xa1: {  	_ =	swait.ge [sflag:s7], $0x1000  }
0xa2: {  	[sflag:s7] =	ssyncset.done $0x0  }
0xa3: {  	s4 =	sadd.s32 $0x1000, s4;
	s24 =	sadd.s32 $0x580, s22;
	[sflag:s7] =	ssyncadd.s32 $0xFFFFF000  }
0xa4: {  	[tilespmem:s25], [sflag:$0x4] =	stream.indirect.gather [spmem:s3], $0x20, s24, s19, $0xb8;
	[tilespmem:$0x1BD20] =	vst v63  }
.LBB2_5:
0xa5: {  	_ =	sfence.sel $0x180000  }
0xa6: {  	[bflag:$0x0] =	sbarrier.arrive $0xFFFF  }
0xa7: {  	_ =	strace $0x9000004D  }
0xa8: {  	s0 =	stileid.u32;
	[bflag:$0x2] =	sbarrier.arrive $0xFFFF  }
0xa9: {  	p0 =	sne.s32 s0, $0x0;
	s0 =	rddreg [dreg:$0x4]  }
0xaa: {  	s0 =	sadd.s32 @!p0 $0x100000, s0  }
0xab: {  	[sflag:s0] =	ssyncadd.tile.s32 @!p0 $0x1;
	_ =	shalt  }
.Lfunc_end2:
_tile_overlayer_lowered:
.L_overlay_start_2:
0xac: {  	(tag) =	ssettag $0x2  }
0xad: {  	s0 =	rddreg [dreg:$0x0];
	s2 =	stileid.u32  }
0xae: {  	s1 =	rddreg [dreg:$0x1];
	p0 =	sne.s32 s2, $0x0  }
0xaf: {  	s3 =	rddreg [dreg:$0x2];
	[bflag:$0x3] =	sbarrier.arrive $0xFFFF;
	s2 =	simm.s32 @!p0 $0x1C11  }
0xb0: {  	[timem:s3], [sflag:s2] =	dma.local @!p0 [hbm:s0], s1  }
0xb1: {  	s0 =	simm.s32 @!p0 $0x11  }
0xb2: {  	_ =	swait.ge @!p0 [sflag:s0], s1  }
0xb3: {  	s1 =	ssub.s32 @!p0 $0x0, s1;
	[sflag:s0] =	ssyncset.done @!p0 $0x0  }
0xb4: {  	[sflag:s0] =	ssyncadd.s32 @!p0 s1  }
0xb5: {  	[bflag:$0x3] =	sbarrier.arrive $0xFFFF  }
0xb6: {  	_ =	shalt  }

</sc_bundles>
